<compile_context>
chip_gen: v7x
topology: tpu7x:2x2x1
jax: 0.10.2.dev20260603
libtpu: 0.0.44.dev20260713+nightly
codegen_flags: <defaults>
</compile_context>

<pallas_src>
import functools

import jax
import jax.numpy as jnp
from jax import lax
from jax.experimental import pallas as pl
from jax.experimental.pallas import tpu as pltpu
from jax.experimental.pallas import tpu_sc as plsc

F32 = jnp.float32
PREC = lax.Precision.DEFAULT
PREC_HI = lax.Precision.HIGHEST
NG = 256



def _rowspec(bs, width):
    return pl.BlockSpec((bs, width), lambda i: (i, 0))


def _constspec(shape):
    return pl.BlockSpec(shape, lambda i: tuple(0 for _ in shape))


def _bn_apply(stats_ref, g_ref, b_ref, count, x):
    mean = stats_ref[0:1, :] / count
    var = stats_ref[1:2, :] / count - mean * mean
    return g_ref[...] * (x - mean) / jnp.sqrt(var + 1e-5) + b_ref[...]


def _acc_stats(stats_ref, vals):
    s = jnp.sum(vals, axis=0, keepdims=True)
    q = jnp.sum(vals * vals, axis=0, keepdims=True)
    upd = jnp.concatenate([s, q, jnp.zeros((6, vals.shape[1]), F32)], axis=0)

    @pl.when(pl.program_id(0) == 0)
    def _():
        stats_ref[...] = upd

    @pl.when(pl.program_id(0) > 0)
    def _():
        stats_ref[...] = stats_ref[...] + upd



def _k_nk0(xp_ref, pos_ref, win_ref, bin_ref, w1a_ref, w1b_ref, b1_ref,
           h_ref, t_ref, u_ref):
    h = jnp.dot(xp_ref[...], win_ref[...], preferred_element_type=F32, precision=PREC) + bin_ref[...]
    h_ref[...] = h
    p = pos_ref[...]
    z = jnp.zeros((h.shape[0], 12), F32)
    ta = jnp.dot(h, w1a_ref[...], preferred_element_type=F32, precision=PREC) + b1_ref[...]
    ub = jnp.dot(h, w1b_ref[...], preferred_element_type=F32, precision=PREC)
    t_ref[...] = jnp.concatenate([ta, p, z], axis=1)
    u_ref[...] = jnp.concatenate([ub, -p, z], axis=1)


def _k_p1(gd_ref, gs_ref, ea_ref, w1c_ref, w1d_ref, pre1_ref, d_ref, st_ref):
    gd = gd_ref[...]
    gs = gs_ref[...]
    diff = gd[:, 64:67] + gs[:, 64:67]
    dist = jnp.sqrt(jnp.sum(diff * diff, axis=1, keepdims=True) + 1e-12)
    db = dist.astype(jnp.bfloat16).astype(F32)
    wdb = w1d_ref[...].astype(jnp.bfloat16).astype(F32)
    pre1 = (gd[:, 0:64] + gs[:, 0:64]
            + jnp.dot(ea_ref[...], w1c_ref[...], preferred_element_type=F32, precision=PREC)
            + db * wdb)
    pre1_ref[...] = pre1
    d_ref[...] = jnp.concatenate([diff, dist], axis=1)
    _acc_stats(st_ref, pre1)


def _k_bn_lin(pre_ref, st_ref, g_ref, b_ref, w_ref, b2_ref, out_ref, sto_ref,
              *, count):
    m = jnp.maximum(_bn_apply(st_ref, g_ref, b_ref, count, pre_ref[...]), 0.0)
    out = jnp.dot(m, w_ref[...], preferred_element_type=F32, precision=PREC) + b2_ref[...]
    out_ref[...] = out
    _acc_stats(sto_ref, out)


def _k_p3(pre2_ref, st2_ref, g_ref, b_ref, wp1_ref, bp1_ref, m_ref, st_ref,
          *, count):
    m = jnp.maximum(_bn_apply(st2_ref, g_ref, b_ref, count, pre2_ref[...]), 0.0)
    m_ref[...] = m
    prep1 = jnp.dot(m, wp1_ref[...], preferred_element_type=F32, precision=PREC) + bp1_ref[...]
    _acc_stats(st_ref, prep1)


def _k_p4(m_ref, d_ref, st3_ref, g_ref, b_ref, wp1_ref, bp1_ref, wp2_ref,
          bp2_ref, pm_ref, *, count):
    prep1 = jnp.dot(m_ref[...], wp1_ref[...], preferred_element_type=F32, precision=PREC) + bp1_ref[...]
    p1 = jnp.maximum(_bn_apply(st3_ref, g_ref, b_ref, count, prep1), 0.0)
    p1b = p1.astype(jnp.bfloat16).astype(F32)
    w2b = wp2_ref[...].astype(jnp.bfloat16).astype(F32)
    pw = jnp.sum(p1b * w2b, axis=1, keepdims=True) + bp2_ref[0:1, 0:1]
    d = d_ref[...]
    pm = d[:, 0:3] * pw
    pm_ref[...] = jnp.concatenate([pm, jnp.zeros((pm.shape[0], 13), F32)], axis=1)


def _k_nk1(h_ref, msg_ref, p_ref, pa_ref, u1a_ref, u1b_ref, bu1_ref,
           preu1_ref, pnew_ref, st_ref):
    preu1 = (jnp.dot(h_ref[...], u1a_ref[...], preferred_element_type=F32, precision=PREC)
             + jnp.dot(msg_ref[...], u1b_ref[...], preferred_element_type=F32, precision=PREC)
             + bu1_ref[...])
    preu1_ref[...] = preu1
    pnew_ref[...] = p_ref[...] + pa_ref[:, 0:4]
    _acc_stats(st_ref, preu1)


def _k_nk3tb(preu2_ref, st_ref, g_ref, b_ref, h_ref, p_ref, w1a_ref, w1b_ref,
             b1_ref, h2_ref, t_ref, u_ref, *, count):
    u2 = jnp.maximum(_bn_apply(st_ref, g_ref, b_ref, count, preu2_ref[...]), 0.0)
    h2 = h_ref[...] + u2
    h2_ref[...] = h2
    p = p_ref[...]
    z = jnp.zeros((h2.shape[0], 12), F32)
    t_ref[...] = jnp.concatenate(
        [jnp.dot(h2, w1a_ref[...], preferred_element_type=F32, precision=PREC) + b1_ref[...], p, z], axis=1)
    u_ref[...] = jnp.concatenate(
        [jnp.dot(h2, w1b_ref[...], preferred_element_type=F32, precision=PREC), -p, z], axis=1)


def _k_nk3pool(preu2_ref, st_ref, g_ref, b_ref, h_ref, bf_ref,
               sums_ref, cnts_ref, *, count):
    h3 = h_ref[...] + jnp.maximum(_bn_apply(st_ref, g_ref, b_ref, count, preu2_ref[...]), 0.0)
    bvals = bf_ref[...]
    gids = lax.broadcasted_iota(jnp.int32, (bvals.shape[0], NG), 1).astype(F32)
    oh = (bvals == gids).astype(F32)
    s_upd = lax.dot_general(oh, h3, (((0,), (0,)), ((), ())),
                            preferred_element_type=F32, precision=PREC_HI)
    c_upd = lax.dot_general(oh, jnp.ones((bvals.shape[0], 8), F32),
                            (((0,), (0,)), ((), ())), preferred_element_type=F32, precision=PREC_HI)

    @pl.when(pl.program_id(0) == 0)
    def _():
        sums_ref[...] = s_upd
        cnts_ref[...] = c_upd

    @pl.when(pl.program_id(0) > 0)
    def _():
        sums_ref[...] = sums_ref[...] + s_upd
        cnts_ref[...] = cnts_ref[...] + c_upd


def _k_head(sums_ref, cnts_ref, wmu_ref, bmu_ref, wlv_ref, blv_ref,
            wpp1_ref, bpp1_ref, gpp_ref, bpp_ref, wpp2_ref, bpp2_ref,
            mu_ref, lv_ref, pp_ref):
    cnt = jnp.maximum(cnts_ref[:, 0:1], 1.0)
    hg = sums_ref[...] / cnt
    mu = jnp.dot(hg, wmu_ref[...], preferred_element_type=F32, precision=PREC) + bmu_ref[...]
    mu_ref[...] = mu
    lv_ref[...] = jnp.dot(hg, wlv_ref[...], preferred_element_type=F32, precision=PREC) + blv_ref[...]
    t = jnp.maximum(jnp.dot(mu, wpp1_ref[...], preferred_element_type=F32, precision=PREC)
                    + bpp1_ref[...], 0.0)
    mean = jnp.mean(t, axis=0, keepdims=True)
    var = jnp.mean((t - mean) * (t - mean), axis=0, keepdims=True)
    tn = gpp_ref[...] * (t - mean) / jnp.sqrt(var + 1e-5) + bpp_ref[...]
    tnb = tn.astype(jnp.bfloat16).astype(F32)
    wb = wpp2_ref[...].astype(jnp.bfloat16).astype(F32)
    pp_ref[...] = jnp.sum(tnb * wb, axis=1, keepdims=True) + bpp2_ref[0:1, 0:1]



def _sc_gather(t_tab, u_tab, dst, src):
    E = dst.shape[0]
    D = t_tab.shape[1]
    NW = 32
    C = 128
    NB = E // C
    assert E % C == 0
    nloop = (NB + NW - 1) // NW
    dst2 = dst.reshape(NB, C)
    src2 = src.reshape(NB, C)
    mesh = plsc.VectorSubcoreMesh(core_axis_name="c", subcore_axis_name="s")

    @functools.partial(
        pl.kernel, mesh=mesh,
        compiler_params=pltpu.CompilerParams(use_tc_tiling_on_sc=False),
        out_type=[jax.ShapeDtypeStruct((E, D), F32),
                  jax.ShapeDtypeStruct((E, D), F32)],
        scratch_types=[pltpu.VMEM((C,), jnp.int32), pltpu.VMEM((C,), jnp.int32),
                       pltpu.VMEM((C, D), F32), pltpu.VMEM((C, D), F32),
                       pltpu.SemaphoreType.DMA, pltpu.SemaphoreType.DMA])
    def gk(t_hbm, u_hbm, dst_hbm, src_hbm, gd_hbm, gs_hbm,
           di_v, si_v, bd_v, bs_v, sem_d, sem_s):
        wid = lax.axis_index("s") * 2 + lax.axis_index("c")

        def body(j, carry):
            b = wid + j * NW

            @pl.when(b < NB)
            def _():
                off = b * C
                pltpu.sync_copy(dst_hbm.at[b], di_v)
                pltpu.sync_copy(src_hbm.at[b], si_v)
                cd = pltpu.async_copy(t_hbm.at[di_v], bd_v, sem_d)
                cs = pltpu.async_copy(u_hbm.at[si_v], bs_v, sem_s)
                cd.wait()
                cs.wait()
                pltpu.sync_copy(bd_v, gd_hbm.at[pl.ds(off, C)])
                pltpu.sync_copy(bs_v, gs_hbm.at[pl.ds(off, C)])

            return carry

        lax.fori_loop(0, nloop, body, 0)

    return gk(t_tab, u_tab, dst2, src2)


def _sc_scatter(m, pm, dst, n_nodes):
    E = dst.shape[0]
    N = n_nodes
    HALF = 16
    NT = 16
    C = 128
    NB = E // C
    nrt = N // NT
    assert E % C == 0 and N % NT == 0
    nloop = (NB + NT - 1) // NT
    dst2 = dst.reshape(NB, C)
    mesh = plsc.VectorSubcoreMesh(core_axis_name="c", subcore_axis_name="s")
    zrows = jnp.zeros((nrt, HALF), F32)

    @functools.partial(
        pl.kernel, mesh=mesh,
        compiler_params=pltpu.CompilerParams(use_tc_tiling_on_sc=False),
        out_type=[jax.ShapeDtypeStruct((N, 64), F32),
                  jax.ShapeDtypeStruct((N, 16), F32)],
        scratch_types=[pltpu.VMEM((C,), jnp.int32),
                       pltpu.VMEM((C, HALF), F32),
                       pltpu.VMEM_SHARED((N, HALF), F32)])
    def sk(m_hbm, pm_hbm, dst_hbm, z_hbm, msg_hbm, pa_hbm,
           idx_v, mb_v, acc_sh):
        c = lax.axis_index("c")
        s = lax.axis_index("s")
        rbase = s * nrt

        for p in range(3):
            active = (c == 0) if p == 2 else (c >= 0)
            col = c * 32 + p * HALF

            @pl.when(active)
            def _():
                pltpu.sync_copy(z_hbm, acc_sh.at[pl.ds(rbase, nrt)])

            plsc.subcore_barrier()

            def body(j, carry):
                b = s + j * NT

                @pl.when(jnp.logical_and(b < NB, active))
                def _():
                    off = b * C
                    pltpu.sync_copy(dst_hbm.at[b], idx_v)
                    if p == 2:
                        pltpu.sync_copy(pm_hbm.at[pl.ds(off, C)], mb_v)
                    else:
                        pltpu.sync_copy(
                            m_hbm.at[pl.ds(off, C), pl.ds(col, HALF)], mb_v)
                    pltpu.sync_copy(mb_v, acc_sh.at[idx_v], add=True)

                return carry

            lax.fori_loop(0, nloop, body, 0)
            plsc.subcore_barrier()

            @pl.when(active)
            def _():
                if p == 2:
                    pltpu.sync_copy(acc_sh.at[pl.ds(rbase, nrt)],
                                    pa_hbm.at[pl.ds(rbase, nrt)])
                else:
                    pltpu.sync_copy(acc_sh.at[pl.ds(rbase, nrt)],
                                    msg_hbm.at[pl.ds(rbase, nrt), pl.ds(col, HALF)])

    return sk(m, pm, dst2, zrows)



def _lin2(p):
    return p["W"].astype(F32), p["b"].astype(F32).reshape(1, -1)


def kernel(x, pos, edge_attr, params, edge_index, batch):
    N = x.shape[0]
    E = edge_index.shape[1]
    x = x.astype(F32)
    pos = pos.astype(F32)
    edge_attr = edge_attr.astype(F32)
    src = edge_index[0].astype(jnp.int32)
    dst = edge_index[1].astype(jnp.int32)
    batch_f = batch.astype(F32).reshape(-1, 1)

    xp = jnp.pad(x, ((0, 0), (0, 16 - x.shape[1])))
    pos4 = jnp.pad(pos, ((0, 0), (0, 1)))
    ea8 = jnp.pad(edge_attr, ((0, 0), (0, 4)))

    def _blk(n, target):
        best = n
        d = 8
        while d <= target:
            if n % d == 0:
                best = d
            d += 8
        return best if n % 8 == 0 else n

    BE = _blk(E, 4000)
    BN_ = _blk(N, 5000)
    nE = E // BE
    nN = N // BN_
    fE = float(E)
    fN = float(N)

    win, bin_ = _lin2(params["lin_in"])
    winp = jnp.pad(win, ((0, 16 - win.shape[0]), (0, 0)))

    def conv_w(cp):
        w1, b1 = _lin2(cp["msg1"])
        return dict(
            w1a=w1[0:64], w1b=w1[64:128],
            w1c=jnp.pad(w1[128:132], ((0, 4), (0, 0))), w1d=w1[132:133], b1=b1,
            g1=cp["msg_bn1"]["g"].reshape(1, -1), bb1=cp["msg_bn1"]["b"].reshape(1, -1),
            w2=_lin2(cp["msg2"])[0], b2=_lin2(cp["msg2"])[1],
            g2=cp["msg_bn2"]["g"].reshape(1, -1), bb2=cp["msg_bn2"]["b"].reshape(1, -1),
            wp1=_lin2(cp["pos1"])[0], bp1=_lin2(cp["pos1"])[1],
            gp=cp["pos_bn1"]["g"].reshape(1, -1), bp=cp["pos_bn1"]["b"].reshape(1, -1),
            wp2=cp["pos2"]["W"].astype(F32).reshape(1, -1),
            bp2=jnp.pad(cp["pos2"]["b"].astype(F32).reshape(1, 1), ((0, 0), (0, 7))),
            u1a=_lin2(cp["upd1"])[0][0:64], u1b=_lin2(cp["upd1"])[0][64:128],
            bu1=_lin2(cp["upd1"])[1],
            gu1=cp["upd_bn1"]["g"].reshape(1, -1), bu1n=cp["upd_bn1"]["b"].reshape(1, -1),
            wu2=_lin2(cp["upd2"])[0], bu2=_lin2(cp["upd2"])[1],
            gu2=cp["upd_bn2"]["g"].reshape(1, -1), bu2n=cp["upd_bn2"]["b"].reshape(1, -1),
        )

    cw = [conv_w(cp) for cp in params["convs"]]

    sd = jax.ShapeDtypeStruct
    st_shape = sd((8, 64), F32)

    h, T, U = pl.pallas_call(
        _k_nk0, grid=(nN,),
        in_specs=[_rowspec(BN_, 16), _rowspec(BN_, 4), _constspec((16, 64)),
                  _constspec((1, 64)), _constspec((64, 64)), _constspec((64, 64)),
                  _constspec((1, 64))],
        out_specs=[_rowspec(BN_, 64), _rowspec(BN_, 80), _rowspec(BN_, 80)],
        out_shape=[sd((N, 64), F32), sd((N, 80), F32), sd((N, 80), F32)],
    )(xp, pos4, winp, bin_, cw[0]["w1a"], cw[0]["w1b"], cw[0]["b1"])

    for li in range(2):
        w = cw[li]
        GD, GS = _sc_gather(T, U, dst, src)

        pre1, D, st1 = pl.pallas_call(
            _k_p1, grid=(nE,),
            in_specs=[_rowspec(BE, 80), _rowspec(BE, 80), _rowspec(BE, 8),
                      _constspec((8, 64)), _constspec((1, 64))],
            out_specs=[_rowspec(BE, 64), _rowspec(BE, 4), _constspec((8, 64))],
            out_shape=[sd((E, 64), F32), sd((E, 4), F32), st_shape],
        )(GD, GS, ea8, w["w1c"], w["w1d"])

        pre2, st2 = pl.pallas_call(
            functools.partial(_k_bn_lin, count=fE), grid=(nE,),
            in_specs=[_rowspec(BE, 64), _constspec((8, 64)), _constspec((1, 64)),
                      _constspec((1, 64)), _constspec((64, 64)), _constspec((1, 64))],
            out_specs=[_rowspec(BE, 64), _constspec((8, 64))],
            out_shape=[sd((E, 64), F32), st_shape],
        )(pre1, st1, w["g1"], w["bb1"], w["w2"], w["b2"])

        m, st3 = pl.pallas_call(
            functools.partial(_k_p3, count=fE), grid=(nE,),
            in_specs=[_rowspec(BE, 64), _constspec((8, 64)), _constspec((1, 64)),
                      _constspec((1, 64)), _constspec((64, 64)), _constspec((1, 64))],
            out_specs=[_rowspec(BE, 64), _constspec((8, 64))],
            out_shape=[sd((E, 64), F32), st_shape],
        )(pre2, st2, w["g2"], w["bb2"], w["wp1"], w["bp1"])

        PM = pl.pallas_call(
            functools.partial(_k_p4, count=fE), grid=(nE,),
            in_specs=[_rowspec(BE, 64), _rowspec(BE, 4), _constspec((8, 64)),
                      _constspec((1, 64)), _constspec((1, 64)), _constspec((64, 64)),
                      _constspec((1, 64)), _constspec((1, 64)), _constspec((1, 8))],
            out_specs=[_rowspec(BE, 16)],
            out_shape=[sd((E, 16), F32)],
        )(m, D, st3, w["gp"], w["bp"], w["wp1"], w["bp1"], w["wp2"], w["bp2"])[0]

        msg, pa = _sc_scatter(m, PM, dst, N)

        preu1, p_new, stu1 = pl.pallas_call(
            _k_nk1, grid=(nN,),
            in_specs=[_rowspec(BN_, 64), _rowspec(BN_, 64), _rowspec(BN_, 4),
                      _rowspec(BN_, 16), _constspec((64, 64)), _constspec((64, 64)),
                      _constspec((1, 64))],
            out_specs=[_rowspec(BN_, 64), _rowspec(BN_, 4), _constspec((8, 64))],
            out_shape=[sd((N, 64), F32), sd((N, 4), F32), st_shape],
        )(h, msg, pos4, pa, w["u1a"], w["u1b"], w["bu1"])

        preu2, stu2 = pl.pallas_call(
            functools.partial(_k_bn_lin, count=fN), grid=(nN,),
            in_specs=[_rowspec(BN_, 64), _constspec((8, 64)), _constspec((1, 64)),
                      _constspec((1, 64)), _constspec((64, 64)), _constspec((1, 64))],
            out_specs=[_rowspec(BN_, 64), _constspec((8, 64))],
            out_shape=[sd((N, 64), F32), st_shape],
        )(preu1, stu1, w["gu1"], w["bu1n"], w["wu2"], w["bu2"])

        pos4 = p_new
        if li == 0:
            wn = cw[1]
            h, T, U = pl.pallas_call(
                functools.partial(_k_nk3tb, count=fN), grid=(nN,),
                in_specs=[_rowspec(BN_, 64), _constspec((8, 64)), _constspec((1, 64)),
                          _constspec((1, 64)), _rowspec(BN_, 64), _rowspec(BN_, 4),
                          _constspec((64, 64)), _constspec((64, 64)), _constspec((1, 64))],
                out_specs=[_rowspec(BN_, 64), _rowspec(BN_, 80), _rowspec(BN_, 80)],
                out_shape=[sd((N, 64), F32), sd((N, 80), F32), sd((N, 80), F32)],
            )(preu2, stu2, w["gu2"], w["bu2n"], h, p_new, wn["w1a"], wn["w1b"], wn["b1"])
        else:
            sums, cnts = pl.pallas_call(
                functools.partial(_k_nk3pool, count=fN), grid=(nN,),
                in_specs=[_rowspec(BN_, 64), _constspec((8, 64)), _constspec((1, 64)),
                          _constspec((1, 64)), _rowspec(BN_, 64), _rowspec(BN_, 1)],
                out_specs=[_constspec((NG, 64)), _constspec((NG, 8))],
                out_shape=[sd((NG, 64), F32), sd((NG, 8), F32)],
            )(preu2, stu2, w["gu2"], w["bu2n"], h, batch_f)

    wmu, bmu = _lin2(params["mu"])
    wlv, blv = _lin2(params["log_var"])
    wpp1, bpp1 = _lin2(params["pp1"])
    gpp = params["pp_bn"]["g"].reshape(1, -1).astype(F32)
    bpp = params["pp_bn"]["b"].reshape(1, -1).astype(F32)
    wpp2 = params["pp2"]["W"].astype(F32).reshape(1, -1)
    bpp2 = jnp.pad(params["pp2"]["b"].astype(F32).reshape(1, 1), ((0, 0), (0, 7)))

    mu, lv, pp = pl.pallas_call(
        _k_head,
        out_shape=[sd((NG, 32), F32), sd((NG, 32), F32), sd((NG, 1), F32)],
    )(sums, cnts, wmu, bmu, wlv, blv, wpp1, bpp1, gpp, bpp, wpp2, bpp2)

    return (mu, lv, pp)

# --- scband reference (transcript-rebuilt; emitter-appended) ---
"""Pipeline reference for scband-encoder-6150393168190 (READ-ONLY COPY).

The authoritative reference and input builder live on the scoring server;
editing this copy changes nothing except your own understanding.
"""

import jax, jax.numpy as jnp
import numpy as np

EMB = 64
IN_DIM = 11
EDGE_DIM = 4
LATENT = 32
NUM_GRAPHS = 256


def _lin(key, d_in, d_out):
    k1, k2 = jax.random.split(key)
    s = 1.0 / np.sqrt(d_in)
    return {"W": jax.random.uniform(k1, (d_in, d_out), jnp.float32, -s, s),
            "b": jax.random.uniform(k2, (d_out,), jnp.float32, -s, s)}


def _bn(d):
    return {"g": jnp.ones((d,), jnp.float32), "b": jnp.zeros((d,), jnp.float32)}


def _conv_params(key):
    ks = jax.random.split(key, 6)
    return {
        "msg1": _lin(ks[0], 2 * EMB + EDGE_DIM + 1, EMB), "msg_bn1": _bn(EMB),
        "msg2": _lin(ks[1], EMB, EMB), "msg_bn2": _bn(EMB),
        "pos1": _lin(ks[2], EMB, EMB), "pos_bn1": _bn(EMB),
        "pos2": _lin(ks[3], EMB, 1),
        "upd1": _lin(ks[4], 2 * EMB, EMB), "upd_bn1": _bn(EMB),
        "upd2": _lin(ks[5], EMB, EMB), "upd_bn2": _bn(EMB),
    }


def setup_inputs(seed: int = 0) -> dict:
    key = jax.random.key(seed)
    ks = jax.random.split(key, 12)
    N, E = 50000, 800000
    x = jax.random.normal(ks[0], (N, IN_DIM), jnp.float32)
    pos = jax.random.normal(ks[1], (N, 3), jnp.float32)
    edge_index = jax.random.randint(ks[2], (2, E), 0, N, jnp.int64)
    edge_attr = jax.random.normal(ks[3], (E, EDGE_DIM), jnp.float32)
    batch = jnp.sort(jax.random.randint(ks[4], (N,), 0, NUM_GRAPHS, jnp.int64))
    params = {
        "lin_in": _lin(ks[5], IN_DIM, EMB),
        "convs": [_conv_params(ks[6]), _conv_params(ks[7])],
        "mu": _lin(ks[8], EMB, LATENT),
        "log_var": _lin(ks[9], EMB, LATENT),
        "pp1": _lin(ks[10], LATENT, EMB), "pp_bn": _bn(EMB),
        "pp2": _lin(ks[11], EMB, 1),
    }
    return {"x": x, "pos": pos, "edge_attr": edge_attr, "params": params,
            "edge_index": edge_index, "batch": batch}


def _apply_lin(p, x):
    return x @ p["W"] + p["b"]


def _apply_bn(p, x, eps=1e-5):
    mean = jnp.mean(x, axis=0)
    var = jnp.var(x, axis=0)
    return p["g"] * (x - mean) / jnp.sqrt(var + eps) + p["b"]


def _conv(cp, h, pos, edge_index, edge_attr):
    src = edge_index[0]
    dst = edge_index[1]
    h_i = h[dst]
    h_j = h[src]
    diff = pos[dst] - pos[src]
    dist = jnp.sqrt(jnp.sum(diff * diff, axis=-1, keepdims=True) + 1e-12)
    m = jnp.concatenate([h_i, h_j, edge_attr, dist], axis=-1)
    m = jax.nn.relu(_apply_bn(cp["msg_bn1"], _apply_lin(cp["msg1"], m)))
    m = jax.nn.relu(_apply_bn(cp["msg_bn2"], _apply_lin(cp["msg2"], m)))
    pw = _apply_lin(cp["pos2"], jax.nn.relu(_apply_bn(cp["pos_bn1"], _apply_lin(cp["pos1"], m))))
    pos_msg = diff * pw
    N = h.shape[0]
    msg_aggr = jax.ops.segment_sum(m, dst, num_segments=N)
    pos_aggr = jax.ops.segment_sum(pos_msg, dst, num_segments=N)
    u = jnp.concatenate([h, msg_aggr], axis=-1)
    u = jax.nn.relu(_apply_bn(cp["upd_bn1"], _apply_lin(cp["upd1"], u)))
    u = jax.nn.relu(_apply_bn(cp["upd_bn2"], _apply_lin(cp["upd2"], u)))
    return u, pos + pos_aggr


def reference(x, pos, edge_attr, params, edge_index, batch):
    h = _apply_lin(params["lin_in"], x)
    p = pos
    for cp in params["convs"]:
        h_upd, p_upd = _conv(cp, h, p, edge_index, edge_attr)
        h = h + h_upd
        p = p_upd
    sums = jax.ops.segment_sum(h, batch, num_segments=NUM_GRAPHS)
    counts = jax.ops.segment_sum(jnp.ones((h.shape[0],), jnp.float32), batch, num_segments=NUM_GRAPHS)
    h_graph = sums / jnp.maximum(counts, 1.0)[:, None]
    mu = _apply_lin(params["mu"], h_graph)
    log_var = _apply_lin(params["log_var"], h_graph)
    pp = jax.nn.relu(_apply_lin(params["pp1"], mu))
    pp = _apply_bn(params["pp_bn"], pp)
    property_pred = _apply_lin(params["pp2"], pp)
    return (mu, log_var, property_pred)

if __name__ == "__main__":
    import jax
    _d = setup_inputs()
    print(jax.jit(kernel)(*tuple(_d.values())))

</pallas_src>

<mosaic_0001>
#map = affine_map<(d0, d1) -> (0, 0)>
module attributes {stable_mosaic.version = 14 : i64} {
  func.func @gk(%arg0: i32, %arg1: i32, %arg2: memref<50000x80xf32, #tpu.memory_space<hbm>>, %arg3: memref<50000x80xf32, #tpu.memory_space<hbm>>, %arg4: memref<6250x128xi32, #tpu.memory_space<hbm>>, %arg5: memref<6250x128xi32, #tpu.memory_space<hbm>>, %arg6: memref<800000x80xf32, #tpu.memory_space<hbm>>, %arg7: memref<800000x80xf32, #tpu.memory_space<hbm>>, %arg8: memref<128xi32, #tpu.memory_space<vmem>>, %arg9: memref<128xi32, #tpu.memory_space<vmem>>, %arg10: memref<128x80xf32, #tpu.memory_space<vmem>>, %arg11: memref<128x80xf32, #tpu.memory_space<vmem>>, %arg12: memref<!tpu.dma_semaphore, #tpu.memory_space<semaphore_mem>>, %arg13: memref<!tpu.dma_semaphore, #tpu.memory_space<semaphore_mem>>) attributes {dimension_semantics = [#tpu.dimension_semantics<core_parallel>, #tpu.dimension_semantics<subcore_parallel>], iteration_bounds = array<i64: 2, 16>, scalar_prefetch = 0 : i64, scratch_operands = 6 : i64, tpu.core_type = #tpu.core_type<sc_vector_subcore>, window_params = [{transform_indices = #map}, {transform_indices = #map}, {transform_indices = #map}, {transform_indices = #map}, {transform_indices = #map}, {transform_indices = #map}]} {
    %mul3A = arith.constant 2 : i32
    %mul3A_0 = arith.muli %arg1, %mul3A : i32
    %add3A = arith.addi %mul3A_0, %arg0 : i32
    %scan3A = arith.constant 0 : i32
    %scan3A_1 = arith.constant 0 : i32
    %scan3A_2 = arith.constant 196 : i32
    %scan3A_3 = arith.addi %scan3A_1, %scan3A_2 : i32
    %scan3A_4 = arith.constant 1 : i32
    scf.for %scan3A_6 = %scan3A_1 to %scan3A_3 step %scan3A_4  : i32 {
      %mul3A_7 = arith.constant 32 : i32
      %mul3A_8 = arith.muli %scan3A_6, %mul3A_7 : i32
      %add3A_9 = arith.addi %add3A, %mul3A_8 : i32
      %lt3A = arith.constant 6250 : i32
      %lt3A_10 = arith.cmpi slt, %add3A_9, %lt3A : i32
      %convert_element_type3A = arith.extui %lt3A_10 : i1 to i32
      %cond3A = arith.constant 0 : i32
      %cond3A_11 = arith.cmpi ne, %convert_element_type3A, %cond3A : i32
      scf.if %cond3A_11 {
        %mul3A_12 = arith.constant 128 : i32
        %mul3A_13 = arith.muli %add3A_9, %mul3A_12 : i32
        "tpu.region"() ({
          %run_scoped3A = tpu.sem_alloc : memref<!tpu.dma_semaphore, #tpu.memory_space<semaphore_mem>>
          %dma_start3A_24 = arith.constant 0 : i32
          %dma_start3A_25 = tpu.memref_slice %arg4[%add3A_9, %dma_start3A_24] : memref<6250x128xi32, #tpu.memory_space<hbm>> -> memref<1x128xi32, #tpu.memory_space<hbm>>
          %dma_start3A_26 = tpu.memref_squeeze %dma_start3A_25 : memref<1x128xi32, #tpu.memory_space<hbm>> -> memref<128xi32, #tpu.memory_space<hbm>>
          %dma_start3A_27 = arith.constant 0 : i32
          %dma_start3A_28 = tpu.memref_slice %arg4[%add3A_9, %dma_start3A_27] : memref<6250x128xi32, #tpu.memory_space<hbm>> -> memref<1x128xi32, #tpu.memory_space<hbm>>
          %dma_start3A_29 = tpu.memref_squeeze %dma_start3A_28 : memref<1x128xi32, #tpu.memory_space<hbm>> -> memref<128xi32, #tpu.memory_space<hbm>>
          tpu.enqueue_dma source(%dma_start3A_29 : memref<128xi32, #tpu.memory_space<hbm>>) target(%arg8 : memref<128xi32, #tpu.memory_space<vmem>>) target_semaphore(%run_scoped3A : memref<!tpu.dma_semaphore, #tpu.memory_space<semaphore_mem>>)
          %dma_wait3A_30 = arith.constant 0 : i32
          %dma_wait3A_31 = tpu.memref_slice %arg4[%add3A_9, %dma_wait3A_30] : memref<6250x128xi32, #tpu.memory_space<hbm>> -> memref<1x128xi32, #tpu.memory_space<hbm>>
          %dma_wait3A_32 = tpu.memref_squeeze %dma_wait3A_31 : memref<1x128xi32, #tpu.memory_space<hbm>> -> memref<128xi32, #tpu.memory_space<hbm>>
          %dma_wait3A_33 = arith.constant 0 : i32
          %dma_wait3A_34 = tpu.memref_slice %arg4[%add3A_9, %dma_wait3A_33] : memref<6250x128xi32, #tpu.memory_space<hbm>> -> memref<1x128xi32, #tpu.memory_space<hbm>>
          %dma_wait3A_35 = tpu.memref_squeeze %dma_wait3A_34 : memref<1x128xi32, #tpu.memory_space<hbm>> -> memref<128xi32, #tpu.memory_space<hbm>>
          tpu.wait_dma2 semaphore(%run_scoped3A : memref<!tpu.dma_semaphore, #tpu.memory_space<semaphore_mem>>) src(%dma_wait3A_35 : memref<128xi32, #tpu.memory_space<hbm>>) dst(%arg8 : memref<128xi32, #tpu.memory_space<vmem>>)
          tpu.yield
        }) : () -> ()
        "tpu.region"() ({
          %run_scoped3A = tpu.sem_alloc : memref<!tpu.dma_semaphore, #tpu.memory_space<semaphore_mem>>
          %dma_start3A_24 = arith.constant 0 : i32
          %dma_start3A_25 = tpu.memref_slice %arg5[%add3A_9, %dma_start3A_24] : memref<6250x128xi32, #tpu.memory_space<hbm>> -> memref<1x128xi32, #tpu.memory_space<hbm>>
          %dma_start3A_26 = tpu.memref_squeeze %dma_start3A_25 : memref<1x128xi32, #tpu.memory_space<hbm>> -> memref<128xi32, #tpu.memory_space<hbm>>
          %dma_start3A_27 = arith.constant 0 : i32
          %dma_start3A_28 = tpu.memref_slice %arg5[%add3A_9, %dma_start3A_27] : memref<6250x128xi32, #tpu.memory_space<hbm>> -> memref<1x128xi32, #tpu.memory_space<hbm>>
          %dma_start3A_29 = tpu.memref_squeeze %dma_start3A_28 : memref<1x128xi32, #tpu.memory_space<hbm>> -> memref<128xi32, #tpu.memory_space<hbm>>
          tpu.enqueue_dma source(%dma_start3A_29 : memref<128xi32, #tpu.memory_space<hbm>>) target(%arg9 : memref<128xi32, #tpu.memory_space<vmem>>) target_semaphore(%run_scoped3A : memref<!tpu.dma_semaphore, #tpu.memory_space<semaphore_mem>>)
          %dma_wait3A_30 = arith.constant 0 : i32
          %dma_wait3A_31 = tpu.memref_slice %arg5[%add3A_9, %dma_wait3A_30] : memref<6250x128xi32, #tpu.memory_space<hbm>> -> memref<1x128xi32, #tpu.memory_space<hbm>>
          %dma_wait3A_32 = tpu.memref_squeeze %dma_wait3A_31 : memref<1x128xi32, #tpu.memory_space<hbm>> -> memref<128xi32, #tpu.memory_space<hbm>>
          %dma_wait3A_33 = arith.constant 0 : i32
          %dma_wait3A_34 = tpu.memref_slice %arg5[%add3A_9, %dma_wait3A_33] : memref<6250x128xi32, #tpu.memory_space<hbm>> -> memref<1x128xi32, #tpu.memory_space<hbm>>
          %dma_wait3A_35 = tpu.memref_squeeze %dma_wait3A_34 : memref<1x128xi32, #tpu.memory_space<hbm>> -> memref<128xi32, #tpu.memory_space<hbm>>
          tpu.wait_dma2 semaphore(%run_scoped3A : memref<!tpu.dma_semaphore, #tpu.memory_space<semaphore_mem>>) src(%dma_wait3A_35 : memref<128xi32, #tpu.memory_space<hbm>>) dst(%arg9 : memref<128xi32, #tpu.memory_space<vmem>>)
          tpu.yield
        }) : () -> ()
        %dma_start3A = arith.constant 0 : i32
        %dma_start3A_14 = arith.constant 0 : i32
        %dma_start3A_15 = tpu.memref_slice %arg2[%dma_start3A, %dma_start3A_14] : memref<50000x80xf32, #tpu.memory_space<hbm>> -> memref<50000x80xf32, #tpu.memory_space<hbm>>
        tpu.enqueue_indirect_dma source(%dma_start3A_15 : memref<50000x80xf32, #tpu.memory_space<hbm>>) target(%arg10 : memref<128x80xf32, #tpu.memory_space<vmem>>) offsets(%arg8 : memref<128xi32, #tpu.memory_space<vmem>>) semaphore(%arg12 : memref<!tpu.dma_semaphore, #tpu.memory_space<semaphore_mem>>)
        %dma_start3A_16 = arith.constant 0 : i32
        %dma_start3A_17 = arith.constant 0 : i32
        %dma_start3A_18 = tpu.memref_slice %arg3[%dma_start3A_16, %dma_start3A_17] : memref<50000x80xf32, #tpu.memory_space<hbm>> -> memref<50000x80xf32, #tpu.memory_space<hbm>>
        tpu.enqueue_indirect_dma source(%dma_start3A_18 : memref<50000x80xf32, #tpu.memory_space<hbm>>) target(%arg11 : memref<128x80xf32, #tpu.memory_space<vmem>>) offsets(%arg9 : memref<128xi32, #tpu.memory_space<vmem>>) semaphore(%arg13 : memref<!tpu.dma_semaphore, #tpu.memory_space<semaphore_mem>>)
        %dma_wait3A = arith.constant 0 : i32
        %dma_wait3A_19 = arith.constant 0 : i32
        %dma_wait3A_20 = tpu.memref_slice %arg2[%dma_wait3A, %dma_wait3A_19] : memref<50000x80xf32, #tpu.memory_space<hbm>> -> memref<50000x80xf32, #tpu.memory_space<hbm>>
        tpu.wait_indirect_dma semaphore(%arg12 : memref<!tpu.dma_semaphore, #tpu.memory_space<semaphore_mem>>) src(%dma_wait3A_20 : memref<50000x80xf32, #tpu.memory_space<hbm>>) dst(%arg10 : memref<128x80xf32, #tpu.memory_space<vmem>>)
        %dma_wait3A_21 = arith.constant 0 : i32
        %dma_wait3A_22 = arith.constant 0 : i32
        %dma_wait3A_23 = tpu.memref_slice %arg3[%dma_wait3A_21, %dma_wait3A_22] : memref<50000x80xf32, #tpu.memory_space<hbm>> -> memref<50000x80xf32, #tpu.memory_space<hbm>>
        tpu.wait_indirect_dma semaphore(%arg13 : memref<!tpu.dma_semaphore, #tpu.memory_space<semaphore_mem>>) src(%dma_wait3A_23 : memref<50000x80xf32, #tpu.memory_space<hbm>>) dst(%arg11 : memref<128x80xf32, #tpu.memory_space<vmem>>)
        "tpu.region"() ({
          %run_scoped3A = tpu.sem_alloc : memref<!tpu.dma_semaphore, #tpu.memory_space<semaphore_mem>>
          %dma_start3A_24 = arith.constant 0 : i32
          %dma_start3A_25 = tpu.memref_slice %arg6[%mul3A_13, %dma_start3A_24] : memref<800000x80xf32, #tpu.memory_space<hbm>> -> memref<128x80xf32, #tpu.memory_space<hbm>>
          %dma_start3A_26 = arith.constant 0 : i32
          %dma_start3A_27 = tpu.memref_slice %arg6[%mul3A_13, %dma_start3A_26] : memref<800000x80xf32, #tpu.memory_space<hbm>> -> memref<128x80xf32, #tpu.memory_space<hbm>>
          tpu.enqueue_dma source(%arg10 : memref<128x80xf32, #tpu.memory_space<vmem>>) target(%dma_start3A_27 : memref<128x80xf32, #tpu.memory_space<hbm>>) target_semaphore(%run_scoped3A : memref<!tpu.dma_semaphore, #tpu.memory_space<semaphore_mem>>)
          %dma_wait3A_28 = arith.constant 0 : i32
          %dma_wait3A_29 = tpu.memref_slice %arg6[%mul3A_13, %dma_wait3A_28] : memref<800000x80xf32, #tpu.memory_space<hbm>> -> memref<128x80xf32, #tpu.memory_space<hbm>>
          %dma_wait3A_30 = arith.constant 0 : i32
          %dma_wait3A_31 = tpu.memref_slice %arg6[%mul3A_13, %dma_wait3A_30] : memref<800000x80xf32, #tpu.memory_space<hbm>> -> memref<128x80xf32, #tpu.memory_space<hbm>>
          tpu.wait_dma2 semaphore(%run_scoped3A : memref<!tpu.dma_semaphore, #tpu.memory_space<semaphore_mem>>) src(%arg10 : memref<128x80xf32, #tpu.memory_space<vmem>>) dst(%dma_wait3A_31 : memref<128x80xf32, #tpu.memory_space<hbm>>)
          tpu.yield
        }) : () -> ()
        "tpu.region"() ({
          %run_scoped3A = tpu.sem_alloc : memref<!tpu.dma_semaphore, #tpu.memory_space<semaphore_mem>>
          %dma_start3A_24 = arith.constant 0 : i32
          %dma_start3A_25 = tpu.memref_slice %arg7[%mul3A_13, %dma_start3A_24] : memref<800000x80xf32, #tpu.memory_space<hbm>> -> memref<128x80xf32, #tpu.memory_space<hbm>>
          %dma_start3A_26 = arith.constant 0 : i32
          %dma_start3A_27 = tpu.memref_slice %arg7[%mul3A_13, %dma_start3A_26] : memref<800000x80xf32, #tpu.memory_space<hbm>> -> memref<128x80xf32, #tpu.memory_space<hbm>>
          tpu.enqueue_dma source(%arg11 : memref<128x80xf32, #tpu.memory_space<vmem>>) target(%dma_start3A_27 : memref<128x80xf32, #tpu.memory_space<hbm>>) target_semaphore(%run_scoped3A : memref<!tpu.dma_semaphore, #tpu.memory_space<semaphore_mem>>)
          %dma_wait3A_28 = arith.constant 0 : i32
          %dma_wait3A_29 = tpu.memref_slice %arg7[%mul3A_13, %dma_wait3A_28] : memref<800000x80xf32, #tpu.memory_space<hbm>> -> memref<128x80xf32, #tpu.memory_space<hbm>>
          %dma_wait3A_30 = arith.constant 0 : i32
          %dma_wait3A_31 = tpu.memref_slice %arg7[%mul3A_13, %dma_wait3A_30] : memref<800000x80xf32, #tpu.memory_space<hbm>> -> memref<128x80xf32, #tpu.memory_space<hbm>>
          tpu.wait_dma2 semaphore(%run_scoped3A : memref<!tpu.dma_semaphore, #tpu.memory_space<semaphore_mem>>) src(%arg11 : memref<128x80xf32, #tpu.memory_space<vmem>>) dst(%dma_wait3A_31 : memref<128x80xf32, #tpu.memory_space<hbm>>)
          tpu.yield
        }) : () -> ()
      } else {
      }
    }
    %scan3A_5 = arith.constant 196 : i32
    return
  }
}

#map = affine_map<(d0, d1) -> (0, 0)>
module attributes {stable_mosaic.version = 14 : i64} {
  func.func @gk(%arg0: i32, %arg1: i32, %arg2: memref<50000x80xf32, #tpu.memory_space<hbm>>, %arg3: memref<50000x80xf32, #tpu.memory_space<hbm>>, %arg4: memref<6250x128xi32, #tpu.memory_space<hbm>>, %arg5: memref<6250x128xi32, #tpu.memory_space<hbm>>, %arg6: memref<800000x80xf32, #tpu.memory_space<hbm>>, %arg7: memref<800000x80xf32, #tpu.memory_space<hbm>>, %arg8: memref<128xi32, #tpu.memory_space<vmem>>, %arg9: memref<128xi32, #tpu.memory_space<vmem>>, %arg10: memref<128x80xf32, #tpu.memory_space<vmem>>, %arg11: memref<128x80xf32, #tpu.memory_space<vmem>>, %arg12: memref<!tpu.dma_semaphore, #tpu.memory_space<semaphore_mem>>, %arg13: memref<!tpu.dma_semaphore, #tpu.memory_space<semaphore_mem>>) attributes {dimension_semantics = [#tpu.dimension_semantics<core_parallel>, #tpu.dimension_semantics<subcore_parallel>], iteration_bounds = array<i64: 2, 16>, scalar_prefetch = 0 : i64, scratch_operands = 6 : i64, tpu.core_type = #tpu.core_type<sc_vector_subcore>, window_params = [{transform_indices = #map}, {transform_indices = #map}, {transform_indices = #map}, {transform_indices = #map}, {transform_indices = #map}, {transform_indices = #map}]} {
    %mul3A = arith.constant 2 : i32
    %mul3A_0 = arith.muli %arg1, %mul3A : i32
    %add3A = arith.addi %mul3A_0, %arg0 : i32
    %scan3A = arith.constant 0 : i32
    %scan3A_1 = arith.constant 0 : i32
    %scan3A_2 = arith.constant 196 : i32
    %scan3A_3 = arith.addi %scan3A_1, %scan3A_2 : i32
    %scan3A_4 = arith.constant 1 : i32
    scf.for %scan3A_6 = %scan3A_1 to %scan3A_3 step %scan3A_4  : i32 {
      %mul3A_7 = arith.constant 32 : i32
      %mul3A_8 = arith.muli %scan3A_6, %mul3A_7 : i32
      %add3A_9 = arith.addi %add3A, %mul3A_8 : i32
      %lt3A = arith.constant 6250 : i32
      %lt3A_10 = arith.cmpi slt, %add3A_9, %lt3A : i32
      %convert_element_type3A = arith.extui %lt3A_10 : i1 to i32
      %cond3A = arith.constant 0 : i32
      %cond3A_11 = arith.cmpi ne, %convert_element_type3A, %cond3A : i32
      scf.if %cond3A_11 {
        %mul3A_12 = arith.constant 128 : i32
        %mul3A_13 = arith.muli %add3A_9, %mul3A_12 : i32
        "tpu.region"() ({
          %run_scoped3A = tpu.sem_alloc : memref<!tpu.dma_semaphore, #tpu.memory_space<semaphore_mem>>
          %dma_start3A_24 = arith.constant 0 : i32
          %dma_start3A_25 = tpu.memref_slice %arg4[%add3A_9, %dma_start3A_24] : memref<6250x128xi32, #tpu.memory_space<hbm>> -> memref<1x128xi32, #tpu.memory_space<hbm>>
          %dma_start3A_26 = tpu.memref_squeeze %dma_start3A_25 : memref<1x128xi32, #tpu.memory_space<hbm>> -> memref<128xi32, #tpu.memory_space<hbm>>
          %dma_start3A_27 = arith.constant 0 : i32
          %dma_start3A_28 = tpu.memref_slice %arg4[%add3A_9, %dma_start3A_27] : memref<6250x128xi32, #tpu.memory_space<hbm>> -> memref<1x128xi32, #tpu.memory_space<hbm>>
          %dma_start3A_29 = tpu.memref_squeeze %dma_start3A_28 : memref<1x128xi32, #tpu.memory_space<hbm>> -> memref<128xi32, #tpu.memory_space<hbm>>
          tpu.enqueue_dma source(%dma_start3A_29 : memref<128xi32, #tpu.memory_space<hbm>>) target(%arg8 : memref<128xi32, #tpu.memory_space<vmem>>) target_semaphore(%run_scoped3A : memref<!tpu.dma_semaphore, #tpu.memory_space<semaphore_mem>>)
          %dma_wait3A_30 = arith.constant 0 : i32
          %dma_wait3A_31 = tpu.memref_slice %arg4[%add3A_9, %dma_wait3A_30] : memref<6250x128xi32, #tpu.memory_space<hbm>> -> memref<1x128xi32, #tpu.memory_space<hbm>>
          %dma_wait3A_32 = tpu.memref_squeeze %dma_wait3A_31 : memref<1x128xi32, #tpu.memory_space<hbm>> -> memref<128xi32, #tpu.memory_space<hbm>>
          %dma_wait3A_33 = arith.constant 0 : i32
          %dma_wait3A_34 = tpu.memref_slice %arg4[%add3A_9, %dma_wait3A_33] : memref<6250x128xi32, #tpu.memory_space<hbm>> -> memref<1x128xi32, #tpu.memory_space<hbm>>
          %dma_wait3A_35 = tpu.memref_squeeze %dma_wait3A_34 : memref<1x128xi32, #tpu.memory_space<hbm>> -> memref<128xi32, #tpu.memory_space<hbm>>
          tpu.wait_dma2 semaphore(%run_scoped3A : memref<!tpu.dma_semaphore, #tpu.memory_space<semaphore_mem>>) src(%dma_wait3A_35 : memref<128xi32, #tpu.memory_space<hbm>>) dst(%arg8 : memref<128xi32, #tpu.memory_space<vmem>>)
          tpu.yield
        }) : () -> ()
        "tpu.region"() ({
          %run_scoped3A = tpu.sem_alloc : memref<!tpu.dma_semaphore, #tpu.memory_space<semaphore_mem>>
          %dma_start3A_24 = arith.constant 0 : i32
          %dma_start3A_25 = tpu.memref_slice %arg5[%add3A_9, %dma_start3A_24] : memref<6250x128xi32, #tpu.memory_space<hbm>> -> memref<1x128xi32, #tpu.memory_space<hbm>>
          %dma_start3A_26 = tpu.memref_squeeze %dma_start3A_25 : memref<1x128xi32, #tpu.memory_space<hbm>> -> memref<128xi32, #tpu.memory_space<hbm>>
          %dma_start3A_27 = arith.constant 0 : i32
          %dma_start3A_28 = tpu.memref_slice %arg5[%add3A_9, %dma_start3A_27] : memref<6250x128xi32, #tpu.memory_space<hbm>> -> memref<1x128xi32, #tpu.memory_space<hbm>>
          %dma_start3A_29 = tpu.memref_squeeze %dma_start3A_28 : memref<1x128xi32, #tpu.memory_space<hbm>> -> memref<128xi32, #tpu.memory_space<hbm>>
          tpu.enqueue_dma source(%dma_start3A_29 : memref<128xi32, #tpu.memory_space<hbm>>) target(%arg9 : memref<128xi32, #tpu.memory_space<vmem>>) target_semaphore(%run_scoped3A : memref<!tpu.dma_semaphore, #tpu.memory_space<semaphore_mem>>)
          %dma_wait3A_30 = arith.constant 0 : i32
          %dma_wait3A_31 = tpu.memref_slice %arg5[%add3A_9, %dma_wait3A_30] : memref<6250x128xi32, #tpu.memory_space<hbm>> -> memref<1x128xi32, #tpu.memory_space<hbm>>
          %dma_wait3A_32 = tpu.memref_squeeze %dma_wait3A_31 : memref<1x128xi32, #tpu.memory_space<hbm>> -> memref<128xi32, #tpu.memory_space<hbm>>
          %dma_wait3A_33 = arith.constant 0 : i32
          %dma_wait3A_34 = tpu.memref_slice %arg5[%add3A_9, %dma_wait3A_33] : memref<6250x128xi32, #tpu.memory_space<hbm>> -> memref<1x128xi32, #tpu.memory_space<hbm>>
          %dma_wait3A_35 = tpu.memref_squeeze %dma_wait3A_34 : memref<1x128xi32, #tpu.memory_space<hbm>> -> memref<128xi32, #tpu.memory_space<hbm>>
          tpu.wait_dma2 semaphore(%run_scoped3A : memref<!tpu.dma_semaphore, #tpu.memory_space<semaphore_mem>>) src(%dma_wait3A_35 : memref<128xi32, #tpu.memory_space<hbm>>) dst(%arg9 : memref<128xi32, #tpu.memory_space<vmem>>)
          tpu.yield
        }) : () -> ()
        %dma_start3A = arith.constant 0 : i32
        %dma_start3A_14 = arith.constant 0 : i32
        %dma_start3A_15 = tpu.memref_slice %arg2[%dma_start3A, %dma_start3A_14] : memref<50000x80xf32, #tpu.memory_space<hbm>> -> memref<50000x80xf32, #tpu.memory_space<hbm>>
        tpu.enqueue_indirect_dma source(%dma_start3A_15 : memref<50000x80xf32, #tpu.memory_space<hbm>>) target(%arg10 : memref<128x80xf32, #tpu.memory_space<vmem>>) offsets(%arg8 : memref<128xi32, #tpu.memory_space<vmem>>) semaphore(%arg12 : memref<!tpu.dma_semaphore, #tpu.memory_space<semaphore_mem>>)
        %dma_start3A_16 = arith.constant 0 : i32
        %dma_start3A_17 = arith.constant 0 : i32
        %dma_start3A_18 = tpu.memref_slice %arg3[%dma_start3A_16, %dma_start3A_17] : memref<50000x80xf32, #tpu.memory_space<hbm>> -> memref<50000x80xf32, #tpu.memory_space<hbm>>
        tpu.enqueue_indirect_dma source(%dma_start3A_18 : memref<50000x80xf32, #tpu.memory_space<hbm>>) target(%arg11 : memref<128x80xf32, #tpu.memory_space<vmem>>) offsets(%arg9 : memref<128xi32, #tpu.memory_space<vmem>>) semaphore(%arg13 : memref<!tpu.dma_semaphore, #tpu.memory_space<semaphore_mem>>)
        %dma_wait3A = arith.constant 0 : i32
        %dma_wait3A_19 = arith.constant 0 : i32
        %dma_wait3A_20 = tpu.memref_slice %arg2[%dma_wait3A, %dma_wait3A_19] : memref<50000x80xf32, #tpu.memory_space<hbm>> -> memref<50000x80xf32, #tpu.memory_space<hbm>>
        tpu.wait_indirect_dma semaphore(%arg12 : memref<!tpu.dma_semaphore, #tpu.memory_space<semaphore_mem>>) src(%dma_wait3A_20 : memref<50000x80xf32, #tpu.memory_space<hbm>>) dst(%arg10 : memref<128x80xf32, #tpu.memory_space<vmem>>)
        %dma_wait3A_21 = arith.constant 0 : i32
        %dma_wait3A_22 = arith.constant 0 : i32
        %dma_wait3A_23 = tpu.memref_slice %arg3[%dma_wait3A_21, %dma_wait3A_22] : memref<50000x80xf32, #tpu.memory_space<hbm>> -> memref<50000x80xf32, #tpu.memory_space<hbm>>
        tpu.wait_indirect_dma semaphore(%arg13 : memref<!tpu.dma_semaphore, #tpu.memory_space<semaphore_mem>>) src(%dma_wait3A_23 : memref<50000x80xf32, #tpu.memory_space<hbm>>) dst(%arg11 : memref<128x80xf32, #tpu.memory_space<vmem>>)
        "tpu.region"() ({
          %run_scoped3A = tpu.sem_alloc : memref<!tpu.dma_semaphore, #tpu.memory_space<semaphore_mem>>
          %dma_start3A_24 = arith.constant 0 : i32
          %dma_start3A_25 = tpu.memref_slice %arg6[%mul3A_13, %dma_start3A_24] : memref<800000x80xf32, #tpu.memory_space<hbm>> -> memref<128x80xf32, #tpu.memory_space<hbm>>
          %dma_start3A_26 = arith.constant 0 : i32
          %dma_start3A_27 = tpu.memref_slice %arg6[%mul3A_13, %dma_start3A_26] : memref<800000x80xf32, #tpu.memory_space<hbm>> -> memref<128x80xf32, #tpu.memory_space<hbm>>
          tpu.enqueue_dma source(%arg10 : memref<128x80xf32, #tpu.memory_space<vmem>>) target(%dma_start3A_27 : memref<128x80xf32, #tpu.memory_space<hbm>>) target_semaphore(%run_scoped3A : memref<!tpu.dma_semaphore, #tpu.memory_space<semaphore_mem>>)
          %dma_wait3A_28 = arith.constant 0 : i32
          %dma_wait3A_29 = tpu.memref_slice %arg6[%mul3A_13, %dma_wait3A_28] : memref<800000x80xf32, #tpu.memory_space<hbm>> -> memref<128x80xf32, #tpu.memory_space<hbm>>
          %dma_wait3A_30 = arith.constant 0 : i32
          %dma_wait3A_31 = tpu.memref_slice %arg6[%mul3A_13, %dma_wait3A_30] : memref<800000x80xf32, #tpu.memory_space<hbm>> -> memref<128x80xf32, #tpu.memory_space<hbm>>
          tpu.wait_dma2 semaphore(%run_scoped3A : memref<!tpu.dma_semaphore, #tpu.memory_space<semaphore_mem>>) src(%arg10 : memref<128x80xf32, #tpu.memory_space<vmem>>) dst(%dma_wait3A_31 : memref<128x80xf32, #tpu.memory_space<hbm>>)
          tpu.yield
        }) : () -> ()
        "tpu.region"() ({
          %run_scoped3A = tpu.sem_alloc : memref<!tpu.dma_semaphore, #tpu.memory_space<semaphore_mem>>
          %dma_start3A_24 = arith.constant 0 : i32
          %dma_start3A_25 = tpu.memref_slice %arg7[%mul3A_13, %dma_start3A_24] : memref<800000x80xf32, #tpu.memory_space<hbm>> -> memref<128x80xf32, #tpu.memory_space<hbm>>
          %dma_start3A_26 = arith.constant 0 : i32
          %dma_start3A_27 = tpu.memref_slice %arg7[%mul3A_13, %dma_start3A_26] : memref<800000x80xf32, #tpu.memory_space<hbm>> -> memref<128x80xf32, #tpu.memory_space<hbm>>
          tpu.enqueue_dma source(%arg11 : memref<128x80xf32, #tpu.memory_space<vmem>>) target(%dma_start3A_27 : memref<128x80xf32, #tpu.memory_space<hbm>>) target_semaphore(%run_scoped3A : memref<!tpu.dma_semaphore, #tpu.memory_space<semaphore_mem>>)
          %dma_wait3A_28 = arith.constant 0 : i32
          %dma_wait3A_29 = tpu.memref_slice %arg7[%mul3A_13, %dma_wait3A_28] : memref<800000x80xf32, #tpu.memory_space<hbm>> -> memref<128x80xf32, #tpu.memory_space<hbm>>
          %dma_wait3A_30 = arith.constant 0 : i32
          %dma_wait3A_31 = tpu.memref_slice %arg7[%mul3A_13, %dma_wait3A_30] : memref<800000x80xf32, #tpu.memory_space<hbm>> -> memref<128x80xf32, #tpu.memory_space<hbm>>
          tpu.wait_dma2 semaphore(%run_scoped3A : memref<!tpu.dma_semaphore, #tpu.memory_space<semaphore_mem>>) src(%arg11 : memref<128x80xf32, #tpu.memory_space<vmem>>) dst(%dma_wait3A_31 : memref<128x80xf32, #tpu.memory_space<hbm>>)
          tpu.yield
        }) : () -> ()
      } else {
      }
    }
    %scan3A_5 = arith.constant 196 : i32
    return
  }
}

#map = affine_map<(d0, d1) -> (0, 0)>
module attributes {stable_mosaic.version = 14 : i64} {
  func.func @sk(%arg0: i32, %arg1: i32, %arg2: memref<800000x64xf32, #tpu.memory_space<hbm>>, %arg3: memref<800000x16xf32, #tpu.memory_space<hbm>>, %arg4: memref<6250x128xi32, #tpu.memory_space<hbm>>, %arg5: memref<3125x16xf32, #tpu.memory_space<hbm>>, %arg6: memref<50000x64xf32, #tpu.memory_space<hbm>>, %arg7: memref<50000x16xf32, #tpu.memory_space<hbm>>, %arg8: memref<128xi32, #tpu.memory_space<vmem>>, %arg9: memref<128x16xf32, #tpu.memory_space<vmem>>, %arg10: memref<50000x16xf32, #tpu.memory_space<vmem_shared>>) attributes {dimension_semantics = [#tpu.dimension_semantics<core_parallel>, #tpu.dimension_semantics<subcore_parallel>], iteration_bounds = array<i64: 2, 16>, scalar_prefetch = 0 : i64, scratch_operands = 3 : i64, tpu.core_type = #tpu.core_type<sc_vector_subcore>, window_params = [{transform_indices = #map}, {transform_indices = #map}, {transform_indices = #map}, {transform_indices = #map}, {transform_indices = #map}, {transform_indices = #map}]} {
    %mul3A = arith.constant 3125 : i32
    %mul3A_0 = arith.muli %arg1, %mul3A : i32
    %ge3A = arith.constant 0 : i32
    %ge3A_1 = arith.cmpi sge, %arg0, %ge3A : i32
    %mul3A_2 = arith.constant 32 : i32
    %mul3A_3 = arith.muli %arg0, %mul3A_2 : i32
    %add3A = arith.constant 0 : i32
    %add3A_4 = arith.addi %mul3A_3, %add3A : i32
    %convert_element_type3A = arith.extui %ge3A_1 : i1 to i32
    %cond3A = arith.constant 0 : i32
    %cond3A_5 = arith.cmpi ne, %convert_element_type3A, %cond3A : i32
    scf.if %cond3A_5 {
      "tpu.region"() ({
        %run_scoped3A = tpu.sem_alloc : memref<!tpu.dma_semaphore, #tpu.memory_space<semaphore_mem>>
        %dma_start3A = arith.constant 0 : i32
        %dma_start3A_54 = tpu.memref_slice %arg10[%mul3A_0, %dma_start3A] : memref<50000x16xf32, #tpu.memory_space<vmem_shared>> -> memref<3125x16xf32, #tpu.memory_space<vmem_shared>>
        tpu.enqueue_dma source(%arg5 : memref<3125x16xf32, #tpu.memory_space<hbm>>) target(%dma_start3A_54 : memref<3125x16xf32, #tpu.memory_space<vmem_shared>>) target_semaphore(%run_scoped3A : memref<!tpu.dma_semaphore, #tpu.memory_space<semaphore_mem>>)
        %dma_wait3A = arith.constant 0 : i32
        %dma_wait3A_55 = tpu.memref_slice %arg10[%mul3A_0, %dma_wait3A] : memref<50000x16xf32, #tpu.memory_space<vmem_shared>> -> memref<3125x16xf32, #tpu.memory_space<vmem_shared>>
        tpu.wait_dma2 semaphore(%run_scoped3A : memref<!tpu.dma_semaphore, #tpu.memory_space<semaphore_mem>>) src(%arg5 : memref<3125x16xf32, #tpu.memory_space<hbm>>) dst(%dma_wait3A_55 : memref<3125x16xf32, #tpu.memory_space<vmem_shared>>)
        tpu.yield
      }) : () -> ()
    } else {
    }
    %barrier3A = arith.constant 0 : index
    tpu.barrier barrier_id(%barrier3A)
    %scan3A = arith.constant 0 : i32
    %scan3A_6 = arith.constant 0 : i32
    %scan3A_7 = arith.constant 391 : i32
    %scan3A_8 = arith.addi %scan3A_6, %scan3A_7 : i32
    %scan3A_9 = arith.constant 1 : i32
    scf.for %scan3A_54 = %scan3A_6 to %scan3A_8 step %scan3A_9  : i32 {
      %mul3A_55 = arith.constant 16 : i32
      %mul3A_56 = arith.muli %scan3A_54, %mul3A_55 : i32
      %add3A_57 = arith.addi %arg1, %mul3A_56 : i32
      %lt3A = arith.constant 6250 : i32
      %lt3A_58 = arith.cmpi slt, %add3A_57, %lt3A : i32
      %and3A = arith.andi %lt3A_58, %ge3A_1 : i1
      %convert_element_type3A_59 = arith.extui %and3A : i1 to i32
      %cond3A_60 = arith.constant 0 : i32
      %cond3A_61 = arith.cmpi ne, %convert_element_type3A_59, %cond3A_60 : i32
      scf.if %cond3A_61 {
        %mul3A_62 = arith.constant 128 : i32
        %mul3A_63 = arith.muli %add3A_57, %mul3A_62 : i32
        "tpu.region"() ({
          %run_scoped3A = tpu.sem_alloc : memref<!tpu.dma_semaphore, #tpu.memory_space<semaphore_mem>>
          %dma_start3A = arith.constant 0 : i32
          %dma_start3A_64 = tpu.memref_slice %arg4[%add3A_57, %dma_start3A] : memref<6250x128xi32, #tpu.memory_space<hbm>> -> memref<1x128xi32, #tpu.memory_space<hbm>>
          %dma_start3A_65 = tpu.memref_squeeze %dma_start3A_64 : memref<1x128xi32, #tpu.memory_space<hbm>> -> memref<128xi32, #tpu.memory_space<hbm>>
          %dma_start3A_66 = arith.constant 0 : i32
          %dma_start3A_67 = tpu.memref_slice %arg4[%add3A_57, %dma_start3A_66] : memref<6250x128xi32, #tpu.memory_space<hbm>> -> memref<1x128xi32, #tpu.memory_space<hbm>>
          %dma_start3A_68 = tpu.memref_squeeze %dma_start3A_67 : memref<1x128xi32, #tpu.memory_space<hbm>> -> memref<128xi32, #tpu.memory_space<hbm>>
          tpu.enqueue_dma source(%dma_start3A_68 : memref<128xi32, #tpu.memory_space<hbm>>) target(%arg8 : memref<128xi32, #tpu.memory_space<vmem>>) target_semaphore(%run_scoped3A : memref<!tpu.dma_semaphore, #tpu.memory_space<semaphore_mem>>)
          %dma_wait3A = arith.constant 0 : i32
          %dma_wait3A_69 = tpu.memref_slice %arg4[%add3A_57, %dma_wait3A] : memref<6250x128xi32, #tpu.memory_space<hbm>> -> memref<1x128xi32, #tpu.memory_space<hbm>>
          %dma_wait3A_70 = tpu.memref_squeeze %dma_wait3A_69 : memref<1x128xi32, #tpu.memory_space<hbm>> -> memref<128xi32, #tpu.memory_space<hbm>>
          %dma_wait3A_71 = arith.constant 0 : i32
          %dma_wait3A_72 = tpu.memref_slice %arg4[%add3A_57, %dma_wait3A_71] : memref<6250x128xi32, #tpu.memory_space<hbm>> -> memref<1x128xi32, #tpu.memory_space<hbm>>
          %dma_wait3A_73 = tpu.memref_squeeze %dma_wait3A_72 : memref<1x128xi32, #tpu.memory_space<hbm>> -> memref<128xi32, #tpu.memory_space<hbm>>
          tpu.wait_dma2 semaphore(%run_scoped3A : memref<!tpu.dma_semaphore, #tpu.memory_space<semaphore_mem>>) src(%dma_wait3A_73 : memref<128xi32, #tpu.memory_space<hbm>>) dst(%arg8 : memref<128xi32, #tpu.memory_space<vmem>>)
          tpu.yield
        }) : () -> ()
        "tpu.region"() ({
          %run_scoped3A = tpu.sem_alloc : memref<!tpu.dma_semaphore, #tpu.memory_space<semaphore_mem>>
          %dma_start3A = tpu.memref_slice %arg2[%mul3A_63, %add3A_4] : memref<800000x64xf32, #tpu.memory_space<hbm>> -> memref<128x16xf32, #tpu.memory_space<hbm>>
          %dma_start3A_64 = tpu.memref_slice %arg2[%mul3A_63, %add3A_4] : memref<800000x64xf32, #tpu.memory_space<hbm>> -> memref<128x16xf32, #tpu.memory_space<hbm>>
          tpu.enqueue_dma source(%dma_start3A_64 : memref<128x16xf32, #tpu.memory_space<hbm>>) target(%arg9 : memref<128x16xf32, #tpu.memory_space<vmem>>) target_semaphore(%run_scoped3A : memref<!tpu.dma_semaphore, #tpu.memory_space<semaphore_mem>>)
          %dma_wait3A = tpu.memref_slice %arg2[%mul3A_63, %add3A_4] : memref<800000x64xf32, #tpu.memory_space<hbm>> -> memref<128x16xf32, #tpu.memory_space<hbm>>
          %dma_wait3A_65 = tpu.memref_slice %arg2[%mul3A_63, %add3A_4] : memref<800000x64xf32, #tpu.memory_space<hbm>> -> memref<128x16xf32, #tpu.memory_space<hbm>>
          tpu.wait_dma2 semaphore(%run_scoped3A : memref<!tpu.dma_semaphore, #tpu.memory_space<semaphore_mem>>) src(%dma_wait3A_65 : memref<128x16xf32, #tpu.memory_space<hbm>>) dst(%arg9 : memref<128x16xf32, #tpu.memory_space<vmem>>)
          tpu.yield
        }) : () -> ()
        "tpu.region"() ({
          %run_scoped3A = tpu.sem_alloc : memref<!tpu.dma_semaphore, #tpu.memory_space<semaphore_mem>>
          %dma_start3A = arith.constant 0 : i32
          %dma_start3A_64 = arith.constant 0 : i32
          %dma_start3A_65 = tpu.memref_slice %arg10[%dma_start3A, %dma_start3A_64] : memref<50000x16xf32, #tpu.memory_space<vmem_shared>> -> memref<50000x16xf32, #tpu.memory_space<vmem_shared>>
          tpu.enqueue_indirect_dma source(%arg9 : memref<128x16xf32, #tpu.memory_space<vmem>>) target(%dma_start3A_65 : memref<50000x16xf32, #tpu.memory_space<vmem_shared>>) offsets(%arg8 : memref<128xi32, #tpu.memory_space<vmem>>) semaphore(%run_scoped3A : memref<!tpu.dma_semaphore, #tpu.memory_space<semaphore_mem>>) {add = true}
          %dma_wait3A = arith.constant 0 : i32
          %dma_wait3A_66 = arith.constant 0 : i32
          %dma_wait3A_67 = tpu.memref_slice %arg10[%dma_wait3A, %dma_wait3A_66] : memref<50000x16xf32, #tpu.memory_space<vmem_shared>> -> memref<50000x16xf32, #tpu.memory_space<vmem_shared>>
          tpu.wait_indirect_dma semaphore(%run_scoped3A : memref<!tpu.dma_semaphore, #tpu.memory_space<semaphore_mem>>) src(%arg9 : memref<128x16xf32, #tpu.memory_space<vmem>>) dst(%dma_wait3A_67 : memref<50000x16xf32, #tpu.memory_space<vmem_shared>>)
          tpu.yield
        }) : () -> ()
      } else {
      }
    }
    %scan3A_10 = arith.constant 391 : i32
    %barrier3A_11 = arith.constant 0 : index
    tpu.barrier barrier_id(%barrier3A_11)
    %convert_element_type3A_12 = arith.extui %ge3A_1 : i1 to i32
    %cond3A_13 = arith.constant 0 : i32
    %cond3A_14 = arith.cmpi ne, %convert_element_type3A_12, %cond3A_13 : i32
    scf.if %cond3A_14 {
      "tpu.region"() ({
        %run_scoped3A = tpu.sem_alloc : memref<!tpu.dma_semaphore, #tpu.memory_space<semaphore_mem>>
        %dma_start3A = tpu.memref_slice %arg6[%mul3A_0, %add3A_4] : memref<50000x64xf32, #tpu.memory_space<hbm>> -> memref<3125x16xf32, #tpu.memory_space<hbm>>
        %dma_start3A_54 = arith.constant 0 : i32
        %dma_start3A_55 = tpu.memref_slice %arg10[%mul3A_0, %dma_start3A_54] : memref<50000x16xf32, #tpu.memory_space<vmem_shared>> -> memref<3125x16xf32, #tpu.memory_space<vmem_shared>>
        tpu.enqueue_dma source(%dma_start3A_55 : memref<3125x16xf32, #tpu.memory_space<vmem_shared>>) target(%dma_start3A : memref<3125x16xf32, #tpu.memory_space<hbm>>) target_semaphore(%run_scoped3A : memref<!tpu.dma_semaphore, #tpu.memory_space<semaphore_mem>>)
        %dma_wait3A = tpu.memref_slice %arg6[%mul3A_0, %add3A_4] : memref<50000x64xf32, #tpu.memory_space<hbm>> -> memref<3125x16xf32, #tpu.memory_space<hbm>>
        %dma_wait3A_56 = arith.constant 0 : i32
        %dma_wait3A_57 = tpu.memref_slice %arg10[%mul3A_0, %dma_wait3A_56] : memref<50000x16xf32, #tpu.memory_space<vmem_shared>> -> memref<3125x16xf32, #tpu.memory_space<vmem_shared>>
        tpu.wait_dma2 semaphore(%run_scoped3A : memref<!tpu.dma_semaphore, #tpu.memory_space<semaphore_mem>>) src(%dma_wait3A_57 : memref<3125x16xf32, #tpu.memory_space<vmem_shared>>) dst(%dma_wait3A : memref<3125x16xf32, #tpu.memory_space<hbm>>)
        tpu.yield
      }) : () -> ()
    } else {
    }
    %ge3A_15 = arith.constant 0 : i32
    %ge3A_16 = arith.cmpi sge, %arg0, %ge3A_15 : i32
    %mul3A_17 = arith.constant 32 : i32
    %mul3A_18 = arith.muli %arg0, %mul3A_17 : i32
    %add3A_19 = arith.constant 16 : i32
    %add3A_20 = arith.addi %mul3A_18, %add3A_19 : i32
    %convert_element_type3A_21 = arith.extui %ge3A_16 : i1 to i32
    %cond3A_22 = arith.constant 0 : i32
    %cond3A_23 = arith.cmpi ne, %convert_element_type3A_21, %cond3A_22 : i32
    scf.if %cond3A_23 {
      "tpu.region"() ({
        %run_scoped3A = tpu.sem_alloc : memref<!tpu.dma_semaphore, #tpu.memory_space<semaphore_mem>>
        %dma_start3A = arith.constant 0 : i32
        %dma_start3A_54 = tpu.memref_slice %arg10[%mul3A_0, %dma_start3A] : memref<50000x16xf32, #tpu.memory_space<vmem_shared>> -> memref<3125x16xf32, #tpu.memory_space<vmem_shared>>
        tpu.enqueue_dma source(%arg5 : memref<3125x16xf32, #tpu.memory_space<hbm>>) target(%dma_start3A_54 : memref<3125x16xf32, #tpu.memory_space<vmem_shared>>) target_semaphore(%run_scoped3A : memref<!tpu.dma_semaphore, #tpu.memory_space<semaphore_mem>>)
        %dma_wait3A = arith.constant 0 : i32
        %dma_wait3A_55 = tpu.memref_slice %arg10[%mul3A_0, %dma_wait3A] : memref<50000x16xf32, #tpu.memory_space<vmem_shared>> -> memref<3125x16xf32, #tpu.memory_space<vmem_shared>>
        tpu.wait_dma2 semaphore(%run_scoped3A : memref<!tpu.dma_semaphore, #tpu.memory_space<semaphore_mem>>) src(%arg5 : memref<3125x16xf32, #tpu.memory_space<hbm>>) dst(%dma_wait3A_55 : memref<3125x16xf32, #tpu.memory_space<vmem_shared>>)
        tpu.yield
      }) : () -> ()
    } else {
    }
    %barrier3A_24 = arith.constant 0 : index
    tpu.barrier barrier_id(%barrier3A_24)
    %scan3A_25 = arith.constant 0 : i32
    %scan3A_26 = arith.constant 0 : i32
    %scan3A_27 = arith.constant 391 : i32
    %scan3A_28 = arith.addi %scan3A_26, %scan3A_27 : i32
    %scan3A_29 = arith.constant 1 : i32
    scf.for %scan3A_54 = %scan3A_26 to %scan3A_28 step %scan3A_29  : i32 {
      %mul3A_55 = arith.constant 16 : i32
      %mul3A_56 = arith.muli %scan3A_54, %mul3A_55 : i32
      %add3A_57 = arith.addi %arg1, %mul3A_56 : i32
      %lt3A = arith.constant 6250 : i32
      %lt3A_58 = arith.cmpi slt, %add3A_57, %lt3A : i32
      %and3A = arith.andi %lt3A_58, %ge3A_16 : i1
      %convert_element_type3A_59 = arith.extui %and3A : i1 to i32
      %cond3A_60 = arith.constant 0 : i32
      %cond3A_61 = arith.cmpi ne, %convert_element_type3A_59, %cond3A_60 : i32
      scf.if %cond3A_61 {
        %mul3A_62 = arith.constant 128 : i32
        %mul3A_63 = arith.muli %add3A_57, %mul3A_62 : i32
        "tpu.region"() ({
          %run_scoped3A = tpu.sem_alloc : memref<!tpu.dma_semaphore, #tpu.memory_space<semaphore_mem>>
          %dma_start3A = arith.constant 0 : i32
          %dma_start3A_64 = tpu.memref_slice %arg4[%add3A_57, %dma_start3A] : memref<6250x128xi32, #tpu.memory_space<hbm>> -> memref<1x128xi32, #tpu.memory_space<hbm>>
          %dma_start3A_65 = tpu.memref_squeeze %dma_start3A_64 : memref<1x128xi32, #tpu.memory_space<hbm>> -> memref<128xi32, #tpu.memory_space<hbm>>
          %dma_start3A_66 = arith.constant 0 : i32
          %dma_start3A_67 = tpu.memref_slice %arg4[%add3A_57, %dma_start3A_66] : memref<6250x128xi32, #tpu.memory_space<hbm>> -> memref<1x128xi32, #tpu.memory_space<hbm>>
          %dma_start3A_68 = tpu.memref_squeeze %dma_start3A_67 : memref<1x128xi32, #tpu.memory_space<hbm>> -> memref<128xi32, #tpu.memory_space<hbm>>
          tpu.enqueue_dma source(%dma_start3A_68 : memref<128xi32, #tpu.memory_space<hbm>>) target(%arg8 : memref<128xi32, #tpu.memory_space<vmem>>) target_semaphore(%run_scoped3A : memref<!tpu.dma_semaphore, #tpu.memory_space<semaphore_mem>>)
          %dma_wait3A = arith.constant 0 : i32
          %dma_wait3A_69 = tpu.memref_slice %arg4[%add3A_57, %dma_wait3A] : memref<6250x128xi32, #tpu.memory_space<hbm>> -> memref<1x128xi32, #tpu.memory_space<hbm>>
          %dma_wait3A_70 = tpu.memref_squeeze %dma_wait3A_69 : memref<1x128xi32, #tpu.memory_space<hbm>> -> memref<128xi32, #tpu.memory_space<hbm>>
          %dma_wait3A_71 = arith.constant 0 : i32
          %dma_wait3A_72 = tpu.memref_slice %arg4[%add3A_57, %dma_wait3A_71] : memref<6250x128xi32, #tpu.memory_space<hbm>> -> memref<1x128xi32, #tpu.memory_space<hbm>>
          %dma_wait3A_73 = tpu.memref_squeeze %dma_wait3A_72 : memref<1x128xi32, #tpu.memory_space<hbm>> -> memref<128xi32, #tpu.memory_space<hbm>>
          tpu.wait_dma2 semaphore(%run_scoped3A : memref<!tpu.dma_semaphore, #tpu.memory_space<semaphore_mem>>) src(%dma_wait3A_73 : memref<128xi32, #tpu.memory_space<hbm>>) dst(%arg8 : memref<128xi32, #tpu.memory_space<vmem>>)
          tpu.yield
        }) : () -> ()
        "tpu.region"() ({
          %run_scoped3A = tpu.sem_alloc : memref<!tpu.dma_semaphore, #tpu.memory_space<semaphore_mem>>
          %dma_start3A = tpu.memref_slice %arg2[%mul3A_63, %add3A_20] : memref<800000x64xf32, #tpu.memory_space<hbm>> -> memref<128x16xf32, #tpu.memory_space<hbm>>
          %dma_start3A_64 = tpu.memref_slice %arg2[%mul3A_63, %add3A_20] : memref<800000x64xf32, #tpu.memory_space<hbm>> -> memref<128x16xf32, #tpu.memory_space<hbm>>
          tpu.enqueue_dma source(%dma_start3A_64 : memref<128x16xf32, #tpu.memory_space<hbm>>) target(%arg9 : memref<128x16xf32, #tpu.memory_space<vmem>>) target_semaphore(%run_scoped3A : memref<!tpu.dma_semaphore, #tpu.memory_space<semaphore_mem>>)
          %dma_wait3A = tpu.memref_slice %arg2[%mul3A_63, %add3A_20] : memref<800000x64xf32, #tpu.memory_space<hbm>> -> memref<128x16xf32, #tpu.memory_space<hbm>>
          %dma_wait3A_65 = tpu.memref_slice %arg2[%mul3A_63, %add3A_20] : memref<800000x64xf32, #tpu.memory_space<hbm>> -> memref<128x16xf32, #tpu.memory_space<hbm>>
          tpu.wait_dma2 semaphore(%run_scoped3A : memref<!tpu.dma_semaphore, #tpu.memory_space<semaphore_mem>>) src(%dma_wait3A_65 : memref<128x16xf32, #tpu.memory_space<hbm>>) dst(%arg9 : memref<128x16xf32, #tpu.memory_space<vmem>>)
          tpu.yield
        }) : () -> ()
        "tpu.region"() ({
          %run_scoped3A = tpu.sem_alloc : memref<!tpu.dma_semaphore, #tpu.memory_space<semaphore_mem>>
          %dma_start3A = arith.constant 0 : i32
          %dma_start3A_64 = arith.constant 0 : i32
          %dma_start3A_65 = tpu.memref_slice %arg10[%dma_start3A, %dma_start3A_64] : memref<50000x16xf32, #tpu.memory_space<vmem_shared>> -> memref<50000x16xf32, #tpu.memory_space<vmem_shared>>
          tpu.enqueue_indirect_dma source(%arg9 : memref<128x16xf32, #tpu.memory_space<vmem>>) target(%dma_start3A_65 : memref<50000x16xf32, #tpu.memory_space<vmem_shared>>) offsets(%arg8 : memref<128xi32, #tpu.memory_space<vmem>>) semaphore(%run_scoped3A : memref<!tpu.dma_semaphore, #tpu.memory_space<semaphore_mem>>) {add = true}
          %dma_wait3A = arith.constant 0 : i32
          %dma_wait3A_66 = arith.constant 0 : i32
          %dma_wait3A_67 = tpu.memref_slice %arg10[%dma_wait3A, %dma_wait3A_66] : memref<50000x16xf32, #tpu.memory_space<vmem_shared>> -> memref<50000x16xf32, #tpu.memory_space<vmem_shared>>
          tpu.wait_indirect_dma semaphore(%run_scoped3A : memref<!tpu.dma_semaphore, #tpu.memory_space<semaphore_mem>>) src(%arg9 : memref<128x16xf32, #tpu.memory_space<vmem>>) dst(%dma_wait3A_67 : memref<50000x16xf32, #tpu.memory_space<vmem_shared>>)
          tpu.yield
        }) : () -> ()
      } else {
      }
    }
    %scan3A_30 = arith.constant 391 : i32
    %barrier3A_31 = arith.constant 0 : index
    tpu.barrier barrier_id(%barrier3A_31)
    %convert_element_type3A_32 = arith.extui %ge3A_16 : i1 to i32
    %cond3A_33 = arith.constant 0 : i32
    %cond3A_34 = arith.cmpi ne, %convert_element_type3A_32, %cond3A_33 : i32
    scf.if %cond3A_34 {
      "tpu.region"() ({
        %run_scoped3A = tpu.sem_alloc : memref<!tpu.dma_semaphore, #tpu.memory_space<semaphore_mem>>
        %dma_start3A = tpu.memref_slice %arg6[%mul3A_0, %add3A_20] : memref<50000x64xf32, #tpu.memory_space<hbm>> -> memref<3125x16xf32, #tpu.memory_space<hbm>>
        %dma_start3A_54 = arith.constant 0 : i32
        %dma_start3A_55 = tpu.memref_slice %arg10[%mul3A_0, %dma_start3A_54] : memref<50000x16xf32, #tpu.memory_space<vmem_shared>> -> memref<3125x16xf32, #tpu.memory_space<vmem_shared>>
        tpu.enqueue_dma source(%dma_start3A_55 : memref<3125x16xf32, #tpu.memory_space<vmem_shared>>) target(%dma_start3A : memref<3125x16xf32, #tpu.memory_space<hbm>>) target_semaphore(%run_scoped3A : memref<!tpu.dma_semaphore, #tpu.memory_space<semaphore_mem>>)
        %dma_wait3A = tpu.memref_slice %arg6[%mul3A_0, %add3A_20] : memref<50000x64xf32, #tpu.memory_space<hbm>> -> memref<3125x16xf32, #tpu.memory_space<hbm>>
        %dma_wait3A_56 = arith.constant 0 : i32
        %dma_wait3A_57 = tpu.memref_slice %arg10[%mul3A_0, %dma_wait3A_56] : memref<50000x16xf32, #tpu.memory_space<vmem_shared>> -> memref<3125x16xf32, #tpu.memory_space<vmem_shared>>
        tpu.wait_dma2 semaphore(%run_scoped3A : memref<!tpu.dma_semaphore, #tpu.memory_space<semaphore_mem>>) src(%dma_wait3A_57 : memref<3125x16xf32, #tpu.memory_space<vmem_shared>>) dst(%dma_wait3A : memref<3125x16xf32, #tpu.memory_space<hbm>>)
        tpu.yield
      }) : () -> ()
    } else {
    }
    %eq3A = arith.constant 0 : i32
    %eq3A_35 = arith.cmpi eq, %arg0, %eq3A : i32
    %mul3A_36 = arith.constant 32 : i32
    %mul3A_37 = arith.muli %arg0, %mul3A_36 : i32
    %add3A_38 = arith.constant 32 : i32
    %add3A_39 = arith.addi %mul3A_37, %add3A_38 : i32
    %convert_element_type3A_40 = arith.extui %eq3A_35 : i1 to i32
    %cond3A_41 = arith.constant 0 : i32
    %cond3A_42 = arith.cmpi ne, %convert_element_type3A_40, %cond3A_41 : i32
    scf.if %cond3A_42 {
      "tpu.region"() ({
        %run_scoped3A = tpu.sem_alloc : memref<!tpu.dma_semaphore, #tpu.memory_space<semaphore_mem>>
        %dma_start3A = arith.constant 0 : i32
        %dma_start3A_54 = tpu.memref_slice %arg10[%mul3A_0, %dma_start3A] : memref<50000x16xf32, #tpu.memory_space<vmem_shared>> -> memref<3125x16xf32, #tpu.memory_space<vmem_shared>>
        tpu.enqueue_dma source(%arg5 : memref<3125x16xf32, #tpu.memory_space<hbm>>) target(%dma_start3A_54 : memref<3125x16xf32, #tpu.memory_space<vmem_shared>>) target_semaphore(%run_scoped3A : memref<!tpu.dma_semaphore, #tpu.memory_space<semaphore_mem>>)
        %dma_wait3A = arith.constant 0 : i32
        %dma_wait3A_55 = tpu.memref_slice %arg10[%mul3A_0, %dma_wait3A] : memref<50000x16xf32, #tpu.memory_space<vmem_shared>> -> memref<3125x16xf32, #tpu.memory_space<vmem_shared>>
        tpu.wait_dma2 semaphore(%run_scoped3A : memref<!tpu.dma_semaphore, #tpu.memory_space<semaphore_mem>>) src(%arg5 : memref<3125x16xf32, #tpu.memory_space<hbm>>) dst(%dma_wait3A_55 : memref<3125x16xf32, #tpu.memory_space<vmem_shared>>)
        tpu.yield
      }) : () -> ()
    } else {
    }
    %barrier3A_43 = arith.constant 0 : index
    tpu.barrier barrier_id(%barrier3A_43)
    %scan3A_44 = arith.constant 0 : i32
    %scan3A_45 = arith.constant 0 : i32
    %scan3A_46 = arith.constant 391 : i32
    %scan3A_47 = arith.addi %scan3A_45, %scan3A_46 : i32
    %scan3A_48 = arith.constant 1 : i32
    scf.for %scan3A_54 = %scan3A_45 to %scan3A_47 step %scan3A_48  : i32 {
      %mul3A_55 = arith.constant 16 : i32
      %mul3A_56 = arith.muli %scan3A_54, %mul3A_55 : i32
      %add3A_57 = arith.addi %arg1, %mul3A_56 : i32
      %lt3A = arith.constant 6250 : i32
      %lt3A_58 = arith.cmpi slt, %add3A_57, %lt3A : i32
      %and3A = arith.andi %lt3A_58, %eq3A_35 : i1
      %convert_element_type3A_59 = arith.extui %and3A : i1 to i32
      %cond3A_60 = arith.constant 0 : i32
      %cond3A_61 = arith.cmpi ne, %convert_element_type3A_59, %cond3A_60 : i32
      scf.if %cond3A_61 {
        %mul3A_62 = arith.constant 128 : i32
        %mul3A_63 = arith.muli %add3A_57, %mul3A_62 : i32
        "tpu.region"() ({
          %run_scoped3A = tpu.sem_alloc : memref<!tpu.dma_semaphore, #tpu.memory_space<semaphore_mem>>
          %dma_start3A = arith.constant 0 : i32
          %dma_start3A_64 = tpu.memref_slice %arg4[%add3A_57, %dma_start3A] : memref<6250x128xi32, #tpu.memory_space<hbm>> -> memref<1x128xi32, #tpu.memory_space<hbm>>
          %dma_start3A_65 = tpu.memref_squeeze %dma_start3A_64 : memref<1x128xi32, #tpu.memory_space<hbm>> -> memref<128xi32, #tpu.memory_space<hbm>>
          %dma_start3A_66 = arith.constant 0 : i32
          %dma_start3A_67 = tpu.memref_slice %arg4[%add3A_57, %dma_start3A_66] : memref<6250x128xi32, #tpu.memory_space<hbm>> -> memref<1x128xi32, #tpu.memory_space<hbm>>
          %dma_start3A_68 = tpu.memref_squeeze %dma_start3A_67 : memref<1x128xi32, #tpu.memory_space<hbm>> -> memref<128xi32, #tpu.memory_space<hbm>>
          tpu.enqueue_dma source(%dma_start3A_68 : memref<128xi32, #tpu.memory_space<hbm>>) target(%arg8 : memref<128xi32, #tpu.memory_space<vmem>>) target_semaphore(%run_scoped3A : memref<!tpu.dma_semaphore, #tpu.memory_space<semaphore_mem>>)
          %dma_wait3A = arith.constant 0 : i32
          %dma_wait3A_69 = tpu.memref_slice %arg4[%add3A_57, %dma_wait3A] : memref<6250x128xi32, #tpu.memory_space<hbm>> -> memref<1x128xi32, #tpu.memory_space<hbm>>
          %dma_wait3A_70 = tpu.memref_squeeze %dma_wait3A_69 : memref<1x128xi32, #tpu.memory_space<hbm>> -> memref<128xi32, #tpu.memory_space<hbm>>
          %dma_wait3A_71 = arith.constant 0 : i32
          %dma_wait3A_72 = tpu.memref_slice %arg4[%add3A_57, %dma_wait3A_71] : memref<6250x128xi32, #tpu.memory_space<hbm>> -> memref<1x128xi32, #tpu.memory_space<hbm>>
          %dma_wait3A_73 = tpu.memref_squeeze %dma_wait3A_72 : memref<1x128xi32, #tpu.memory_space<hbm>> -> memref<128xi32, #tpu.memory_space<hbm>>
          tpu.wait_dma2 semaphore(%run_scoped3A : memref<!tpu.dma_semaphore, #tpu.memory_space<semaphore_mem>>) src(%dma_wait3A_73 : memref<128xi32, #tpu.memory_space<hbm>>) dst(%arg8 : memref<128xi32, #tpu.memory_space<vmem>>)
          tpu.yield
        }) : () -> ()
        "tpu.region"() ({
          %run_scoped3A = tpu.sem_alloc : memref<!tpu.dma_semaphore, #tpu.memory_space<semaphore_mem>>
          %dma_start3A = arith.constant 0 : i32
          %dma_start3A_64 = tpu.memref_slice %arg3[%mul3A_63, %dma_start3A] : memref<800000x16xf32, #tpu.memory_space<hbm>> -> memref<128x16xf32, #tpu.memory_space<hbm>>
          %dma_start3A_65 = arith.constant 0 : i32
          %dma_start3A_66 = tpu.memref_slice %arg3[%mul3A_63, %dma_start3A_65] : memref<800000x16xf32, #tpu.memory_space<hbm>> -> memref<128x16xf32, #tpu.memory_space<hbm>>
          tpu.enqueue_dma source(%dma_start3A_66 : memref<128x16xf32, #tpu.memory_space<hbm>>) target(%arg9 : memref<128x16xf32, #tpu.memory_space<vmem>>) target_semaphore(%run_scoped3A : memref<!tpu.dma_semaphore, #tpu.memory_space<semaphore_mem>>)
          %dma_wait3A = arith.constant 0 : i32
          %dma_wait3A_67 = tpu.memref_slice %arg3[%mul3A_63, %dma_wait3A] : memref<800000x16xf32, #tpu.memory_space<hbm>> -> memref<128x16xf32, #tpu.memory_space<hbm>>
          %dma_wait3A_68 = arith.constant 0 : i32
          %dma_wait3A_69 = tpu.memref_slice %arg3[%mul3A_63, %dma_wait3A_68] : memref<800000x16xf32, #tpu.memory_space<hbm>> -> memref<128x16xf32, #tpu.memory_space<hbm>>
          tpu.wait_dma2 semaphore(%run_scoped3A : memref<!tpu.dma_semaphore, #tpu.memory_space<semaphore_mem>>) src(%dma_wait3A_69 : memref<128x16xf32, #tpu.memory_space<hbm>>) dst(%arg9 : memref<128x16xf32, #tpu.memory_space<vmem>>)
          tpu.yield
        }) : () -> ()
        "tpu.region"() ({
          %run_scoped3A = tpu.sem_alloc : memref<!tpu.dma_semaphore, #tpu.memory_space<semaphore_mem>>
          %dma_start3A = arith.constant 0 : i32
          %dma_start3A_64 = arith.constant 0 : i32
          %dma_start3A_65 = tpu.memref_slice %arg10[%dma_start3A, %dma_start3A_64] : memref<50000x16xf32, #tpu.memory_space<vmem_shared>> -> memref<50000x16xf32, #tpu.memory_space<vmem_shared>>
          tpu.enqueue_indirect_dma source(%arg9 : memref<128x16xf32, #tpu.memory_space<vmem>>) target(%dma_start3A_65 : memref<50000x16xf32, #tpu.memory_space<vmem_shared>>) offsets(%arg8 : memref<128xi32, #tpu.memory_space<vmem>>) semaphore(%run_scoped3A : memref<!tpu.dma_semaphore, #tpu.memory_space<semaphore_mem>>) {add = true}
          %dma_wait3A = arith.constant 0 : i32
          %dma_wait3A_66 = arith.constant 0 : i32
          %dma_wait3A_67 = tpu.memref_slice %arg10[%dma_wait3A, %dma_wait3A_66] : memref<50000x16xf32, #tpu.memory_space<vmem_shared>> -> memref<50000x16xf32, #tpu.memory_space<vmem_shared>>
          tpu.wait_indirect_dma semaphore(%run_scoped3A : memref<!tpu.dma_semaphore, #tpu.memory_space<semaphore_mem>>) src(%arg9 : memref<128x16xf32, #tpu.memory_space<vmem>>) dst(%dma_wait3A_67 : memref<50000x16xf32, #tpu.memory_space<vmem_shared>>)
          tpu.yield
        }) : () -> ()
      } else {
      }
    }
    %scan3A_49 = arith.constant 391 : i32
    %barrier3A_50 = arith.constant 0 : index
    tpu.barrier barrier_id(%barrier3A_50)
    %convert_element_type3A_51 = arith.extui %eq3A_35 : i1 to i32
    %cond3A_52 = arith.constant 0 : i32
    %cond3A_53 = arith.cmpi ne, %convert_element_type3A_51, %cond3A_52 : i32
    scf.if %cond3A_53 {
      "tpu.region"() ({
        %run_scoped3A = tpu.sem_alloc : memref<!tpu.dma_semaphore, #tpu.memory_space<semaphore_mem>>
        %dma_start3A = arith.constant 0 : i32
        %dma_start3A_54 = tpu.memref_slice %arg7[%mul3A_0, %dma_start3A] : memref<50000x16xf32, #tpu.memory_space<hbm>> -> memref<3125x16xf32, #tpu.memory_space<hbm>>
        %dma_start3A_55 = arith.constant 0 : i32
        %dma_start3A_56 = tpu.memref_slice %arg10[%mul3A_0, %dma_start3A_55] : memref<50000x16xf32, #tpu.memory_space<vmem_shared>> -> memref<3125x16xf32, #tpu.memory_space<vmem_shared>>
        tpu.enqueue_dma source(%dma_start3A_56 : memref<3125x16xf32, #tpu.memory_space<vmem_shared>>) target(%dma_start3A_54 : memref<3125x16xf32, #tpu.memory_space<hbm>>) target_semaphore(%run_scoped3A : memref<!tpu.dma_semaphore, #tpu.memory_space<semaphore_mem>>)
        %dma_wait3A = arith.constant 0 : i32
        %dma_wait3A_57 = tpu.memref_slice %arg7[%mul3A_0, %dma_wait3A] : memref<50000x16xf32, #tpu.memory_space<hbm>> -> memref<3125x16xf32, #tpu.memory_space<hbm>>
        %dma_wait3A_58 = arith.constant 0 : i32
        %dma_wait3A_59 = tpu.memref_slice %arg10[%mul3A_0, %dma_wait3A_58] : memref<50000x16xf32, #tpu.memory_space<vmem_shared>> -> memref<3125x16xf32, #tpu.memory_space<vmem_shared>>
        tpu.wait_dma2 semaphore(%run_scoped3A : memref<!tpu.dma_semaphore, #tpu.memory_space<semaphore_mem>>) src(%dma_wait3A_59 : memref<3125x16xf32, #tpu.memory_space<vmem_shared>>) dst(%dma_wait3A_57 : memref<3125x16xf32, #tpu.memory_space<hbm>>)
        tpu.yield
      }) : () -> ()
    } else {
    }
    return
  }
}

#map = affine_map<(d0, d1) -> (0, 0)>
module attributes {stable_mosaic.version = 14 : i64} {
  func.func @sk(%arg0: i32, %arg1: i32, %arg2: memref<800000x64xf32, #tpu.memory_space<hbm>>, %arg3: memref<800000x16xf32, #tpu.memory_space<hbm>>, %arg4: memref<6250x128xi32, #tpu.memory_space<hbm>>, %arg5: memref<3125x16xf32, #tpu.memory_space<hbm>>, %arg6: memref<50000x64xf32, #tpu.memory_space<hbm>>, %arg7: memref<50000x16xf32, #tpu.memory_space<hbm>>, %arg8: memref<128xi32, #tpu.memory_space<vmem>>, %arg9: memref<128x16xf32, #tpu.memory_space<vmem>>, %arg10: memref<50000x16xf32, #tpu.memory_space<vmem_shared>>) attributes {dimension_semantics = [#tpu.dimension_semantics<core_parallel>, #tpu.dimension_semantics<subcore_parallel>], iteration_bounds = array<i64: 2, 16>, scalar_prefetch = 0 : i64, scratch_operands = 3 : i64, tpu.core_type = #tpu.core_type<sc_vector_subcore>, window_params = [{transform_indices = #map}, {transform_indices = #map}, {transform_indices = #map}, {transform_indices = #map}, {transform_indices = #map}, {transform_indices = #map}]} {
    %mul3A = arith.constant 3125 : i32
    %mul3A_0 = arith.muli %arg1, %mul3A : i32
    %ge3A = arith.constant 0 : i32
    %ge3A_1 = arith.cmpi sge, %arg0, %ge3A : i32
    %mul3A_2 = arith.constant 32 : i32
    %mul3A_3 = arith.muli %arg0, %mul3A_2 : i32
    %add3A = arith.constant 0 : i32
    %add3A_4 = arith.addi %mul3A_3, %add3A : i32
    %convert_element_type3A = arith.extui %ge3A_1 : i1 to i32
    %cond3A = arith.constant 0 : i32
    %cond3A_5 = arith.cmpi ne, %convert_element_type3A, %cond3A : i32
    scf.if %cond3A_5 {
      "tpu.region"() ({
        %run_scoped3A = tpu.sem_alloc : memref<!tpu.dma_semaphore, #tpu.memory_space<semaphore_mem>>
        %dma_start3A = arith.constant 0 : i32
        %dma_start3A_54 = tpu.memref_slice %arg10[%mul3A_0, %dma_start3A] : memref<50000x16xf32, #tpu.memory_space<vmem_shared>> -> memref<3125x16xf32, #tpu.memory_space<vmem_shared>>
        tpu.enqueue_dma source(%arg5 : memref<3125x16xf32, #tpu.memory_space<hbm>>) target(%dma_start3A_54 : memref<3125x16xf32, #tpu.memory_space<vmem_shared>>) target_semaphore(%run_scoped3A : memref<!tpu.dma_semaphore, #tpu.memory_space<semaphore_mem>>)
        %dma_wait3A = arith.constant 0 : i32
        %dma_wait3A_55 = tpu.memref_slice %arg10[%mul3A_0, %dma_wait3A] : memref<50000x16xf32, #tpu.memory_space<vmem_shared>> -> memref<3125x16xf32, #tpu.memory_space<vmem_shared>>
        tpu.wait_dma2 semaphore(%run_scoped3A : memref<!tpu.dma_semaphore, #tpu.memory_space<semaphore_mem>>) src(%arg5 : memref<3125x16xf32, #tpu.memory_space<hbm>>) dst(%dma_wait3A_55 : memref<3125x16xf32, #tpu.memory_space<vmem_shared>>)
        tpu.yield
      }) : () -> ()
    } else {
    }
    %barrier3A = arith.constant 0 : index
    tpu.barrier barrier_id(%barrier3A)
    %scan3A = arith.constant 0 : i32
    %scan3A_6 = arith.constant 0 : i32
    %scan3A_7 = arith.constant 391 : i32
    %scan3A_8 = arith.addi %scan3A_6, %scan3A_7 : i32
    %scan3A_9 = arith.constant 1 : i32
    scf.for %scan3A_54 = %scan3A_6 to %scan3A_8 step %scan3A_9  : i32 {
      %mul3A_55 = arith.constant 16 : i32
      %mul3A_56 = arith.muli %scan3A_54, %mul3A_55 : i32
      %add3A_57 = arith.addi %arg1, %mul3A_56 : i32
      %lt3A = arith.constant 6250 : i32
      %lt3A_58 = arith.cmpi slt, %add3A_57, %lt3A : i32
      %and3A = arith.andi %lt3A_58, %ge3A_1 : i1
      %convert_element_type3A_59 = arith.extui %and3A : i1 to i32
      %cond3A_60 = arith.constant 0 : i32
      %cond3A_61 = arith.cmpi ne, %convert_element_type3A_59, %cond3A_60 : i32
      scf.if %cond3A_61 {
        %mul3A_62 = arith.constant 128 : i32
        %mul3A_63 = arith.muli %add3A_57, %mul3A_62 : i32
        "tpu.region"() ({
          %run_scoped3A = tpu.sem_alloc : memref<!tpu.dma_semaphore, #tpu.memory_space<semaphore_mem>>
          %dma_start3A = arith.constant 0 : i32
          %dma_start3A_64 = tpu.memref_slice %arg4[%add3A_57, %dma_start3A] : memref<6250x128xi32, #tpu.memory_space<hbm>> -> memref<1x128xi32, #tpu.memory_space<hbm>>
          %dma_start3A_65 = tpu.memref_squeeze %dma_start3A_64 : memref<1x128xi32, #tpu.memory_space<hbm>> -> memref<128xi32, #tpu.memory_space<hbm>>
          %dma_start3A_66 = arith.constant 0 : i32
          %dma_start3A_67 = tpu.memref_slice %arg4[%add3A_57, %dma_start3A_66] : memref<6250x128xi32, #tpu.memory_space<hbm>> -> memref<1x128xi32, #tpu.memory_space<hbm>>
          %dma_start3A_68 = tpu.memref_squeeze %dma_start3A_67 : memref<1x128xi32, #tpu.memory_space<hbm>> -> memref<128xi32, #tpu.memory_space<hbm>>
          tpu.enqueue_dma source(%dma_start3A_68 : memref<128xi32, #tpu.memory_space<hbm>>) target(%arg8 : memref<128xi32, #tpu.memory_space<vmem>>) target_semaphore(%run_scoped3A : memref<!tpu.dma_semaphore, #tpu.memory_space<semaphore_mem>>)
          %dma_wait3A = arith.constant 0 : i32
          %dma_wait3A_69 = tpu.memref_slice %arg4[%add3A_57, %dma_wait3A] : memref<6250x128xi32, #tpu.memory_space<hbm>> -> memref<1x128xi32, #tpu.memory_space<hbm>>
          %dma_wait3A_70 = tpu.memref_squeeze %dma_wait3A_69 : memref<1x128xi32, #tpu.memory_space<hbm>> -> memref<128xi32, #tpu.memory_space<hbm>>
          %dma_wait3A_71 = arith.constant 0 : i32
          %dma_wait3A_72 = tpu.memref_slice %arg4[%add3A_57, %dma_wait3A_71] : memref<6250x128xi32, #tpu.memory_space<hbm>> -> memref<1x128xi32, #tpu.memory_space<hbm>>
          %dma_wait3A_73 = tpu.memref_squeeze %dma_wait3A_72 : memref<1x128xi32, #tpu.memory_space<hbm>> -> memref<128xi32, #tpu.memory_space<hbm>>
          tpu.wait_dma2 semaphore(%run_scoped3A : memref<!tpu.dma_semaphore, #tpu.memory_space<semaphore_mem>>) src(%dma_wait3A_73 : memref<128xi32, #tpu.memory_space<hbm>>) dst(%arg8 : memref<128xi32, #tpu.memory_space<vmem>>)
          tpu.yield
        }) : () -> ()
        "tpu.region"() ({
          %run_scoped3A = tpu.sem_alloc : memref<!tpu.dma_semaphore, #tpu.memory_space<semaphore_mem>>
          %dma_start3A = tpu.memref_slice %arg2[%mul3A_63, %add3A_4] : memref<800000x64xf32, #tpu.memory_space<hbm>> -> memref<128x16xf32, #tpu.memory_space<hbm>>
          %dma_start3A_64 = tpu.memref_slice %arg2[%mul3A_63, %add3A_4] : memref<800000x64xf32, #tpu.memory_space<hbm>> -> memref<128x16xf32, #tpu.memory_space<hbm>>
          tpu.enqueue_dma source(%dma_start3A_64 : memref<128x16xf32, #tpu.memory_space<hbm>>) target(%arg9 : memref<128x16xf32, #tpu.memory_space<vmem>>) target_semaphore(%run_scoped3A : memref<!tpu.dma_semaphore, #tpu.memory_space<semaphore_mem>>)
          %dma_wait3A = tpu.memref_slice %arg2[%mul3A_63, %add3A_4] : memref<800000x64xf32, #tpu.memory_space<hbm>> -> memref<128x16xf32, #tpu.memory_space<hbm>>
          %dma_wait3A_65 = tpu.memref_slice %arg2[%mul3A_63, %add3A_4] : memref<800000x64xf32, #tpu.memory_space<hbm>> -> memref<128x16xf32, #tpu.memory_space<hbm>>
          tpu.wait_dma2 semaphore(%run_scoped3A : memref<!tpu.dma_semaphore, #tpu.memory_space<semaphore_mem>>) src(%dma_wait3A_65 : memref<128x16xf32, #tpu.memory_space<hbm>>) dst(%arg9 : memref<128x16xf32, #tpu.memory_space<vmem>>)
          tpu.yield
        }) : () -> ()
        "tpu.region"() ({
          %run_scoped3A = tpu.sem_alloc : memref<!tpu.dma_semaphore, #tpu.memory_space<semaphore_mem>>
          %dma_start3A = arith.constant 0 : i32
          %dma_start3A_64 = arith.constant 0 : i32
          %dma_start3A_65 = tpu.memref_slice %arg10[%dma_start3A, %dma_start3A_64] : memref<50000x16xf32, #tpu.memory_space<vmem_shared>> -> memref<50000x16xf32, #tpu.memory_space<vmem_shared>>
          tpu.enqueue_indirect_dma source(%arg9 : memref<128x16xf32, #tpu.memory_space<vmem>>) target(%dma_start3A_65 : memref<50000x16xf32, #tpu.memory_space<vmem_shared>>) offsets(%arg8 : memref<128xi32, #tpu.memory_space<vmem>>) semaphore(%run_scoped3A : memref<!tpu.dma_semaphore, #tpu.memory_space<semaphore_mem>>) {add = true}
          %dma_wait3A = arith.constant 0 : i32
          %dma_wait3A_66 = arith.constant 0 : i32
          %dma_wait3A_67 = tpu.memref_slice %arg10[%dma_wait3A, %dma_wait3A_66] : memref<50000x16xf32, #tpu.memory_space<vmem_shared>> -> memref<50000x16xf32, #tpu.memory_space<vmem_shared>>
          tpu.wait_indirect_dma semaphore(%run_scoped3A : memref<!tpu.dma_semaphore, #tpu.memory_space<semaphore_mem>>) src(%arg9 : memref<128x16xf32, #tpu.memory_space<vmem>>) dst(%dma_wait3A_67 : memref<50000x16xf32, #tpu.memory_space<vmem_shared>>)
          tpu.yield
        }) : () -> ()
      } else {
      }
    }
    %scan3A_10 = arith.constant 391 : i32
    %barrier3A_11 = arith.constant 0 : index
    tpu.barrier barrier_id(%barrier3A_11)
    %convert_element_type3A_12 = arith.extui %ge3A_1 : i1 to i32
    %cond3A_13 = arith.constant 0 : i32
    %cond3A_14 = arith.cmpi ne, %convert_element_type3A_12, %cond3A_13 : i32
    scf.if %cond3A_14 {
      "tpu.region"() ({
        %run_scoped3A = tpu.sem_alloc : memref<!tpu.dma_semaphore, #tpu.memory_space<semaphore_mem>>
        %dma_start3A = tpu.memref_slice %arg6[%mul3A_0, %add3A_4] : memref<50000x64xf32, #tpu.memory_space<hbm>> -> memref<3125x16xf32, #tpu.memory_space<hbm>>
        %dma_start3A_54 = arith.constant 0 : i32
        %dma_start3A_55 = tpu.memref_slice %arg10[%mul3A_0, %dma_start3A_54] : memref<50000x16xf32, #tpu.memory_space<vmem_shared>> -> memref<3125x16xf32, #tpu.memory_space<vmem_shared>>
        tpu.enqueue_dma source(%dma_start3A_55 : memref<3125x16xf32, #tpu.memory_space<vmem_shared>>) target(%dma_start3A : memref<3125x16xf32, #tpu.memory_space<hbm>>) target_semaphore(%run_scoped3A : memref<!tpu.dma_semaphore, #tpu.memory_space<semaphore_mem>>)
        %dma_wait3A = tpu.memref_slice %arg6[%mul3A_0, %add3A_4] : memref<50000x64xf32, #tpu.memory_space<hbm>> -> memref<3125x16xf32, #tpu.memory_space<hbm>>
        %dma_wait3A_56 = arith.constant 0 : i32
        %dma_wait3A_57 = tpu.memref_slice %arg10[%mul3A_0, %dma_wait3A_56] : memref<50000x16xf32, #tpu.memory_space<vmem_shared>> -> memref<3125x16xf32, #tpu.memory_space<vmem_shared>>
        tpu.wait_dma2 semaphore(%run_scoped3A : memref<!tpu.dma_semaphore, #tpu.memory_space<semaphore_mem>>) src(%dma_wait3A_57 : memref<3125x16xf32, #tpu.memory_space<vmem_shared>>) dst(%dma_wait3A : memref<3125x16xf32, #tpu.memory_space<hbm>>)
        tpu.yield
      }) : () -> ()
    } else {
    }
    %ge3A_15 = arith.constant 0 : i32
    %ge3A_16 = arith.cmpi sge, %arg0, %ge3A_15 : i32
    %mul3A_17 = arith.constant 32 : i32
    %mul3A_18 = arith.muli %arg0, %mul3A_17 : i32
    %add3A_19 = arith.constant 16 : i32
    %add3A_20 = arith.addi %mul3A_18, %add3A_19 : i32
    %convert_element_type3A_21 = arith.extui %ge3A_16 : i1 to i32
    %cond3A_22 = arith.constant 0 : i32
    %cond3A_23 = arith.cmpi ne, %convert_element_type3A_21, %cond3A_22 : i32
    scf.if %cond3A_23 {
      "tpu.region"() ({
        %run_scoped3A = tpu.sem_alloc : memref<!tpu.dma_semaphore, #tpu.memory_space<semaphore_mem>>
        %dma_start3A = arith.constant 0 : i32
        %dma_start3A_54 = tpu.memref_slice %arg10[%mul3A_0, %dma_start3A] : memref<50000x16xf32, #tpu.memory_space<vmem_shared>> -> memref<3125x16xf32, #tpu.memory_space<vmem_shared>>
        tpu.enqueue_dma source(%arg5 : memref<3125x16xf32, #tpu.memory_space<hbm>>) target(%dma_start3A_54 : memref<3125x16xf32, #tpu.memory_space<vmem_shared>>) target_semaphore(%run_scoped3A : memref<!tpu.dma_semaphore, #tpu.memory_space<semaphore_mem>>)
        %dma_wait3A = arith.constant 0 : i32
        %dma_wait3A_55 = tpu.memref_slice %arg10[%mul3A_0, %dma_wait3A] : memref<50000x16xf32, #tpu.memory_space<vmem_shared>> -> memref<3125x16xf32, #tpu.memory_space<vmem_shared>>
        tpu.wait_dma2 semaphore(%run_scoped3A : memref<!tpu.dma_semaphore, #tpu.memory_space<semaphore_mem>>) src(%arg5 : memref<3125x16xf32, #tpu.memory_space<hbm>>) dst(%dma_wait3A_55 : memref<3125x16xf32, #tpu.memory_space<vmem_shared>>)
        tpu.yield
      }) : () -> ()
    } else {
    }
    %barrier3A_24 = arith.constant 0 : index
    tpu.barrier barrier_id(%barrier3A_24)
    %scan3A_25 = arith.constant 0 : i32
    %scan3A_26 = arith.constant 0 : i32
    %scan3A_27 = arith.constant 391 : i32
    %scan3A_28 = arith.addi %scan3A_26, %scan3A_27 : i32
    %scan3A_29 = arith.constant 1 : i32
    scf.for %scan3A_54 = %scan3A_26 to %scan3A_28 step %scan3A_29  : i32 {
      %mul3A_55 = arith.constant 16 : i32
      %mul3A_56 = arith.muli %scan3A_54, %mul3A_55 : i32
      %add3A_57 = arith.addi %arg1, %mul3A_56 : i32
      %lt3A = arith.constant 6250 : i32
      %lt3A_58 = arith.cmpi slt, %add3A_57, %lt3A : i32
      %and3A = arith.andi %lt3A_58, %ge3A_16 : i1
      %convert_element_type3A_59 = arith.extui %and3A : i1 to i32
      %cond3A_60 = arith.constant 0 : i32
      %cond3A_61 = arith.cmpi ne, %convert_element_type3A_59, %cond3A_60 : i32
      scf.if %cond3A_61 {
        %mul3A_62 = arith.constant 128 : i32
        %mul3A_63 = arith.muli %add3A_57, %mul3A_62 : i32
        "tpu.region"() ({
          %run_scoped3A = tpu.sem_alloc : memref<!tpu.dma_semaphore, #tpu.memory_space<semaphore_mem>>
          %dma_start3A = arith.constant 0 : i32
          %dma_start3A_64 = tpu.memref_slice %arg4[%add3A_57, %dma_start3A] : memref<6250x128xi32, #tpu.memory_space<hbm>> -> memref<1x128xi32, #tpu.memory_space<hbm>>
          %dma_start3A_65 = tpu.memref_squeeze %dma_start3A_64 : memref<1x128xi32, #tpu.memory_space<hbm>> -> memref<128xi32, #tpu.memory_space<hbm>>
          %dma_start3A_66 = arith.constant 0 : i32
          %dma_start3A_67 = tpu.memref_slice %arg4[%add3A_57, %dma_start3A_66] : memref<6250x128xi32, #tpu.memory_space<hbm>> -> memref<1x128xi32, #tpu.memory_space<hbm>>
          %dma_start3A_68 = tpu.memref_squeeze %dma_start3A_67 : memref<1x128xi32, #tpu.memory_space<hbm>> -> memref<128xi32, #tpu.memory_space<hbm>>
          tpu.enqueue_dma source(%dma_start3A_68 : memref<128xi32, #tpu.memory_space<hbm>>) target(%arg8 : memref<128xi32, #tpu.memory_space<vmem>>) target_semaphore(%run_scoped3A : memref<!tpu.dma_semaphore, #tpu.memory_space<semaphore_mem>>)
          %dma_wait3A = arith.constant 0 : i32
          %dma_wait3A_69 = tpu.memref_slice %arg4[%add3A_57, %dma_wait3A] : memref<6250x128xi32, #tpu.memory_space<hbm>> -> memref<1x128xi32, #tpu.memory_space<hbm>>
          %dma_wait3A_70 = tpu.memref_squeeze %dma_wait3A_69 : memref<1x128xi32, #tpu.memory_space<hbm>> -> memref<128xi32, #tpu.memory_space<hbm>>
          %dma_wait3A_71 = arith.constant 0 : i32
          %dma_wait3A_72 = tpu.memref_slice %arg4[%add3A_57, %dma_wait3A_71] : memref<6250x128xi32, #tpu.memory_space<hbm>> -> memref<1x128xi32, #tpu.memory_space<hbm>>
          %dma_wait3A_73 = tpu.memref_squeeze %dma_wait3A_72 : memref<1x128xi32, #tpu.memory_space<hbm>> -> memref<128xi32, #tpu.memory_space<hbm>>
          tpu.wait_dma2 semaphore(%run_scoped3A : memref<!tpu.dma_semaphore, #tpu.memory_space<semaphore_mem>>) src(%dma_wait3A_73 : memref<128xi32, #tpu.memory_space<hbm>>) dst(%arg8 : memref<128xi32, #tpu.memory_space<vmem>>)
          tpu.yield
        }) : () -> ()
        "tpu.region"() ({
          %run_scoped3A = tpu.sem_alloc : memref<!tpu.dma_semaphore, #tpu.memory_space<semaphore_mem>>
          %dma_start3A = tpu.memref_slice %arg2[%mul3A_63, %add3A_20] : memref<800000x64xf32, #tpu.memory_space<hbm>> -> memref<128x16xf32, #tpu.memory_space<hbm>>
          %dma_start3A_64 = tpu.memref_slice %arg2[%mul3A_63, %add3A_20] : memref<800000x64xf32, #tpu.memory_space<hbm>> -> memref<128x16xf32, #tpu.memory_space<hbm>>
          tpu.enqueue_dma source(%dma_start3A_64 : memref<128x16xf32, #tpu.memory_space<hbm>>) target(%arg9 : memref<128x16xf32, #tpu.memory_space<vmem>>) target_semaphore(%run_scoped3A : memref<!tpu.dma_semaphore, #tpu.memory_space<semaphore_mem>>)
          %dma_wait3A = tpu.memref_slice %arg2[%mul3A_63, %add3A_20] : memref<800000x64xf32, #tpu.memory_space<hbm>> -> memref<128x16xf32, #tpu.memory_space<hbm>>
          %dma_wait3A_65 = tpu.memref_slice %arg2[%mul3A_63, %add3A_20] : memref<800000x64xf32, #tpu.memory_space<hbm>> -> memref<128x16xf32, #tpu.memory_space<hbm>>
          tpu.wait_dma2 semaphore(%run_scoped3A : memref<!tpu.dma_semaphore, #tpu.memory_space<semaphore_mem>>) src(%dma_wait3A_65 : memref<128x16xf32, #tpu.memory_space<hbm>>) dst(%arg9 : memref<128x16xf32, #tpu.memory_space<vmem>>)
          tpu.yield
        }) : () -> ()
        "tpu.region"() ({
          %run_scoped3A = tpu.sem_alloc : memref<!tpu.dma_semaphore, #tpu.memory_space<semaphore_mem>>
          %dma_start3A = arith.constant 0 : i32
          %dma_start3A_64 = arith.constant 0 : i32
          %dma_start3A_65 = tpu.memref_slice %arg10[%dma_start3A, %dma_start3A_64] : memref<50000x16xf32, #tpu.memory_space<vmem_shared>> -> memref<50000x16xf32, #tpu.memory_space<vmem_shared>>
          tpu.enqueue_indirect_dma source(%arg9 : memref<128x16xf32, #tpu.memory_space<vmem>>) target(%dma_start3A_65 : memref<50000x16xf32, #tpu.memory_space<vmem_shared>>) offsets(%arg8 : memref<128xi32, #tpu.memory_space<vmem>>) semaphore(%run_scoped3A : memref<!tpu.dma_semaphore, #tpu.memory_space<semaphore_mem>>) {add = true}
          %dma_wait3A = arith.constant 0 : i32
          %dma_wait3A_66 = arith.constant 0 : i32
          %dma_wait3A_67 = tpu.memref_slice %arg10[%dma_wait3A, %dma_wait3A_66] : memref<50000x16xf32, #tpu.memory_space<vmem_shared>> -> memref<50000x16xf32, #tpu.memory_space<vmem_shared>>
          tpu.wait_indirect_dma semaphore(%run_scoped3A : memref<!tpu.dma_semaphore, #tpu.memory_space<semaphore_mem>>) src(%arg9 : memref<128x16xf32, #tpu.memory_space<vmem>>) dst(%dma_wait3A_67 : memref<50000x16xf32, #tpu.memory_space<vmem_shared>>)
          tpu.yield
        }) : () -> ()
      } else {
      }
    }
    %scan3A_30 = arith.constant 391 : i32
    %barrier3A_31 = arith.constant 0 : index
    tpu.barrier barrier_id(%barrier3A_31)
    %convert_element_type3A_32 = arith.extui %ge3A_16 : i1 to i32
    %cond3A_33 = arith.constant 0 : i32
    %cond3A_34 = arith.cmpi ne, %convert_element_type3A_32, %cond3A_33 : i32
    scf.if %cond3A_34 {
      "tpu.region"() ({
        %run_scoped3A = tpu.sem_alloc : memref<!tpu.dma_semaphore, #tpu.memory_space<semaphore_mem>>
        %dma_start3A = tpu.memref_slice %arg6[%mul3A_0, %add3A_20] : memref<50000x64xf32, #tpu.memory_space<hbm>> -> memref<3125x16xf32, #tpu.memory_space<hbm>>
        %dma_start3A_54 = arith.constant 0 : i32
        %dma_start3A_55 = tpu.memref_slice %arg10[%mul3A_0, %dma_start3A_54] : memref<50000x16xf32, #tpu.memory_space<vmem_shared>> -> memref<3125x16xf32, #tpu.memory_space<vmem_shared>>
        tpu.enqueue_dma source(%dma_start3A_55 : memref<3125x16xf32, #tpu.memory_space<vmem_shared>>) target(%dma_start3A : memref<3125x16xf32, #tpu.memory_space<hbm>>) target_semaphore(%run_scoped3A : memref<!tpu.dma_semaphore, #tpu.memory_space<semaphore_mem>>)
        %dma_wait3A = tpu.memref_slice %arg6[%mul3A_0, %add3A_20] : memref<50000x64xf32, #tpu.memory_space<hbm>> -> memref<3125x16xf32, #tpu.memory_space<hbm>>
        %dma_wait3A_56 = arith.constant 0 : i32
        %dma_wait3A_57 = tpu.memref_slice %arg10[%mul3A_0, %dma_wait3A_56] : memref<50000x16xf32, #tpu.memory_space<vmem_shared>> -> memref<3125x16xf32, #tpu.memory_space<vmem_shared>>
        tpu.wait_dma2 semaphore(%run_scoped3A : memref<!tpu.dma_semaphore, #tpu.memory_space<semaphore_mem>>) src(%dma_wait3A_57 : memref<3125x16xf32, #tpu.memory_space<vmem_shared>>) dst(%dma_wait3A : memref<3125x16xf32, #tpu.memory_space<hbm>>)
        tpu.yield
      }) : () -> ()
    } else {
    }
    %eq3A = arith.constant 0 : i32
    %eq3A_35 = arith.cmpi eq, %arg0, %eq3A : i32
    %mul3A_36 = arith.constant 32 : i32
    %mul3A_37 = arith.muli %arg0, %mul3A_36 : i32
    %add3A_38 = arith.constant 32 : i32
    %add3A_39 = arith.addi %mul3A_37, %add3A_38 : i32
    %convert_element_type3A_40 = arith.extui %eq3A_35 : i1 to i32
    %cond3A_41 = arith.constant 0 : i32
    %cond3A_42 = arith.cmpi ne, %convert_element_type3A_40, %cond3A_41 : i32
    scf.if %cond3A_42 {
      "tpu.region"() ({
        %run_scoped3A = tpu.sem_alloc : memref<!tpu.dma_semaphore, #tpu.memory_space<semaphore_mem>>
        %dma_start3A = arith.constant 0 : i32
        %dma_start3A_54 = tpu.memref_slice %arg10[%mul3A_0, %dma_start3A] : memref<50000x16xf32, #tpu.memory_space<vmem_shared>> -> memref<3125x16xf32, #tpu.memory_space<vmem_shared>>
        tpu.enqueue_dma source(%arg5 : memref<3125x16xf32, #tpu.memory_space<hbm>>) target(%dma_start3A_54 : memref<3125x16xf32, #tpu.memory_space<vmem_shared>>) target_semaphore(%run_scoped3A : memref<!tpu.dma_semaphore, #tpu.memory_space<semaphore_mem>>)
        %dma_wait3A = arith.constant 0 : i32
        %dma_wait3A_55 = tpu.memref_slice %arg10[%mul3A_0, %dma_wait3A] : memref<50000x16xf32, #tpu.memory_space<vmem_shared>> -> memref<3125x16xf32, #tpu.memory_space<vmem_shared>>
        tpu.wait_dma2 semaphore(%run_scoped3A : memref<!tpu.dma_semaphore, #tpu.memory_space<semaphore_mem>>) src(%arg5 : memref<3125x16xf32, #tpu.memory_space<hbm>>) dst(%dma_wait3A_55 : memref<3125x16xf32, #tpu.memory_space<vmem_shared>>)
        tpu.yield
      }) : () -> ()
    } else {
    }
    %barrier3A_43 = arith.constant 0 : index
    tpu.barrier barrier_id(%barrier3A_43)
    %scan3A_44 = arith.constant 0 : i32
    %scan3A_45 = arith.constant 0 : i32
    %scan3A_46 = arith.constant 391 : i32
    %scan3A_47 = arith.addi %scan3A_45, %scan3A_46 : i32
    %scan3A_48 = arith.constant 1 : i32
    scf.for %scan3A_54 = %scan3A_45 to %scan3A_47 step %scan3A_48  : i32 {
      %mul3A_55 = arith.constant 16 : i32
      %mul3A_56 = arith.muli %scan3A_54, %mul3A_55 : i32
      %add3A_57 = arith.addi %arg1, %mul3A_56 : i32
      %lt3A = arith.constant 6250 : i32
      %lt3A_58 = arith.cmpi slt, %add3A_57, %lt3A : i32
      %and3A = arith.andi %lt3A_58, %eq3A_35 : i1
      %convert_element_type3A_59 = arith.extui %and3A : i1 to i32
      %cond3A_60 = arith.constant 0 : i32
      %cond3A_61 = arith.cmpi ne, %convert_element_type3A_59, %cond3A_60 : i32
      scf.if %cond3A_61 {
        %mul3A_62 = arith.constant 128 : i32
        %mul3A_63 = arith.muli %add3A_57, %mul3A_62 : i32
        "tpu.region"() ({
          %run_scoped3A = tpu.sem_alloc : memref<!tpu.dma_semaphore, #tpu.memory_space<semaphore_mem>>
          %dma_start3A = arith.constant 0 : i32
          %dma_start3A_64 = tpu.memref_slice %arg4[%add3A_57, %dma_start3A] : memref<6250x128xi32, #tpu.memory_space<hbm>> -> memref<1x128xi32, #tpu.memory_space<hbm>>
          %dma_start3A_65 = tpu.memref_squeeze %dma_start3A_64 : memref<1x128xi32, #tpu.memory_space<hbm>> -> memref<128xi32, #tpu.memory_space<hbm>>
          %dma_start3A_66 = arith.constant 0 : i32
          %dma_start3A_67 = tpu.memref_slice %arg4[%add3A_57, %dma_start3A_66] : memref<6250x128xi32, #tpu.memory_space<hbm>> -> memref<1x128xi32, #tpu.memory_space<hbm>>
          %dma_start3A_68 = tpu.memref_squeeze %dma_start3A_67 : memref<1x128xi32, #tpu.memory_space<hbm>> -> memref<128xi32, #tpu.memory_space<hbm>>
          tpu.enqueue_dma source(%dma_start3A_68 : memref<128xi32, #tpu.memory_space<hbm>>) target(%arg8 : memref<128xi32, #tpu.memory_space<vmem>>) target_semaphore(%run_scoped3A : memref<!tpu.dma_semaphore, #tpu.memory_space<semaphore_mem>>)
          %dma_wait3A = arith.constant 0 : i32
          %dma_wait3A_69 = tpu.memref_slice %arg4[%add3A_57, %dma_wait3A] : memref<6250x128xi32, #tpu.memory_space<hbm>> -> memref<1x128xi32, #tpu.memory_space<hbm>>
          %dma_wait3A_70 = tpu.memref_squeeze %dma_wait3A_69 : memref<1x128xi32, #tpu.memory_space<hbm>> -> memref<128xi32, #tpu.memory_space<hbm>>
          %dma_wait3A_71 = arith.constant 0 : i32
          %dma_wait3A_72 = tpu.memref_slice %arg4[%add3A_57, %dma_wait3A_71] : memref<6250x128xi32, #tpu.memory_space<hbm>> -> memref<1x128xi32, #tpu.memory_space<hbm>>
          %dma_wait3A_73 = tpu.memref_squeeze %dma_wait3A_72 : memref<1x128xi32, #tpu.memory_space<hbm>> -> memref<128xi32, #tpu.memory_space<hbm>>
          tpu.wait_dma2 semaphore(%run_scoped3A : memref<!tpu.dma_semaphore, #tpu.memory_space<semaphore_mem>>) src(%dma_wait3A_73 : memref<128xi32, #tpu.memory_space<hbm>>) dst(%arg8 : memref<128xi32, #tpu.memory_space<vmem>>)
          tpu.yield
        }) : () -> ()
        "tpu.region"() ({
          %run_scoped3A = tpu.sem_alloc : memref<!tpu.dma_semaphore, #tpu.memory_space<semaphore_mem>>
          %dma_start3A = arith.constant 0 : i32
          %dma_start3A_64 = tpu.memref_slice %arg3[%mul3A_63, %dma_start3A] : memref<800000x16xf32, #tpu.memory_space<hbm>> -> memref<128x16xf32, #tpu.memory_space<hbm>>
          %dma_start3A_65 = arith.constant 0 : i32
          %dma_start3A_66 = tpu.memref_slice %arg3[%mul3A_63, %dma_start3A_65] : memref<800000x16xf32, #tpu.memory_space<hbm>> -> memref<128x16xf32, #tpu.memory_space<hbm>>
          tpu.enqueue_dma source(%dma_start3A_66 : memref<128x16xf32, #tpu.memory_space<hbm>>) target(%arg9 : memref<128x16xf32, #tpu.memory_space<vmem>>) target_semaphore(%run_scoped3A : memref<!tpu.dma_semaphore, #tpu.memory_space<semaphore_mem>>)
          %dma_wait3A = arith.constant 0 : i32
          %dma_wait3A_67 = tpu.memref_slice %arg3[%mul3A_63, %dma_wait3A] : memref<800000x16xf32, #tpu.memory_space<hbm>> -> memref<128x16xf32, #tpu.memory_space<hbm>>
          %dma_wait3A_68 = arith.constant 0 : i32
          %dma_wait3A_69 = tpu.memref_slice %arg3[%mul3A_63, %dma_wait3A_68] : memref<800000x16xf32, #tpu.memory_space<hbm>> -> memref<128x16xf32, #tpu.memory_space<hbm>>
          tpu.wait_dma2 semaphore(%run_scoped3A : memref<!tpu.dma_semaphore, #tpu.memory_space<semaphore_mem>>) src(%dma_wait3A_69 : memref<128x16xf32, #tpu.memory_space<hbm>>) dst(%arg9 : memref<128x16xf32, #tpu.memory_space<vmem>>)
          tpu.yield
        }) : () -> ()
        "tpu.region"() ({
          %run_scoped3A = tpu.sem_alloc : memref<!tpu.dma_semaphore, #tpu.memory_space<semaphore_mem>>
          %dma_start3A = arith.constant 0 : i32
          %dma_start3A_64 = arith.constant 0 : i32
          %dma_start3A_65 = tpu.memref_slice %arg10[%dma_start3A, %dma_start3A_64] : memref<50000x16xf32, #tpu.memory_space<vmem_shared>> -> memref<50000x16xf32, #tpu.memory_space<vmem_shared>>
          tpu.enqueue_indirect_dma source(%arg9 : memref<128x16xf32, #tpu.memory_space<vmem>>) target(%dma_start3A_65 : memref<50000x16xf32, #tpu.memory_space<vmem_shared>>) offsets(%arg8 : memref<128xi32, #tpu.memory_space<vmem>>) semaphore(%run_scoped3A : memref<!tpu.dma_semaphore, #tpu.memory_space<semaphore_mem>>) {add = true}
          %dma_wait3A = arith.constant 0 : i32
          %dma_wait3A_66 = arith.constant 0 : i32
          %dma_wait3A_67 = tpu.memref_slice %arg10[%dma_wait3A, %dma_wait3A_66] : memref<50000x16xf32, #tpu.memory_space<vmem_shared>> -> memref<50000x16xf32, #tpu.memory_space<vmem_shared>>
          tpu.wait_indirect_dma semaphore(%run_scoped3A : memref<!tpu.dma_semaphore, #tpu.memory_space<semaphore_mem>>) src(%arg9 : memref<128x16xf32, #tpu.memory_space<vmem>>) dst(%dma_wait3A_67 : memref<50000x16xf32, #tpu.memory_space<vmem_shared>>)
          tpu.yield
        }) : () -> ()
      } else {
      }
    }
    %scan3A_49 = arith.constant 391 : i32
    %barrier3A_50 = arith.constant 0 : index
    tpu.barrier barrier_id(%barrier3A_50)
    %convert_element_type3A_51 = arith.extui %eq3A_35 : i1 to i32
    %cond3A_52 = arith.constant 0 : i32
    %cond3A_53 = arith.cmpi ne, %convert_element_type3A_51, %cond3A_52 : i32
    scf.if %cond3A_53 {
      "tpu.region"() ({
        %run_scoped3A = tpu.sem_alloc : memref<!tpu.dma_semaphore, #tpu.memory_space<semaphore_mem>>
        %dma_start3A = arith.constant 0 : i32
        %dma_start3A_54 = tpu.memref_slice %arg7[%mul3A_0, %dma_start3A] : memref<50000x16xf32, #tpu.memory_space<hbm>> -> memref<3125x16xf32, #tpu.memory_space<hbm>>
        %dma_start3A_55 = arith.constant 0 : i32
        %dma_start3A_56 = tpu.memref_slice %arg10[%mul3A_0, %dma_start3A_55] : memref<50000x16xf32, #tpu.memory_space<vmem_shared>> -> memref<3125x16xf32, #tpu.memory_space<vmem_shared>>
        tpu.enqueue_dma source(%dma_start3A_56 : memref<3125x16xf32, #tpu.memory_space<vmem_shared>>) target(%dma_start3A_54 : memref<3125x16xf32, #tpu.memory_space<hbm>>) target_semaphore(%run_scoped3A : memref<!tpu.dma_semaphore, #tpu.memory_space<semaphore_mem>>)
        %dma_wait3A = arith.constant 0 : i32
        %dma_wait3A_57 = tpu.memref_slice %arg7[%mul3A_0, %dma_wait3A] : memref<50000x16xf32, #tpu.memory_space<hbm>> -> memref<3125x16xf32, #tpu.memory_space<hbm>>
        %dma_wait3A_58 = arith.constant 0 : i32
        %dma_wait3A_59 = tpu.memref_slice %arg10[%mul3A_0, %dma_wait3A_58] : memref<50000x16xf32, #tpu.memory_space<vmem_shared>> -> memref<3125x16xf32, #tpu.memory_space<vmem_shared>>
        tpu.wait_dma2 semaphore(%run_scoped3A : memref<!tpu.dma_semaphore, #tpu.memory_space<semaphore_mem>>) src(%dma_wait3A_59 : memref<3125x16xf32, #tpu.memory_space<vmem_shared>>) dst(%dma_wait3A_57 : memref<3125x16xf32, #tpu.memory_space<hbm>>)
        tpu.yield
      }) : () -> ()
    } else {
    }
    return
  }
}

module attributes {stable_mosaic.version = 14 : i64} {
  func.func @_k_nk0(%arg0: i32, %arg1: memref<5000x16xf32, #tpu.memory_space<vmem>>, %arg2: memref<5000x4xf32, #tpu.memory_space<vmem>>, %arg3: memref<16x64xf32, #tpu.memory_space<vmem>>, %arg4: memref<1x64xf32, #tpu.memory_space<vmem>>, %arg5: memref<64x64xf32, #tpu.memory_space<vmem>>, %arg6: memref<64x64xf32, #tpu.memory_space<vmem>>, %arg7: memref<1x64xf32, #tpu.memory_space<vmem>>, %arg8: memref<5000x64xf32, #tpu.memory_space<vmem>>, %arg9: memref<5000x80xf32, #tpu.memory_space<vmem>>, %arg10: memref<5000x80xf32, #tpu.memory_space<vmem>>) attributes {dimension_semantics = [#tpu.dimension_semantics<arbitrary>], iteration_bounds = array<i64: 10>, scalar_prefetch = 0 : i64, scratch_operands = 0 : i64, tpu.core_type = #tpu.core_type<tc>, window_params = [{transform_indices = @transform_0, window_bounds = array<i64: 5000, 16>}, {transform_indices = @transform_1, window_bounds = array<i64: 5000, 4>}, {pipeline_mode = #tpu.pipeline_mode<synchronous>, transform_indices = @transform_2, window_bounds = array<i64: 16, 64>}, {pipeline_mode = #tpu.pipeline_mode<synchronous>, transform_indices = @transform_3, window_bounds = array<i64: 1, 64>}, {pipeline_mode = #tpu.pipeline_mode<synchronous>, transform_indices = @transform_4, window_bounds = array<i64: 64, 64>}, {pipeline_mode = #tpu.pipeline_mode<synchronous>, transform_indices = @transform_5, window_bounds = array<i64: 64, 64>}, {pipeline_mode = #tpu.pipeline_mode<synchronous>, transform_indices = @transform_6, window_bounds = array<i64: 1, 64>}, {transform_indices = @transform_7, window_bounds = array<i64: 5000, 64>}, {transform_indices = @transform_8, window_bounds = array<i64: 5000, 80>}, {transform_indices = @transform_9, window_bounds = array<i64: 5000, 80>}]} {
    %get3A = arith.constant 0 : index
    %get3A_0 = arith.constant 0 : index
    %get3A_1 = vector.load %arg1[%get3A, %get3A_0] : memref<5000x16xf32, #tpu.memory_space<vmem>>, vector<5000x16xf32>
    %get3A_2 = arith.constant 0 : index
    %get3A_3 = arith.constant 0 : index
    %get3A_4 = vector.load %arg3[%get3A_2, %get3A_3] : memref<16x64xf32, #tpu.memory_space<vmem>>, vector<16x64xf32>
    %dot_general3A = arith.constant dense<0.000000e+00> : vector<5000x64xf32>
    %dot_general3A_5 = tpu.matmul %get3A_1, %get3A_4, %dot_general3A {dimension_numbers = #tpu.dot_dimension_numbers<[1], [0], [0], [1], [0, 0, 1, 1], [], []>, transpose_lhs_hint = false} : vector<5000x16xf32>, vector<16x64xf32>, vector<5000x64xf32> -> vector<5000x64xf32>
    %get3A_6 = arith.constant 0 : index
    %get3A_7 = arith.constant 0 : index
    %get3A_8 = vector.load %arg4[%get3A_6, %get3A_7] : memref<1x64xf32, #tpu.memory_space<vmem>>, vector<1x64xf32>
    %add3A = vector.broadcast %get3A_8 : vector<1x64xf32> to vector<5000x64xf32>
    %add3A_9 = arith.addf %dot_general3A_5, %add3A : vector<5000x64xf32>
    %swap3A = arith.constant 0 : index
    %swap3A_10 = arith.constant 0 : index
    %swap3A_11 = vector.load %arg8[%swap3A, %swap3A_10] : memref<5000x64xf32, #tpu.memory_space<vmem>>, vector<5000x64xf32>
    tpu.vector_store %arg8[%swap3A, %swap3A_10], %add3A_9 {strides = array<i32>} : memref<5000x64xf32, #tpu.memory_space<vmem>>, vector<5000x64xf32>,
    %get3A_12 = arith.constant 0 : index
    %get3A_13 = arith.constant 0 : index
    %get3A_14 = vector.load %arg2[%get3A_12, %get3A_13] : memref<5000x4xf32, #tpu.memory_space<vmem>>, vector<5000x4xf32>
    %broadcast_in_dim3A = arith.constant 0.000000e+00 : f32
    %broadcast_in_dim3A_15 = vector.broadcast %broadcast_in_dim3A : f32 to vector<5000x12xf32>
    %get3A_16 = arith.constant 0 : index
    %get3A_17 = arith.constant 0 : index
    %get3A_18 = vector.load %arg5[%get3A_16, %get3A_17] : memref<64x64xf32, #tpu.memory_space<vmem>>, vector<64x64xf32>
    %dot_general3A_19 = arith.constant dense<0.000000e+00> : vector<5000x64xf32>
    %dot_general3A_20 = tpu.matmul %add3A_9, %get3A_18, %dot_general3A_19 {dimension_numbers = #tpu.dot_dimension_numbers<[1], [0], [0], [1], [0, 0, 1, 1], [], []>, transpose_lhs_hint = false} : vector<5000x64xf32>, vector<64x64xf32>, vector<5000x64xf32> -> vector<5000x64xf32>
    %get3A_21 = arith.constant 0 : index
    %get3A_22 = arith.constant 0 : index
    %get3A_23 = vector.load %arg7[%get3A_21, %get3A_22] : memref<1x64xf32, #tpu.memory_space<vmem>>, vector<1x64xf32>
    %add3A_24 = vector.broadcast %get3A_23 : vector<1x64xf32> to vector<5000x64xf32>
    %add3A_25 = arith.addf %dot_general3A_20, %add3A_24 : vector<5000x64xf32>
    %get3A_26 = arith.constant 0 : index
    %get3A_27 = arith.constant 0 : index
    %get3A_28 = vector.load %arg6[%get3A_26, %get3A_27] : memref<64x64xf32, #tpu.memory_space<vmem>>, vector<64x64xf32>
    %dot_general3A_29 = arith.constant dense<0.000000e+00> : vector<5000x64xf32>
    %dot_general3A_30 = tpu.matmul %add3A_9, %get3A_28, %dot_general3A_29 {dimension_numbers = #tpu.dot_dimension_numbers<[1], [0], [0], [1], [0, 0, 1, 1], [], []>, transpose_lhs_hint = false} : vector<5000x64xf32>, vector<64x64xf32>, vector<5000x64xf32> -> vector<5000x64xf32>
    %concatenate3A = tpu.concatenate %add3A_25, %get3A_14, %broadcast_in_dim3A_15 in 1 : vector<5000x64xf32>, vector<5000x4xf32>, vector<5000x12xf32> -> vector<5000x80xf32>
    %swap3A_31 = arith.constant 0 : index
    %swap3A_32 = arith.constant 0 : index
    %swap3A_33 = vector.load %arg9[%swap3A_31, %swap3A_32] : memref<5000x80xf32, #tpu.memory_space<vmem>>, vector<5000x80xf32>
    tpu.vector_store %arg9[%swap3A_31, %swap3A_32], %concatenate3A {strides = array<i32>} : memref<5000x80xf32, #tpu.memory_space<vmem>>, vector<5000x80xf32>,
    %neg3A = arith.constant 0.000000e+00 : f32
    %neg3A_34 = vector.broadcast %neg3A : f32 to vector<5000x4xf32>
    %neg3A_35 = arith.subf %neg3A_34, %get3A_14 : vector<5000x4xf32>
    %concatenate3A_36 = tpu.concatenate %dot_general3A_30, %neg3A_35, %broadcast_in_dim3A_15 in 1 : vector<5000x64xf32>, vector<5000x4xf32>, vector<5000x12xf32> -> vector<5000x80xf32>
    %swap3A_37 = arith.constant 0 : index
    %swap3A_38 = arith.constant 0 : index
    %swap3A_39 = vector.load %arg10[%swap3A_37, %swap3A_38] : memref<5000x80xf32, #tpu.memory_space<vmem>>, vector<5000x80xf32>
    tpu.vector_store %arg10[%swap3A_37, %swap3A_38], %concatenate3A_36 {strides = array<i32>} : memref<5000x80xf32, #tpu.memory_space<vmem>>, vector<5000x80xf32>,
    return
  }
  func.func @transform_0(%arg0: i32) -> (i32, i32) {
    %c0_i32 = arith.constant 0 : i32
    %c0_i32_0 = arith.constant 0 : i32
    return %arg0, %c0_i32 : i32, i32
  }
  func.func @transform_1(%arg0: i32) -> (i32, i32) {
    %c0_i32 = arith.constant 0 : i32
    %c0_i32_0 = arith.constant 0 : i32
    return %arg0, %c0_i32 : i32, i32
  }
  func.func @transform_2(%arg0: i32) -> (i32, i32) {
    %c0_i32 = arith.constant 0 : i32
    %c0_i32_0 = arith.constant 0 : i32
    %c0_i32_1 = arith.constant 0 : i32
    return %c0_i32, %c0_i32_0 : i32, i32
  }
  func.func @transform_3(%arg0: i32) -> (i32, i32) {
    %c0_i32 = arith.constant 0 : i32
    %c0_i32_0 = arith.constant 0 : i32
    %c0_i32_1 = arith.constant 0 : i32
    return %c0_i32, %c0_i32_0 : i32, i32
  }
  func.func @transform_4(%arg0: i32) -> (i32, i32) {
    %c0_i32 = arith.constant 0 : i32
    %c0_i32_0 = arith.constant 0 : i32
    %c0_i32_1 = arith.constant 0 : i32
    return %c0_i32, %c0_i32_0 : i32, i32
  }
  func.func @transform_5(%arg0: i32) -> (i32, i32) {
    %c0_i32 = arith.constant 0 : i32
    %c0_i32_0 = arith.constant 0 : i32
    %c0_i32_1 = arith.constant 0 : i32
    return %c0_i32, %c0_i32_0 : i32, i32
  }
  func.func @transform_6(%arg0: i32) -> (i32, i32) {
    %c0_i32 = arith.constant 0 : i32
    %c0_i32_0 = arith.constant 0 : i32
    %c0_i32_1 = arith.constant 0 : i32
    return %c0_i32, %c0_i32_0 : i32, i32
  }
  func.func @transform_7(%arg0: i32) -> (i32, i32) {
    %c0_i32 = arith.constant 0 : i32
    %c0_i32_0 = arith.constant 0 : i32
    return %arg0, %c0_i32 : i32, i32
  }
  func.func @transform_8(%arg0: i32) -> (i32, i32) {
    %c0_i32 = arith.constant 0 : i32
    %c0_i32_0 = arith.constant 0 : i32
    return %arg0, %c0_i32 : i32, i32
  }
  func.func @transform_9(%arg0: i32) -> (i32, i32) {
    %c0_i32 = arith.constant 0 : i32
    %c0_i32_0 = arith.constant 0 : i32
    return %arg0, %c0_i32 : i32, i32
  }
}

module attributes {stable_mosaic.version = 14 : i64} {
  func.func @_k_p1(%arg0: i32, %arg1: memref<4000x80xf32, #tpu.memory_space<vmem>>, %arg2: memref<4000x80xf32, #tpu.memory_space<vmem>>, %arg3: memref<4000x8xf32, #tpu.memory_space<vmem>>, %arg4: memref<8x64xf32, #tpu.memory_space<vmem>>, %arg5: memref<1x64xf32, #tpu.memory_space<vmem>>, %arg6: memref<4000x64xf32, #tpu.memory_space<vmem>>, %arg7: memref<4000x4xf32, #tpu.memory_space<vmem>>, %arg8: memref<8x64xf32, #tpu.memory_space<vmem>>) attributes {dimension_semantics = [#tpu.dimension_semantics<arbitrary>], iteration_bounds = array<i64: 200>, scalar_prefetch = 0 : i64, scratch_operands = 0 : i64, tpu.core_type = #tpu.core_type<tc>, window_params = [{transform_indices = @transform_0, window_bounds = array<i64: 4000, 80>}, {transform_indices = @transform_1, window_bounds = array<i64: 4000, 80>}, {transform_indices = @transform_2, window_bounds = array<i64: 4000, 8>}, {pipeline_mode = #tpu.pipeline_mode<synchronous>, transform_indices = @transform_3, window_bounds = array<i64: 8, 64>}, {pipeline_mode = #tpu.pipeline_mode<synchronous>, transform_indices = @transform_4, window_bounds = array<i64: 1, 64>}, {transform_indices = @transform_5, window_bounds = array<i64: 4000, 64>}, {transform_indices = @transform_6, window_bounds = array<i64: 4000, 4>}, {pipeline_mode = #tpu.pipeline_mode<synchronous>, transform_indices = @transform_7, window_bounds = array<i64: 8, 64>}]} {
    %get3A = arith.constant 0 : index
    %get3A_0 = arith.constant 0 : index
    %get3A_1 = vector.load %arg1[%get3A, %get3A_0] : memref<4000x80xf32, #tpu.memory_space<vmem>>, vector<4000x80xf32>
    %get3A_2 = arith.constant 0 : index
    %get3A_3 = arith.constant 0 : index
    %get3A_4 = vector.load %arg2[%get3A_2, %get3A_3] : memref<4000x80xf32, #tpu.memory_space<vmem>>, vector<4000x80xf32>
    %slice3A = vector.extract_strided_slice %get3A_1 {offsets = [0, 64], sizes = [4000, 3], strides = [1, 1]} : vector<4000x80xf32> to vector<4000x3xf32>
    %slice3A_5 = vector.extract_strided_slice %get3A_4 {offsets = [0, 64], sizes = [4000, 3], strides = [1, 1]} : vector<4000x80xf32> to vector<4000x3xf32>
    %add3A = arith.addf %slice3A, %slice3A_5 : vector<4000x3xf32>
    %mul3A = arith.mulf %add3A, %add3A : vector<4000x3xf32>
    %reduce_sum3A = arith.constant dense<0.000000e+00> : vector<4000xf32>
    %reduce_sum3A_6 = vector.multi_reduction <add>, %mul3A, %reduce_sum3A [1] : vector<4000x3xf32> to vector<4000xf32>
    %broadcast_in_dim3A = vector.shape_cast %reduce_sum3A_6 : vector<4000xf32> to vector<4000x1xf32>
    %add3A_7 = arith.constant 9.99999996E-13 : f32
    %add3A_8 = vector.broadcast %add3A_7 : f32 to vector<4000x1xf32>
    %add3A_9 = arith.addf %broadcast_in_dim3A, %add3A_8 : vector<4000x1xf32>
    %sqrt3A = math.sqrt %add3A_9 : vector<4000x1xf32>
    %convert_element_type3A = arith.truncf %sqrt3A : vector<4000x1xf32> to vector<4000x1xbf16>
    %convert_element_type3A_10 = arith.extf %convert_element_type3A : vector<4000x1xbf16> to vector<4000x1xf32>
    %get3A_11 = arith.constant 0 : index
    %get3A_12 = arith.constant 0 : index
    %get3A_13 = vector.load %arg5[%get3A_11, %get3A_12] : memref<1x64xf32, #tpu.memory_space<vmem>>, vector<1x64xf32>
    %convert_element_type3A_14 = arith.truncf %get3A_13 : vector<1x64xf32> to vector<1x64xbf16>
    %convert_element_type3A_15 = arith.extf %convert_element_type3A_14 : vector<1x64xbf16> to vector<1x64xf32>
    %slice3A_16 = vector.extract_strided_slice %get3A_1 {offsets = [0, 0], sizes = [4000, 64], strides = [1, 1]} : vector<4000x80xf32> to vector<4000x64xf32>
    %slice3A_17 = vector.extract_strided_slice %get3A_4 {offsets = [0, 0], sizes = [4000, 64], strides = [1, 1]} : vector<4000x80xf32> to vector<4000x64xf32>
    %add3A_18 = arith.addf %slice3A_16, %slice3A_17 : vector<4000x64xf32>
    %get3A_19 = arith.constant 0 : index
    %get3A_20 = arith.constant 0 : index
    %get3A_21 = vector.load %arg3[%get3A_19, %get3A_20] : memref<4000x8xf32, #tpu.memory_space<vmem>>, vector<4000x8xf32>
    %get3A_22 = arith.constant 0 : index
    %get3A_23 = arith.constant 0 : index
    %get3A_24 = vector.load %arg4[%get3A_22, %get3A_23] : memref<8x64xf32, #tpu.memory_space<vmem>>, vector<8x64xf32>
    %dot_general3A = arith.constant dense<0.000000e+00> : vector<4000x64xf32>
    %dot_general3A_25 = tpu.matmul %get3A_21, %get3A_24, %dot_general3A {dimension_numbers = #tpu.dot_dimension_numbers<[1], [0], [0], [1], [0, 0, 1, 1], [], []>, transpose_lhs_hint = false} : vector<4000x8xf32>, vector<8x64xf32>, vector<4000x64xf32> -> vector<4000x64xf32>
    %add3A_26 = arith.addf %add3A_18, %dot_general3A_25 : vector<4000x64xf32>
    %mul3A_27 = vector.broadcast %convert_element_type3A_10 : vector<4000x1xf32> to vector<4000x64xf32>
    %mul3A_28 = vector.broadcast %convert_element_type3A_15 : vector<1x64xf32> to vector<4000x64xf32>
    %mul3A_29 = arith.mulf %mul3A_27, %mul3A_28 : vector<4000x64xf32>
    %add3A_30 = arith.addf %add3A_26, %mul3A_29 : vector<4000x64xf32>
    %swap3A = arith.constant 0 : index
    %swap3A_31 = arith.constant 0 : index
    %swap3A_32 = vector.load %arg6[%swap3A, %swap3A_31] : memref<4000x64xf32, #tpu.memory_space<vmem>>, vector<4000x64xf32>
    tpu.vector_store %arg6[%swap3A, %swap3A_31], %add3A_30 {strides = array<i32>} : memref<4000x64xf32, #tpu.memory_space<vmem>>, vector<4000x64xf32>,
    %concatenate3A = tpu.concatenate %add3A, %sqrt3A in 1 : vector<4000x3xf32>, vector<4000x1xf32> -> vector<4000x4xf32>
    %swap3A_33 = arith.constant 0 : index
    %swap3A_34 = arith.constant 0 : index
    %swap3A_35 = vector.load %arg7[%swap3A_33, %swap3A_34] : memref<4000x4xf32, #tpu.memory_space<vmem>>, vector<4000x4xf32>
    tpu.vector_store %arg7[%swap3A_33, %swap3A_34], %concatenate3A {strides = array<i32>} : memref<4000x4xf32, #tpu.memory_space<vmem>>, vector<4000x4xf32>,
    %reduce_sum3A_36 = arith.constant dense<0.000000e+00> : vector<64xf32>
    %reduce_sum3A_37 = vector.multi_reduction <add>, %add3A_30, %reduce_sum3A_36 [0] : vector<4000x64xf32> to vector<64xf32>
    %broadcast_in_dim3A_38 = vector.shape_cast %reduce_sum3A_37 : vector<64xf32> to vector<1x64xf32>
    %mul3A_39 = arith.mulf %add3A_30, %add3A_30 : vector<4000x64xf32>
    %reduce_sum3A_40 = arith.constant dense<0.000000e+00> : vector<64xf32>
    %reduce_sum3A_41 = vector.multi_reduction <add>, %mul3A_39, %reduce_sum3A_40 [0] : vector<4000x64xf32> to vector<64xf32>
    %broadcast_in_dim3A_42 = vector.shape_cast %reduce_sum3A_41 : vector<64xf32> to vector<1x64xf32>
    %broadcast_in_dim3A_43 = arith.constant 0.000000e+00 : f32
    %broadcast_in_dim3A_44 = vector.broadcast %broadcast_in_dim3A_43 : f32 to vector<6x64xf32>
    %concatenate3A_45 = tpu.concatenate %broadcast_in_dim3A_38, %broadcast_in_dim3A_42, %broadcast_in_dim3A_44 in 0 : vector<1x64xf32>, vector<1x64xf32>, vector<6x64xf32> -> vector<8x64xf32>
    %eq3A = arith.constant 0 : i32
    %eq3A_46 = arith.cmpi eq, %arg0, %eq3A : i32
    %convert_element_type3A_47 = arith.extui %eq3A_46 : i1 to i32
    %cond3A = arith.constant 0 : i32
    %cond3A_48 = arith.cmpi ne, %convert_element_type3A_47, %cond3A : i32
    scf.if %cond3A_48 {
      %swap3A_53 = arith.constant 0 : index
      %swap3A_54 = arith.constant 0 : index
      %swap3A_55 = vector.load %arg8[%swap3A_53, %swap3A_54] : memref<8x64xf32, #tpu.memory_space<vmem>>, vector<8x64xf32>
      tpu.vector_store %arg8[%swap3A_53, %swap3A_54], %concatenate3A_45 {strides = array<i32>} : memref<8x64xf32, #tpu.memory_space<vmem>>, vector<8x64xf32>,
    } else {
    }
    %gt3A = arith.constant 0 : i32
    %gt3A_49 = arith.cmpi sgt, %arg0, %gt3A : i32
    %convert_element_type3A_50 = arith.extui %gt3A_49 : i1 to i32
    %cond3A_51 = arith.constant 0 : i32
    %cond3A_52 = arith.cmpi ne, %convert_element_type3A_50, %cond3A_51 : i32
    scf.if %cond3A_52 {
      %get3A_53 = arith.constant 0 : index
      %get3A_54 = arith.constant 0 : index
      %get3A_55 = vector.load %arg8[%get3A_53, %get3A_54] : memref<8x64xf32, #tpu.memory_space<vmem>>, vector<8x64xf32>
      %add3A_56 = arith.addf %get3A_55, %concatenate3A_45 : vector<8x64xf32>
      %swap3A_57 = arith.constant 0 : index
      %swap3A_58 = arith.constant 0 : index
      %swap3A_59 = vector.load %arg8[%swap3A_57, %swap3A_58] : memref<8x64xf32, #tpu.memory_space<vmem>>, vector<8x64xf32>
      tpu.vector_store %arg8[%swap3A_57, %swap3A_58], %add3A_56 {strides = array<i32>} : memref<8x64xf32, #tpu.memory_space<vmem>>, vector<8x64xf32>,
    } else {
    }
    return
  }
  func.func @transform_0(%arg0: i32) -> (i32, i32) {
    %c0_i32 = arith.constant 0 : i32
    %c0_i32_0 = arith.constant 0 : i32
    return %arg0, %c0_i32 : i32, i32
  }
  func.func @transform_1(%arg0: i32) -> (i32, i32) {
    %c0_i32 = arith.constant 0 : i32
    %c0_i32_0 = arith.constant 0 : i32
    return %arg0, %c0_i32 : i32, i32
  }
  func.func @transform_2(%arg0: i32) -> (i32, i32) {
    %c0_i32 = arith.constant 0 : i32
    %c0_i32_0 = arith.constant 0 : i32
    return %arg0, %c0_i32 : i32, i32
  }
  func.func @transform_3(%arg0: i32) -> (i32, i32) {
    %c0_i32 = arith.constant 0 : i32
    %c0_i32_0 = arith.constant 0 : i32
    %c0_i32_1 = arith.constant 0 : i32
    return %c0_i32, %c0_i32_0 : i32, i32
  }
  func.func @transform_4(%arg0: i32) -> (i32, i32) {
    %c0_i32 = arith.constant 0 : i32
    %c0_i32_0 = arith.constant 0 : i32
    %c0_i32_1 = arith.constant 0 : i32
    return %c0_i32, %c0_i32_0 : i32, i32
  }
  func.func @transform_5(%arg0: i32) -> (i32, i32) {
    %c0_i32 = arith.constant 0 : i32
    %c0_i32_0 = arith.constant 0 : i32
    return %arg0, %c0_i32 : i32, i32
  }
  func.func @transform_6(%arg0: i32) -> (i32, i32) {
    %c0_i32 = arith.constant 0 : i32
    %c0_i32_0 = arith.constant 0 : i32
    return %arg0, %c0_i32 : i32, i32
  }
  func.func @transform_7(%arg0: i32) -> (i32, i32) {
    %c0_i32 = arith.constant 0 : i32
    %c0_i32_0 = arith.constant 0 : i32
    %c0_i32_1 = arith.constant 0 : i32
    return %c0_i32, %c0_i32_0 : i32, i32
  }
}

module attributes {stable_mosaic.version = 14 : i64} {
  func.func @_k_bn_lin(%arg0: i32, %arg1: memref<4000x64xf32, #tpu.memory_space<vmem>>, %arg2: memref<8x64xf32, #tpu.memory_space<vmem>>, %arg3: memref<1x64xf32, #tpu.memory_space<vmem>>, %arg4: memref<1x64xf32, #tpu.memory_space<vmem>>, %arg5: memref<64x64xf32, #tpu.memory_space<vmem>>, %arg6: memref<1x64xf32, #tpu.memory_space<vmem>>, %arg7: memref<4000x64xf32, #tpu.memory_space<vmem>>, %arg8: memref<8x64xf32, #tpu.memory_space<vmem>>) attributes {dimension_semantics = [#tpu.dimension_semantics<arbitrary>], iteration_bounds = array<i64: 200>, scalar_prefetch = 0 : i64, scratch_operands = 0 : i64, tpu.core_type = #tpu.core_type<tc>, window_params = [{transform_indices = @transform_0, window_bounds = array<i64: 4000, 64>}, {pipeline_mode = #tpu.pipeline_mode<synchronous>, transform_indices = @transform_1, window_bounds = array<i64: 8, 64>}, {pipeline_mode = #tpu.pipeline_mode<synchronous>, transform_indices = @transform_2, window_bounds = array<i64: 1, 64>}, {pipeline_mode = #tpu.pipeline_mode<synchronous>, transform_indices = @transform_3, window_bounds = array<i64: 1, 64>}, {pipeline_mode = #tpu.pipeline_mode<synchronous>, transform_indices = @transform_4, window_bounds = array<i64: 64, 64>}, {pipeline_mode = #tpu.pipeline_mode<synchronous>, transform_indices = @transform_5, window_bounds = array<i64: 1, 64>}, {transform_indices = @transform_6, window_bounds = array<i64: 4000, 64>}, {pipeline_mode = #tpu.pipeline_mode<synchronous>, transform_indices = @transform_7, window_bounds = array<i64: 8, 64>}]} {
    %get3A = arith.constant 0 : index
    %get3A_0 = arith.constant 0 : index
    %get3A_1 = vector.load %arg1[%get3A, %get3A_0] : memref<4000x64xf32, #tpu.memory_space<vmem>>, vector<4000x64xf32>
    %get3A_2 = arith.constant 0 : index
    %get3A_3 = arith.constant 0 : index
    %get3A_4 = vector.load %arg2[%get3A_2, %get3A_3] : memref<8x64xf32, #tpu.memory_space<vmem>>, vector<1x64xf32>
    %div3A = arith.constant 8.000000e+05 : f32
    %div3A_5 = vector.broadcast %div3A : f32 to vector<1x64xf32>
    %div3A_6 = arith.divf %get3A_4, %div3A_5 : vector<1x64xf32>
    %get3A_7 = arith.constant 1 : index
    %get3A_8 = arith.constant 0 : index
    %get3A_9 = vector.load %arg2[%get3A_7, %get3A_8] : memref<8x64xf32, #tpu.memory_space<vmem>>, vector<1x64xf32>
    %div3A_10 = arith.constant 8.000000e+05 : f32
    %div3A_11 = vector.broadcast %div3A_10 : f32 to vector<1x64xf32>
    %div3A_12 = arith.divf %get3A_9, %div3A_11 : vector<1x64xf32>
    %mul3A = arith.mulf %div3A_6, %div3A_6 : vector<1x64xf32>
    %sub3A = arith.subf %div3A_12, %mul3A : vector<1x64xf32>
    %get3A_13 = arith.constant 0 : index
    %get3A_14 = arith.constant 0 : index
    %get3A_15 = vector.load %arg3[%get3A_13, %get3A_14] : memref<1x64xf32, #tpu.memory_space<vmem>>, vector<1x64xf32>
    %sub3A_16 = vector.broadcast %div3A_6 : vector<1x64xf32> to vector<4000x64xf32>
    %sub3A_17 = arith.subf %get3A_1, %sub3A_16 : vector<4000x64xf32>
    %mul3A_18 = vector.broadcast %get3A_15 : vector<1x64xf32> to vector<4000x64xf32>
    %mul3A_19 = arith.mulf %mul3A_18, %sub3A_17 : vector<4000x64xf32>
    %add3A = arith.constant 9.99999974E-6 : f32
    %add3A_20 = vector.broadcast %add3A : f32 to vector<1x64xf32>
    %add3A_21 = arith.addf %sub3A, %add3A_20 : vector<1x64xf32>
    %sqrt3A = math.sqrt %add3A_21 : vector<1x64xf32>
    %div3A_22 = vector.broadcast %sqrt3A : vector<1x64xf32> to vector<4000x64xf32>
    %div3A_23 = arith.divf %mul3A_19, %div3A_22 : vector<4000x64xf32>
    %get3A_24 = arith.constant 0 : index
    %get3A_25 = arith.constant 0 : index
    %get3A_26 = vector.load %arg4[%get3A_24, %get3A_25] : memref<1x64xf32, #tpu.memory_space<vmem>>, vector<1x64xf32>
    %add3A_27 = vector.broadcast %get3A_26 : vector<1x64xf32> to vector<4000x64xf32>
    %add3A_28 = arith.addf %div3A_23, %add3A_27 : vector<4000x64xf32>
    %max3A = arith.constant 0.000000e+00 : f32
    %max3A_29 = vector.broadcast %max3A : f32 to vector<4000x64xf32>
    %max3A_30 = arith.maximumf %add3A_28, %max3A_29 : vector<4000x64xf32>
    %get3A_31 = arith.constant 0 : index
    %get3A_32 = arith.constant 0 : index
    %get3A_33 = vector.load %arg5[%get3A_31, %get3A_32] : memref<64x64xf32, #tpu.memory_space<vmem>>, vector<64x64xf32>
    %dot_general3A = arith.constant dense<0.000000e+00> : vector<4000x64xf32>
    %dot_general3A_34 = tpu.matmul %max3A_30, %get3A_33, %dot_general3A {dimension_numbers = #tpu.dot_dimension_numbers<[1], [0], [0], [1], [0, 0, 1, 1], [], []>, transpose_lhs_hint = false} : vector<4000x64xf32>, vector<64x64xf32>, vector<4000x64xf32> -> vector<4000x64xf32>
    %get3A_35 = arith.constant 0 : index
    %get3A_36 = arith.constant 0 : index
    %get3A_37 = vector.load %arg6[%get3A_35, %get3A_36] : memref<1x64xf32, #tpu.memory_space<vmem>>, vector<1x64xf32>
    %add3A_38 = vector.broadcast %get3A_37 : vector<1x64xf32> to vector<4000x64xf32>
    %add3A_39 = arith.addf %dot_general3A_34, %add3A_38 : vector<4000x64xf32>
    %swap3A = arith.constant 0 : index
    %swap3A_40 = arith.constant 0 : index
    %swap3A_41 = vector.load %arg7[%swap3A, %swap3A_40] : memref<4000x64xf32, #tpu.memory_space<vmem>>, vector<4000x64xf32>
    tpu.vector_store %arg7[%swap3A, %swap3A_40], %add3A_39 {strides = array<i32>} : memref<4000x64xf32, #tpu.memory_space<vmem>>, vector<4000x64xf32>,
    %reduce_sum3A = arith.constant dense<0.000000e+00> : vector<64xf32>
    %reduce_sum3A_42 = vector.multi_reduction <add>, %add3A_39, %reduce_sum3A [0] : vector<4000x64xf32> to vector<64xf32>
    %broadcast_in_dim3A = vector.shape_cast %reduce_sum3A_42 : vector<64xf32> to vector<1x64xf32>
    %mul3A_43 = arith.mulf %add3A_39, %add3A_39 : vector<4000x64xf32>
    %reduce_sum3A_44 = arith.constant dense<0.000000e+00> : vector<64xf32>
    %reduce_sum3A_45 = vector.multi_reduction <add>, %mul3A_43, %reduce_sum3A_44 [0] : vector<4000x64xf32> to vector<64xf32>
    %broadcast_in_dim3A_46 = vector.shape_cast %reduce_sum3A_45 : vector<64xf32> to vector<1x64xf32>
    %broadcast_in_dim3A_47 = arith.constant 0.000000e+00 : f32
    %broadcast_in_dim3A_48 = vector.broadcast %broadcast_in_dim3A_47 : f32 to vector<6x64xf32>
    %concatenate3A = tpu.concatenate %broadcast_in_dim3A, %broadcast_in_dim3A_46, %broadcast_in_dim3A_48 in 0 : vector<1x64xf32>, vector<1x64xf32>, vector<6x64xf32> -> vector<8x64xf32>
    %eq3A = arith.constant 0 : i32
    %eq3A_49 = arith.cmpi eq, %arg0, %eq3A : i32
    %convert_element_type3A = arith.extui %eq3A_49 : i1 to i32
    %cond3A = arith.constant 0 : i32
    %cond3A_50 = arith.cmpi ne, %convert_element_type3A, %cond3A : i32
    scf.if %cond3A_50 {
      %swap3A_55 = arith.constant 0 : index
      %swap3A_56 = arith.constant 0 : index
      %swap3A_57 = vector.load %arg8[%swap3A_55, %swap3A_56] : memref<8x64xf32, #tpu.memory_space<vmem>>, vector<8x64xf32>
      tpu.vector_store %arg8[%swap3A_55, %swap3A_56], %concatenate3A {strides = array<i32>} : memref<8x64xf32, #tpu.memory_space<vmem>>, vector<8x64xf32>,
    } else {
    }
    %gt3A = arith.constant 0 : i32
    %gt3A_51 = arith.cmpi sgt, %arg0, %gt3A : i32
    %convert_element_type3A_52 = arith.extui %gt3A_51 : i1 to i32
    %cond3A_53 = arith.constant 0 : i32
    %cond3A_54 = arith.cmpi ne, %convert_element_type3A_52, %cond3A_53 : i32
    scf.if %cond3A_54 {
      %get3A_55 = arith.constant 0 : index
      %get3A_56 = arith.constant 0 : index
      %get3A_57 = vector.load %arg8[%get3A_55, %get3A_56] : memref<8x64xf32, #tpu.memory_space<vmem>>, vector<8x64xf32>
      %add3A_58 = arith.addf %get3A_57, %concatenate3A : vector<8x64xf32>
      %swap3A_59 = arith.constant 0 : index
      %swap3A_60 = arith.constant 0 : index
      %swap3A_61 = vector.load %arg8[%swap3A_59, %swap3A_60] : memref<8x64xf32, #tpu.memory_space<vmem>>, vector<8x64xf32>
      tpu.vector_store %arg8[%swap3A_59, %swap3A_60], %add3A_58 {strides = array<i32>} : memref<8x64xf32, #tpu.memory_space<vmem>>, vector<8x64xf32>,
    } else {
    }
    return
  }
  func.func @transform_0(%arg0: i32) -> (i32, i32) {
    %c0_i32 = arith.constant 0 : i32
    %c0_i32_0 = arith.constant 0 : i32
    return %arg0, %c0_i32 : i32, i32
  }
  func.func @transform_1(%arg0: i32) -> (i32, i32) {
    %c0_i32 = arith.constant 0 : i32
    %c0_i32_0 = arith.constant 0 : i32
    %c0_i32_1 = arith.constant 0 : i32
    return %c0_i32, %c0_i32_0 : i32, i32
  }
  func.func @transform_2(%arg0: i32) -> (i32, i32) {
    %c0_i32 = arith.constant 0 : i32
    %c0_i32_0 = arith.constant 0 : i32
    %c0_i32_1 = arith.constant 0 : i32
    return %c0_i32, %c0_i32_0 : i32, i32
  }
  func.func @transform_3(%arg0: i32) -> (i32, i32) {
    %c0_i32 = arith.constant 0 : i32
    %c0_i32_0 = arith.constant 0 : i32
    %c0_i32_1 = arith.constant 0 : i32
    return %c0_i32, %c0_i32_0 : i32, i32
  }
  func.func @transform_4(%arg0: i32) -> (i32, i32) {
    %c0_i32 = arith.constant 0 : i32
    %c0_i32_0 = arith.constant 0 : i32
    %c0_i32_1 = arith.constant 0 : i32
    return %c0_i32, %c0_i32_0 : i32, i32
  }
  func.func @transform_5(%arg0: i32) -> (i32, i32) {
    %c0_i32 = arith.constant 0 : i32
    %c0_i32_0 = arith.constant 0 : i32
    %c0_i32_1 = arith.constant 0 : i32
    return %c0_i32, %c0_i32_0 : i32, i32
  }
  func.func @transform_6(%arg0: i32) -> (i32, i32) {
    %c0_i32 = arith.constant 0 : i32
    %c0_i32_0 = arith.constant 0 : i32
    return %arg0, %c0_i32 : i32, i32
  }
  func.func @transform_7(%arg0: i32) -> (i32, i32) {
    %c0_i32 = arith.constant 0 : i32
    %c0_i32_0 = arith.constant 0 : i32
    %c0_i32_1 = arith.constant 0 : i32
    return %c0_i32, %c0_i32_0 : i32, i32
  }
}

module attributes {stable_mosaic.version = 14 : i64} {
  func.func @_k_p3(%arg0: i32, %arg1: memref<4000x64xf32, #tpu.memory_space<vmem>>, %arg2: memref<8x64xf32, #tpu.memory_space<vmem>>, %arg3: memref<1x64xf32, #tpu.memory_space<vmem>>, %arg4: memref<1x64xf32, #tpu.memory_space<vmem>>, %arg5: memref<64x64xf32, #tpu.memory_space<vmem>>, %arg6: memref<1x64xf32, #tpu.memory_space<vmem>>, %arg7: memref<4000x64xf32, #tpu.memory_space<vmem>>, %arg8: memref<8x64xf32, #tpu.memory_space<vmem>>) attributes {dimension_semantics = [#tpu.dimension_semantics<arbitrary>], iteration_bounds = array<i64: 200>, scalar_prefetch = 0 : i64, scratch_operands = 0 : i64, tpu.core_type = #tpu.core_type<tc>, window_params = [{transform_indices = @transform_0, window_bounds = array<i64: 4000, 64>}, {pipeline_mode = #tpu.pipeline_mode<synchronous>, transform_indices = @transform_1, window_bounds = array<i64: 8, 64>}, {pipeline_mode = #tpu.pipeline_mode<synchronous>, transform_indices = @transform_2, window_bounds = array<i64: 1, 64>}, {pipeline_mode = #tpu.pipeline_mode<synchronous>, transform_indices = @transform_3, window_bounds = array<i64: 1, 64>}, {pipeline_mode = #tpu.pipeline_mode<synchronous>, transform_indices = @transform_4, window_bounds = array<i64: 64, 64>}, {pipeline_mode = #tpu.pipeline_mode<synchronous>, transform_indices = @transform_5, window_bounds = array<i64: 1, 64>}, {transform_indices = @transform_6, window_bounds = array<i64: 4000, 64>}, {pipeline_mode = #tpu.pipeline_mode<synchronous>, transform_indices = @transform_7, window_bounds = array<i64: 8, 64>}]} {
    %get3A = arith.constant 0 : index
    %get3A_0 = arith.constant 0 : index
    %get3A_1 = vector.load %arg1[%get3A, %get3A_0] : memref<4000x64xf32, #tpu.memory_space<vmem>>, vector<4000x64xf32>
    %get3A_2 = arith.constant 0 : index
    %get3A_3 = arith.constant 0 : index
    %get3A_4 = vector.load %arg2[%get3A_2, %get3A_3] : memref<8x64xf32, #tpu.memory_space<vmem>>, vector<1x64xf32>
    %div3A = arith.constant 8.000000e+05 : f32
    %div3A_5 = vector.broadcast %div3A : f32 to vector<1x64xf32>
    %div3A_6 = arith.divf %get3A_4, %div3A_5 : vector<1x64xf32>
    %get3A_7 = arith.constant 1 : index
    %get3A_8 = arith.constant 0 : index
    %get3A_9 = vector.load %arg2[%get3A_7, %get3A_8] : memref<8x64xf32, #tpu.memory_space<vmem>>, vector<1x64xf32>
    %div3A_10 = arith.constant 8.000000e+05 : f32
    %div3A_11 = vector.broadcast %div3A_10 : f32 to vector<1x64xf32>
    %div3A_12 = arith.divf %get3A_9, %div3A_11 : vector<1x64xf32>
    %mul3A = arith.mulf %div3A_6, %div3A_6 : vector<1x64xf32>
    %sub3A = arith.subf %div3A_12, %mul3A : vector<1x64xf32>
    %get3A_13 = arith.constant 0 : index
    %get3A_14 = arith.constant 0 : index
    %get3A_15 = vector.load %arg3[%get3A_13, %get3A_14] : memref<1x64xf32, #tpu.memory_space<vmem>>, vector<1x64xf32>
    %sub3A_16 = vector.broadcast %div3A_6 : vector<1x64xf32> to vector<4000x64xf32>
    %sub3A_17 = arith.subf %get3A_1, %sub3A_16 : vector<4000x64xf32>
    %mul3A_18 = vector.broadcast %get3A_15 : vector<1x64xf32> to vector<4000x64xf32>
    %mul3A_19 = arith.mulf %mul3A_18, %sub3A_17 : vector<4000x64xf32>
    %add3A = arith.constant 9.99999974E-6 : f32
    %add3A_20 = vector.broadcast %add3A : f32 to vector<1x64xf32>
    %add3A_21 = arith.addf %sub3A, %add3A_20 : vector<1x64xf32>
    %sqrt3A = math.sqrt %add3A_21 : vector<1x64xf32>
    %div3A_22 = vector.broadcast %sqrt3A : vector<1x64xf32> to vector<4000x64xf32>
    %div3A_23 = arith.divf %mul3A_19, %div3A_22 : vector<4000x64xf32>
    %get3A_24 = arith.constant 0 : index
    %get3A_25 = arith.constant 0 : index
    %get3A_26 = vector.load %arg4[%get3A_24, %get3A_25] : memref<1x64xf32, #tpu.memory_space<vmem>>, vector<1x64xf32>
    %add3A_27 = vector.broadcast %get3A_26 : vector<1x64xf32> to vector<4000x64xf32>
    %add3A_28 = arith.addf %div3A_23, %add3A_27 : vector<4000x64xf32>
    %max3A = arith.constant 0.000000e+00 : f32
    %max3A_29 = vector.broadcast %max3A : f32 to vector<4000x64xf32>
    %max3A_30 = arith.maximumf %add3A_28, %max3A_29 : vector<4000x64xf32>
    %swap3A = arith.constant 0 : index
    %swap3A_31 = arith.constant 0 : index
    %swap3A_32 = vector.load %arg7[%swap3A, %swap3A_31] : memref<4000x64xf32, #tpu.memory_space<vmem>>, vector<4000x64xf32>
    tpu.vector_store %arg7[%swap3A, %swap3A_31], %max3A_30 {strides = array<i32>} : memref<4000x64xf32, #tpu.memory_space<vmem>>, vector<4000x64xf32>,
    %get3A_33 = arith.constant 0 : index
    %get3A_34 = arith.constant 0 : index
    %get3A_35 = vector.load %arg5[%get3A_33, %get3A_34] : memref<64x64xf32, #tpu.memory_space<vmem>>, vector<64x64xf32>
    %dot_general3A = arith.constant dense<0.000000e+00> : vector<4000x64xf32>
    %dot_general3A_36 = tpu.matmul %max3A_30, %get3A_35, %dot_general3A {dimension_numbers = #tpu.dot_dimension_numbers<[1], [0], [0], [1], [0, 0, 1, 1], [], []>, transpose_lhs_hint = false} : vector<4000x64xf32>, vector<64x64xf32>, vector<4000x64xf32> -> vector<4000x64xf32>
    %get3A_37 = arith.constant 0 : index
    %get3A_38 = arith.constant 0 : index
    %get3A_39 = vector.load %arg6[%get3A_37, %get3A_38] : memref<1x64xf32, #tpu.memory_space<vmem>>, vector<1x64xf32>
    %add3A_40 = vector.broadcast %get3A_39 : vector<1x64xf32> to vector<4000x64xf32>
    %add3A_41 = arith.addf %dot_general3A_36, %add3A_40 : vector<4000x64xf32>
    %reduce_sum3A = arith.constant dense<0.000000e+00> : vector<64xf32>
    %reduce_sum3A_42 = vector.multi_reduction <add>, %add3A_41, %reduce_sum3A [0] : vector<4000x64xf32> to vector<64xf32>
    %broadcast_in_dim3A = vector.shape_cast %reduce_sum3A_42 : vector<64xf32> to vector<1x64xf32>
    %mul3A_43 = arith.mulf %add3A_41, %add3A_41 : vector<4000x64xf32>
    %reduce_sum3A_44 = arith.constant dense<0.000000e+00> : vector<64xf32>
    %reduce_sum3A_45 = vector.multi_reduction <add>, %mul3A_43, %reduce_sum3A_44 [0] : vector<4000x64xf32> to vector<64xf32>
    %broadcast_in_dim3A_46 = vector.shape_cast %reduce_sum3A_45 : vector<64xf32> to vector<1x64xf32>
    %broadcast_in_dim3A_47 = arith.constant 0.000000e+00 : f32
    %broadcast_in_dim3A_48 = vector.broadcast %broadcast_in_dim3A_47 : f32 to vector<6x64xf32>
    %concatenate3A = tpu.concatenate %broadcast_in_dim3A, %broadcast_in_dim3A_46, %broadcast_in_dim3A_48 in 0 : vector<1x64xf32>, vector<1x64xf32>, vector<6x64xf32> -> vector<8x64xf32>
    %eq3A = arith.constant 0 : i32
    %eq3A_49 = arith.cmpi eq, %arg0, %eq3A : i32
    %convert_element_type3A = arith.extui %eq3A_49 : i1 to i32
    %cond3A = arith.constant 0 : i32
    %cond3A_50 = arith.cmpi ne, %convert_element_type3A, %cond3A : i32
    scf.if %cond3A_50 {
      %swap3A_55 = arith.constant 0 : index
      %swap3A_56 = arith.constant 0 : index
      %swap3A_57 = vector.load %arg8[%swap3A_55, %swap3A_56] : memref<8x64xf32, #tpu.memory_space<vmem>>, vector<8x64xf32>
      tpu.vector_store %arg8[%swap3A_55, %swap3A_56], %concatenate3A {strides = array<i32>} : memref<8x64xf32, #tpu.memory_space<vmem>>, vector<8x64xf32>,
    } else {
    }
    %gt3A = arith.constant 0 : i32
    %gt3A_51 = arith.cmpi sgt, %arg0, %gt3A : i32
    %convert_element_type3A_52 = arith.extui %gt3A_51 : i1 to i32
    %cond3A_53 = arith.constant 0 : i32
    %cond3A_54 = arith.cmpi ne, %convert_element_type3A_52, %cond3A_53 : i32
    scf.if %cond3A_54 {
      %get3A_55 = arith.constant 0 : index
      %get3A_56 = arith.constant 0 : index
      %get3A_57 = vector.load %arg8[%get3A_55, %get3A_56] : memref<8x64xf32, #tpu.memory_space<vmem>>, vector<8x64xf32>
      %add3A_58 = arith.addf %get3A_57, %concatenate3A : vector<8x64xf32>
      %swap3A_59 = arith.constant 0 : index
      %swap3A_60 = arith.constant 0 : index
      %swap3A_61 = vector.load %arg8[%swap3A_59, %swap3A_60] : memref<8x64xf32, #tpu.memory_space<vmem>>, vector<8x64xf32>
      tpu.vector_store %arg8[%swap3A_59, %swap3A_60], %add3A_58 {strides = array<i32>} : memref<8x64xf32, #tpu.memory_space<vmem>>, vector<8x64xf32>,
    } else {
    }
    return
  }
  func.func @transform_0(%arg0: i32) -> (i32, i32) {
    %c0_i32 = arith.constant 0 : i32
    %c0_i32_0 = arith.constant 0 : i32
    return %arg0, %c0_i32 : i32, i32
  }
  func.func @transform_1(%arg0: i32) -> (i32, i32) {
    %c0_i32 = arith.constant 0 : i32
    %c0_i32_0 = arith.constant 0 : i32
    %c0_i32_1 = arith.constant 0 : i32
    return %c0_i32, %c0_i32_0 : i32, i32
  }
  func.func @transform_2(%arg0: i32) -> (i32, i32) {
    %c0_i32 = arith.constant 0 : i32
    %c0_i32_0 = arith.constant 0 : i32
    %c0_i32_1 = arith.constant 0 : i32
    return %c0_i32, %c0_i32_0 : i32, i32
  }
  func.func @transform_3(%arg0: i32) -> (i32, i32) {
    %c0_i32 = arith.constant 0 : i32
    %c0_i32_0 = arith.constant 0 : i32
    %c0_i32_1 = arith.constant 0 : i32
    return %c0_i32, %c0_i32_0 : i32, i32
  }
  func.func @transform_4(%arg0: i32) -> (i32, i32) {
    %c0_i32 = arith.constant 0 : i32
    %c0_i32_0 = arith.constant 0 : i32
    %c0_i32_1 = arith.constant 0 : i32
    return %c0_i32, %c0_i32_0 : i32, i32
  }
  func.func @transform_5(%arg0: i32) -> (i32, i32) {
    %c0_i32 = arith.constant 0 : i32
    %c0_i32_0 = arith.constant 0 : i32
    %c0_i32_1 = arith.constant 0 : i32
    return %c0_i32, %c0_i32_0 : i32, i32
  }
  func.func @transform_6(%arg0: i32) -> (i32, i32) {
    %c0_i32 = arith.constant 0 : i32
    %c0_i32_0 = arith.constant 0 : i32
    return %arg0, %c0_i32 : i32, i32
  }
  func.func @transform_7(%arg0: i32) -> (i32, i32) {
    %c0_i32 = arith.constant 0 : i32
    %c0_i32_0 = arith.constant 0 : i32
    %c0_i32_1 = arith.constant 0 : i32
    return %c0_i32, %c0_i32_0 : i32, i32
  }
}

module attributes {stable_mosaic.version = 14 : i64} {
  func.func @_k_p4(%arg0: i32, %arg1: memref<4000x64xf32, #tpu.memory_space<vmem>>, %arg2: memref<4000x4xf32, #tpu.memory_space<vmem>>, %arg3: memref<8x64xf32, #tpu.memory_space<vmem>>, %arg4: memref<1x64xf32, #tpu.memory_space<vmem>>, %arg5: memref<1x64xf32, #tpu.memory_space<vmem>>, %arg6: memref<64x64xf32, #tpu.memory_space<vmem>>, %arg7: memref<1x64xf32, #tpu.memory_space<vmem>>, %arg8: memref<1x64xf32, #tpu.memory_space<vmem>>, %arg9: memref<1x8xf32, #tpu.memory_space<vmem>>, %arg10: memref<4000x16xf32, #tpu.memory_space<vmem>>) attributes {dimension_semantics = [#tpu.dimension_semantics<arbitrary>], iteration_bounds = array<i64: 200>, scalar_prefetch = 0 : i64, scratch_operands = 0 : i64, tpu.core_type = #tpu.core_type<tc>, window_params = [{transform_indices = @transform_0, window_bounds = array<i64: 4000, 64>}, {transform_indices = @transform_1, window_bounds = array<i64: 4000, 4>}, {pipeline_mode = #tpu.pipeline_mode<synchronous>, transform_indices = @transform_2, window_bounds = array<i64: 8, 64>}, {pipeline_mode = #tpu.pipeline_mode<synchronous>, transform_indices = @transform_3, window_bounds = array<i64: 1, 64>}, {pipeline_mode = #tpu.pipeline_mode<synchronous>, transform_indices = @transform_4, window_bounds = array<i64: 1, 64>}, {pipeline_mode = #tpu.pipeline_mode<synchronous>, transform_indices = @transform_5, window_bounds = array<i64: 64, 64>}, {pipeline_mode = #tpu.pipeline_mode<synchronous>, transform_indices = @transform_6, window_bounds = array<i64: 1, 64>}, {pipeline_mode = #tpu.pipeline_mode<synchronous>, transform_indices = @transform_7, window_bounds = array<i64: 1, 64>}, {pipeline_mode = #tpu.pipeline_mode<synchronous>, transform_indices = @transform_8, window_bounds = array<i64: 1, 8>}, {transform_indices = @transform_9, window_bounds = array<i64: 4000, 16>}]} {
    %get3A = arith.constant 0 : index
    %get3A_0 = arith.constant 0 : index
    %get3A_1 = vector.load %arg1[%get3A, %get3A_0] : memref<4000x64xf32, #tpu.memory_space<vmem>>, vector<4000x64xf32>
    %get3A_2 = arith.constant 0 : index
    %get3A_3 = arith.constant 0 : index
    %get3A_4 = vector.load %arg6[%get3A_2, %get3A_3] : memref<64x64xf32, #tpu.memory_space<vmem>>, vector<64x64xf32>
    %dot_general3A = arith.constant dense<0.000000e+00> : vector<4000x64xf32>
    %dot_general3A_5 = tpu.matmul %get3A_1, %get3A_4, %dot_general3A {dimension_numbers = #tpu.dot_dimension_numbers<[1], [0], [0], [1], [0, 0, 1, 1], [], []>, transpose_lhs_hint = false} : vector<4000x64xf32>, vector<64x64xf32>, vector<4000x64xf32> -> vector<4000x64xf32>
    %get3A_6 = arith.constant 0 : index
    %get3A_7 = arith.constant 0 : index
    %get3A_8 = vector.load %arg7[%get3A_6, %get3A_7] : memref<1x64xf32, #tpu.memory_space<vmem>>, vector<1x64xf32>
    %add3A = vector.broadcast %get3A_8 : vector<1x64xf32> to vector<4000x64xf32>
    %add3A_9 = arith.addf %dot_general3A_5, %add3A : vector<4000x64xf32>
    %get3A_10 = arith.constant 0 : index
    %get3A_11 = arith.constant 0 : index
    %get3A_12 = vector.load %arg3[%get3A_10, %get3A_11] : memref<8x64xf32, #tpu.memory_space<vmem>>, vector<1x64xf32>
    %div3A = arith.constant 8.000000e+05 : f32
    %div3A_13 = vector.broadcast %div3A : f32 to vector<1x64xf32>
    %div3A_14 = arith.divf %get3A_12, %div3A_13 : vector<1x64xf32>
    %get3A_15 = arith.constant 1 : index
    %get3A_16 = arith.constant 0 : index
    %get3A_17 = vector.load %arg3[%get3A_15, %get3A_16] : memref<8x64xf32, #tpu.memory_space<vmem>>, vector<1x64xf32>
    %div3A_18 = arith.constant 8.000000e+05 : f32
    %div3A_19 = vector.broadcast %div3A_18 : f32 to vector<1x64xf32>
    %div3A_20 = arith.divf %get3A_17, %div3A_19 : vector<1x64xf32>
    %mul3A = arith.mulf %div3A_14, %div3A_14 : vector<1x64xf32>
    %sub3A = arith.subf %div3A_20, %mul3A : vector<1x64xf32>
    %get3A_21 = arith.constant 0 : index
    %get3A_22 = arith.constant 0 : index
    %get3A_23 = vector.load %arg4[%get3A_21, %get3A_22] : memref<1x64xf32, #tpu.memory_space<vmem>>, vector<1x64xf32>
    %sub3A_24 = vector.broadcast %div3A_14 : vector<1x64xf32> to vector<4000x64xf32>
    %sub3A_25 = arith.subf %add3A_9, %sub3A_24 : vector<4000x64xf32>
    %mul3A_26 = vector.broadcast %get3A_23 : vector<1x64xf32> to vector<4000x64xf32>
    %mul3A_27 = arith.mulf %mul3A_26, %sub3A_25 : vector<4000x64xf32>
    %add3A_28 = arith.constant 9.99999974E-6 : f32
    %add3A_29 = vector.broadcast %add3A_28 : f32 to vector<1x64xf32>
    %add3A_30 = arith.addf %sub3A, %add3A_29 : vector<1x64xf32>
    %sqrt3A = math.sqrt %add3A_30 : vector<1x64xf32>
    %div3A_31 = vector.broadcast %sqrt3A : vector<1x64xf32> to vector<4000x64xf32>
    %div3A_32 = arith.divf %mul3A_27, %div3A_31 : vector<4000x64xf32>
    %get3A_33 = arith.constant 0 : index
    %get3A_34 = arith.constant 0 : index
    %get3A_35 = vector.load %arg5[%get3A_33, %get3A_34] : memref<1x64xf32, #tpu.memory_space<vmem>>, vector<1x64xf32>
    %add3A_36 = vector.broadcast %get3A_35 : vector<1x64xf32> to vector<4000x64xf32>
    %add3A_37 = arith.addf %div3A_32, %add3A_36 : vector<4000x64xf32>
    %max3A = arith.constant 0.000000e+00 : f32
    %max3A_38 = vector.broadcast %max3A : f32 to vector<4000x64xf32>
    %max3A_39 = arith.maximumf %add3A_37, %max3A_38 : vector<4000x64xf32>
    %convert_element_type3A = arith.truncf %max3A_39 : vector<4000x64xf32> to vector<4000x64xbf16>
    %convert_element_type3A_40 = arith.extf %convert_element_type3A : vector<4000x64xbf16> to vector<4000x64xf32>
    %get3A_41 = arith.constant 0 : index
    %get3A_42 = arith.constant 0 : index
    %get3A_43 = vector.load %arg8[%get3A_41, %get3A_42] : memref<1x64xf32, #tpu.memory_space<vmem>>, vector<1x64xf32>
    %convert_element_type3A_44 = arith.truncf %get3A_43 : vector<1x64xf32> to vector<1x64xbf16>
    %convert_element_type3A_45 = arith.extf %convert_element_type3A_44 : vector<1x64xbf16> to vector<1x64xf32>
    %mul3A_46 = vector.broadcast %convert_element_type3A_45 : vector<1x64xf32> to vector<4000x64xf32>
    %mul3A_47 = arith.mulf %convert_element_type3A_40, %mul3A_46 : vector<4000x64xf32>
    %reduce_sum3A = arith.constant dense<0.000000e+00> : vector<4000xf32>
    %reduce_sum3A_48 = vector.multi_reduction <add>, %mul3A_47, %reduce_sum3A [1] : vector<4000x64xf32> to vector<4000xf32>
    %broadcast_in_dim3A = vector.shape_cast %reduce_sum3A_48 : vector<4000xf32> to vector<4000x1xf32>
    %get3A_49 = arith.constant 0 : index
    %get3A_50 = arith.constant 0 : index
    %get3A_51 = vector.load %arg9[%get3A_49, %get3A_50] : memref<1x8xf32, #tpu.memory_space<vmem>>, vector<1x1xf32>
    %add3A_52 = vector.broadcast %get3A_51 : vector<1x1xf32> to vector<4000x1xf32>
    %add3A_53 = arith.addf %broadcast_in_dim3A, %add3A_52 : vector<4000x1xf32>
    %get3A_54 = arith.constant 0 : index
    %get3A_55 = arith.constant 0 : index
    %get3A_56 = vector.load %arg2[%get3A_54, %get3A_55] : memref<4000x4xf32, #tpu.memory_space<vmem>>, vector<4000x4xf32>
    %slice3A = vector.extract_strided_slice %get3A_56 {offsets = [0, 0], sizes = [4000, 3], strides = [1, 1]} : vector<4000x4xf32> to vector<4000x3xf32>
    %mul3A_57 = vector.broadcast %add3A_53 : vector<4000x1xf32> to vector<4000x3xf32>
    %mul3A_58 = arith.mulf %slice3A, %mul3A_57 : vector<4000x3xf32>
    %broadcast_in_dim3A_59 = arith.constant 0.000000e+00 : f32
    %broadcast_in_dim3A_60 = vector.broadcast %broadcast_in_dim3A_59 : f32 to vector<4000x13xf32>
    %concatenate3A = tpu.concatenate %mul3A_58, %broadcast_in_dim3A_60 in 1 : vector<4000x3xf32>, vector<4000x13xf32> -> vector<4000x16xf32>
    %swap3A = arith.constant 0 : index
    %swap3A_61 = arith.constant 0 : index
    %swap3A_62 = vector.load %arg10[%swap3A, %swap3A_61] : memref<4000x16xf32, #tpu.memory_space<vmem>>, vector<4000x16xf32>
    tpu.vector_store %arg10[%swap3A, %swap3A_61], %concatenate3A {strides = array<i32>} : memref<4000x16xf32, #tpu.memory_space<vmem>>, vector<4000x16xf32>,
    return
  }
  func.func @transform_0(%arg0: i32) -> (i32, i32) {
    %c0_i32 = arith.constant 0 : i32
    %c0_i32_0 = arith.constant 0 : i32
    return %arg0, %c0_i32 : i32, i32
  }
  func.func @transform_1(%arg0: i32) -> (i32, i32) {
    %c0_i32 = arith.constant 0 : i32
    %c0_i32_0 = arith.constant 0 : i32
    return %arg0, %c0_i32 : i32, i32
  }
  func.func @transform_2(%arg0: i32) -> (i32, i32) {
    %c0_i32 = arith.constant 0 : i32
    %c0_i32_0 = arith.constant 0 : i32
    %c0_i32_1 = arith.constant 0 : i32
    return %c0_i32, %c0_i32_0 : i32, i32
  }
  func.func @transform_3(%arg0: i32) -> (i32, i32) {
    %c0_i32 = arith.constant 0 : i32
    %c0_i32_0 = arith.constant 0 : i32
    %c0_i32_1 = arith.constant 0 : i32
    return %c0_i32, %c0_i32_0 : i32, i32
  }
  func.func @transform_4(%arg0: i32) -> (i32, i32) {
    %c0_i32 = arith.constant 0 : i32
    %c0_i32_0 = arith.constant 0 : i32
    %c0_i32_1 = arith.constant 0 : i32
    return %c0_i32, %c0_i32_0 : i32, i32
  }
  func.func @transform_5(%arg0: i32) -> (i32, i32) {
    %c0_i32 = arith.constant 0 : i32
    %c0_i32_0 = arith.constant 0 : i32
    %c0_i32_1 = arith.constant 0 : i32
    return %c0_i32, %c0_i32_0 : i32, i32
  }
  func.func @transform_6(%arg0: i32) -> (i32, i32) {
    %c0_i32 = arith.constant 0 : i32
    %c0_i32_0 = arith.constant 0 : i32
    %c0_i32_1 = arith.constant 0 : i32
    return %c0_i32, %c0_i32_0 : i32, i32
  }
  func.func @transform_7(%arg0: i32) -> (i32, i32) {
    %c0_i32 = arith.constant 0 : i32
    %c0_i32_0 = arith.constant 0 : i32
    %c0_i32_1 = arith.constant 0 : i32
    return %c0_i32, %c0_i32_0 : i32, i32
  }
  func.func @transform_8(%arg0: i32) -> (i32, i32) {
    %c0_i32 = arith.constant 0 : i32
    %c0_i32_0 = arith.constant 0 : i32
    %c0_i32_1 = arith.constant 0 : i32
    return %c0_i32, %c0_i32_0 : i32, i32
  }
  func.func @transform_9(%arg0: i32) -> (i32, i32) {
    %c0_i32 = arith.constant 0 : i32
    %c0_i32_0 = arith.constant 0 : i32
    return %arg0, %c0_i32 : i32, i32
  }
}

module attributes {stable_mosaic.version = 14 : i64} {
  func.func @_k_nk1(%arg0: i32, %arg1: memref<5000x64xf32, #tpu.memory_space<vmem>>, %arg2: memref<5000x64xf32, #tpu.memory_space<vmem>>, %arg3: memref<5000x4xf32, #tpu.memory_space<vmem>>, %arg4: memref<5000x16xf32, #tpu.memory_space<vmem>>, %arg5: memref<64x64xf32, #tpu.memory_space<vmem>>, %arg6: memref<64x64xf32, #tpu.memory_space<vmem>>, %arg7: memref<1x64xf32, #tpu.memory_space<vmem>>, %arg8: memref<5000x64xf32, #tpu.memory_space<vmem>>, %arg9: memref<5000x4xf32, #tpu.memory_space<vmem>>, %arg10: memref<8x64xf32, #tpu.memory_space<vmem>>) attributes {dimension_semantics = [#tpu.dimension_semantics<arbitrary>], iteration_bounds = array<i64: 10>, scalar_prefetch = 0 : i64, scratch_operands = 0 : i64, tpu.core_type = #tpu.core_type<tc>, window_params = [{transform_indices = @transform_0, window_bounds = array<i64: 5000, 64>}, {transform_indices = @transform_1, window_bounds = array<i64: 5000, 64>}, {transform_indices = @transform_2, window_bounds = array<i64: 5000, 4>}, {transform_indices = @transform_3, window_bounds = array<i64: 5000, 16>}, {pipeline_mode = #tpu.pipeline_mode<synchronous>, transform_indices = @transform_4, window_bounds = array<i64: 64, 64>}, {pipeline_mode = #tpu.pipeline_mode<synchronous>, transform_indices = @transform_5, window_bounds = array<i64: 64, 64>}, {pipeline_mode = #tpu.pipeline_mode<synchronous>, transform_indices = @transform_6, window_bounds = array<i64: 1, 64>}, {transform_indices = @transform_7, window_bounds = array<i64: 5000, 64>}, {transform_indices = @transform_8, window_bounds = array<i64: 5000, 4>}, {pipeline_mode = #tpu.pipeline_mode<synchronous>, transform_indices = @transform_9, window_bounds = array<i64: 8, 64>}]} {
    %get3A = arith.constant 0 : index
    %get3A_0 = arith.constant 0 : index
    %get3A_1 = vector.load %arg1[%get3A, %get3A_0] : memref<5000x64xf32, #tpu.memory_space<vmem>>, vector<5000x64xf32>
    %get3A_2 = arith.constant 0 : index
    %get3A_3 = arith.constant 0 : index
    %get3A_4 = vector.load %arg5[%get3A_2, %get3A_3] : memref<64x64xf32, #tpu.memory_space<vmem>>, vector<64x64xf32>
    %dot_general3A = arith.constant dense<0.000000e+00> : vector<5000x64xf32>
    %dot_general3A_5 = tpu.matmul %get3A_1, %get3A_4, %dot_general3A {dimension_numbers = #tpu.dot_dimension_numbers<[1], [0], [0], [1], [0, 0, 1, 1], [], []>, transpose_lhs_hint = false} : vector<5000x64xf32>, vector<64x64xf32>, vector<5000x64xf32> -> vector<5000x64xf32>
    %get3A_6 = arith.constant 0 : index
    %get3A_7 = arith.constant 0 : index
    %get3A_8 = vector.load %arg2[%get3A_6, %get3A_7] : memref<5000x64xf32, #tpu.memory_space<vmem>>, vector<5000x64xf32>
    %get3A_9 = arith.constant 0 : index
    %get3A_10 = arith.constant 0 : index
    %get3A_11 = vector.load %arg6[%get3A_9, %get3A_10] : memref<64x64xf32, #tpu.memory_space<vmem>>, vector<64x64xf32>
    %dot_general3A_12 = arith.constant dense<0.000000e+00> : vector<5000x64xf32>
    %dot_general3A_13 = tpu.matmul %get3A_8, %get3A_11, %dot_general3A_12 {dimension_numbers = #tpu.dot_dimension_numbers<[1], [0], [0], [1], [0, 0, 1, 1], [], []>, transpose_lhs_hint = false} : vector<5000x64xf32>, vector<64x64xf32>, vector<5000x64xf32> -> vector<5000x64xf32>
    %add3A = arith.addf %dot_general3A_5, %dot_general3A_13 : vector<5000x64xf32>
    %get3A_14 = arith.constant 0 : index
    %get3A_15 = arith.constant 0 : index
    %get3A_16 = vector.load %arg7[%get3A_14, %get3A_15] : memref<1x64xf32, #tpu.memory_space<vmem>>, vector<1x64xf32>
    %add3A_17 = vector.broadcast %get3A_16 : vector<1x64xf32> to vector<5000x64xf32>
    %add3A_18 = arith.addf %add3A, %add3A_17 : vector<5000x64xf32>
    %swap3A = arith.constant 0 : index
    %swap3A_19 = arith.constant 0 : index
    %swap3A_20 = vector.load %arg8[%swap3A, %swap3A_19] : memref<5000x64xf32, #tpu.memory_space<vmem>>, vector<5000x64xf32>
    tpu.vector_store %arg8[%swap3A, %swap3A_19], %add3A_18 {strides = array<i32>} : memref<5000x64xf32, #tpu.memory_space<vmem>>, vector<5000x64xf32>,
    %get3A_21 = arith.constant 0 : index
    %get3A_22 = arith.constant 0 : index
    %get3A_23 = vector.load %arg3[%get3A_21, %get3A_22] : memref<5000x4xf32, #tpu.memory_space<vmem>>, vector<5000x4xf32>
    %get3A_24 = arith.constant 0 : index
    %get3A_25 = arith.constant 0 : index
    %get3A_26 = vector.load %arg4[%get3A_24, %get3A_25] : memref<5000x16xf32, #tpu.memory_space<vmem>>, vector<5000x4xf32>
    %add3A_27 = arith.addf %get3A_23, %get3A_26 : vector<5000x4xf32>
    %swap3A_28 = arith.constant 0 : index
    %swap3A_29 = arith.constant 0 : index
    %swap3A_30 = vector.load %arg9[%swap3A_28, %swap3A_29] : memref<5000x4xf32, #tpu.memory_space<vmem>>, vector<5000x4xf32>
    tpu.vector_store %arg9[%swap3A_28, %swap3A_29], %add3A_27 {strides = array<i32>} : memref<5000x4xf32, #tpu.memory_space<vmem>>, vector<5000x4xf32>,
    %reduce_sum3A = arith.constant dense<0.000000e+00> : vector<64xf32>
    %reduce_sum3A_31 = vector.multi_reduction <add>, %add3A_18, %reduce_sum3A [0] : vector<5000x64xf32> to vector<64xf32>
    %broadcast_in_dim3A = vector.shape_cast %reduce_sum3A_31 : vector<64xf32> to vector<1x64xf32>
    %mul3A = arith.mulf %add3A_18, %add3A_18 : vector<5000x64xf32>
    %reduce_sum3A_32 = arith.constant dense<0.000000e+00> : vector<64xf32>
    %reduce_sum3A_33 = vector.multi_reduction <add>, %mul3A, %reduce_sum3A_32 [0] : vector<5000x64xf32> to vector<64xf32>
    %broadcast_in_dim3A_34 = vector.shape_cast %reduce_sum3A_33 : vector<64xf32> to vector<1x64xf32>
    %broadcast_in_dim3A_35 = arith.constant 0.000000e+00 : f32
    %broadcast_in_dim3A_36 = vector.broadcast %broadcast_in_dim3A_35 : f32 to vector<6x64xf32>
    %concatenate3A = tpu.concatenate %broadcast_in_dim3A, %broadcast_in_dim3A_34, %broadcast_in_dim3A_36 in 0 : vector<1x64xf32>, vector<1x64xf32>, vector<6x64xf32> -> vector<8x64xf32>
    %eq3A = arith.constant 0 : i32
    %eq3A_37 = arith.cmpi eq, %arg0, %eq3A : i32
    %convert_element_type3A = arith.extui %eq3A_37 : i1 to i32
    %cond3A = arith.constant 0 : i32
    %cond3A_38 = arith.cmpi ne, %convert_element_type3A, %cond3A : i32
    scf.if %cond3A_38 {
      %swap3A_43 = arith.constant 0 : index
      %swap3A_44 = arith.constant 0 : index
      %swap3A_45 = vector.load %arg10[%swap3A_43, %swap3A_44] : memref<8x64xf32, #tpu.memory_space<vmem>>, vector<8x64xf32>
      tpu.vector_store %arg10[%swap3A_43, %swap3A_44], %concatenate3A {strides = array<i32>} : memref<8x64xf32, #tpu.memory_space<vmem>>, vector<8x64xf32>,
    } else {
    }
    %gt3A = arith.constant 0 : i32
    %gt3A_39 = arith.cmpi sgt, %arg0, %gt3A : i32
    %convert_element_type3A_40 = arith.extui %gt3A_39 : i1 to i32
    %cond3A_41 = arith.constant 0 : i32
    %cond3A_42 = arith.cmpi ne, %convert_element_type3A_40, %cond3A_41 : i32
    scf.if %cond3A_42 {
      %get3A_43 = arith.constant 0 : index
      %get3A_44 = arith.constant 0 : index
      %get3A_45 = vector.load %arg10[%get3A_43, %get3A_44] : memref<8x64xf32, #tpu.memory_space<vmem>>, vector<8x64xf32>
      %add3A_46 = arith.addf %get3A_45, %concatenate3A : vector<8x64xf32>
      %swap3A_47 = arith.constant 0 : index
      %swap3A_48 = arith.constant 0 : index
      %swap3A_49 = vector.load %arg10[%swap3A_47, %swap3A_48] : memref<8x64xf32, #tpu.memory_space<vmem>>, vector<8x64xf32>
      tpu.vector_store %arg10[%swap3A_47, %swap3A_48], %add3A_46 {strides = array<i32>} : memref<8x64xf32, #tpu.memory_space<vmem>>, vector<8x64xf32>,
    } else {
    }
    return
  }
  func.func @transform_0(%arg0: i32) -> (i32, i32) {
    %c0_i32 = arith.constant 0 : i32
    %c0_i32_0 = arith.constant 0 : i32
    return %arg0, %c0_i32 : i32, i32
  }
  func.func @transform_1(%arg0: i32) -> (i32, i32) {
    %c0_i32 = arith.constant 0 : i32
    %c0_i32_0 = arith.constant 0 : i32
    return %arg0, %c0_i32 : i32, i32
  }
  func.func @transform_2(%arg0: i32) -> (i32, i32) {
    %c0_i32 = arith.constant 0 : i32
    %c0_i32_0 = arith.constant 0 : i32
    return %arg0, %c0_i32 : i32, i32
  }
  func.func @transform_3(%arg0: i32) -> (i32, i32) {
    %c0_i32 = arith.constant 0 : i32
    %c0_i32_0 = arith.constant 0 : i32
    return %arg0, %c0_i32 : i32, i32
  }
  func.func @transform_4(%arg0: i32) -> (i32, i32) {
    %c0_i32 = arith.constant 0 : i32
    %c0_i32_0 = arith.constant 0 : i32
    %c0_i32_1 = arith.constant 0 : i32
    return %c0_i32, %c0_i32_0 : i32, i32
  }
  func.func @transform_5(%arg0: i32) -> (i32, i32) {
    %c0_i32 = arith.constant 0 : i32
    %c0_i32_0 = arith.constant 0 : i32
    %c0_i32_1 = arith.constant 0 : i32
    return %c0_i32, %c0_i32_0 : i32, i32
  }
  func.func @transform_6(%arg0: i32) -> (i32, i32) {
    %c0_i32 = arith.constant 0 : i32
    %c0_i32_0 = arith.constant 0 : i32
    %c0_i32_1 = arith.constant 0 : i32
    return %c0_i32, %c0_i32_0 : i32, i32
  }
  func.func @transform_7(%arg0: i32) -> (i32, i32) {
    %c0_i32 = arith.constant 0 : i32
    %c0_i32_0 = arith.constant 0 : i32
    return %arg0, %c0_i32 : i32, i32
  }
  func.func @transform_8(%arg0: i32) -> (i32, i32) {
    %c0_i32 = arith.constant 0 : i32
    %c0_i32_0 = arith.constant 0 : i32
    return %arg0, %c0_i32 : i32, i32
  }
  func.func @transform_9(%arg0: i32) -> (i32, i32) {
    %c0_i32 = arith.constant 0 : i32
    %c0_i32_0 = arith.constant 0 : i32
    %c0_i32_1 = arith.constant 0 : i32
    return %c0_i32, %c0_i32_0 : i32, i32
  }
}

module attributes {stable_mosaic.version = 14 : i64} {
  func.func @_k_bn_lin(%arg0: i32, %arg1: memref<5000x64xf32, #tpu.memory_space<vmem>>, %arg2: memref<8x64xf32, #tpu.memory_space<vmem>>, %arg3: memref<1x64xf32, #tpu.memory_space<vmem>>, %arg4: memref<1x64xf32, #tpu.memory_space<vmem>>, %arg5: memref<64x64xf32, #tpu.memory_space<vmem>>, %arg6: memref<1x64xf32, #tpu.memory_space<vmem>>, %arg7: memref<5000x64xf32, #tpu.memory_space<vmem>>, %arg8: memref<8x64xf32, #tpu.memory_space<vmem>>) attributes {dimension_semantics = [#tpu.dimension_semantics<arbitrary>], iteration_bounds = array<i64: 10>, scalar_prefetch = 0 : i64, scratch_operands = 0 : i64, tpu.core_type = #tpu.core_type<tc>, window_params = [{transform_indices = @transform_0, window_bounds = array<i64: 5000, 64>}, {pipeline_mode = #tpu.pipeline_mode<synchronous>, transform_indices = @transform_1, window_bounds = array<i64: 8, 64>}, {pipeline_mode = #tpu.pipeline_mode<synchronous>, transform_indices = @transform_2, window_bounds = array<i64: 1, 64>}, {pipeline_mode = #tpu.pipeline_mode<synchronous>, transform_indices = @transform_3, window_bounds = array<i64: 1, 64>}, {pipeline_mode = #tpu.pipeline_mode<synchronous>, transform_indices = @transform_4, window_bounds = array<i64: 64, 64>}, {pipeline_mode = #tpu.pipeline_mode<synchronous>, transform_indices = @transform_5, window_bounds = array<i64: 1, 64>}, {transform_indices = @transform_6, window_bounds = array<i64: 5000, 64>}, {pipeline_mode = #tpu.pipeline_mode<synchronous>, transform_indices = @transform_7, window_bounds = array<i64: 8, 64>}]} {
    %get3A = arith.constant 0 : index
    %get3A_0 = arith.constant 0 : index
    %get3A_1 = vector.load %arg1[%get3A, %get3A_0] : memref<5000x64xf32, #tpu.memory_space<vmem>>, vector<5000x64xf32>
    %get3A_2 = arith.constant 0 : index
    %get3A_3 = arith.constant 0 : index
    %get3A_4 = vector.load %arg2[%get3A_2, %get3A_3] : memref<8x64xf32, #tpu.memory_space<vmem>>, vector<1x64xf32>
    %div3A = arith.constant 5.000000e+04 : f32
    %div3A_5 = vector.broadcast %div3A : f32 to vector<1x64xf32>
    %div3A_6 = arith.divf %get3A_4, %div3A_5 : vector<1x64xf32>
    %get3A_7 = arith.constant 1 : index
    %get3A_8 = arith.constant 0 : index
    %get3A_9 = vector.load %arg2[%get3A_7, %get3A_8] : memref<8x64xf32, #tpu.memory_space<vmem>>, vector<1x64xf32>
    %div3A_10 = arith.constant 5.000000e+04 : f32
    %div3A_11 = vector.broadcast %div3A_10 : f32 to vector<1x64xf32>
    %div3A_12 = arith.divf %get3A_9, %div3A_11 : vector<1x64xf32>
    %mul3A = arith.mulf %div3A_6, %div3A_6 : vector<1x64xf32>
    %sub3A = arith.subf %div3A_12, %mul3A : vector<1x64xf32>
    %get3A_13 = arith.constant 0 : index
    %get3A_14 = arith.constant 0 : index
    %get3A_15 = vector.load %arg3[%get3A_13, %get3A_14] : memref<1x64xf32, #tpu.memory_space<vmem>>, vector<1x64xf32>
    %sub3A_16 = vector.broadcast %div3A_6 : vector<1x64xf32> to vector<5000x64xf32>
    %sub3A_17 = arith.subf %get3A_1, %sub3A_16 : vector<5000x64xf32>
    %mul3A_18 = vector.broadcast %get3A_15 : vector<1x64xf32> to vector<5000x64xf32>
    %mul3A_19 = arith.mulf %mul3A_18, %sub3A_17 : vector<5000x64xf32>
    %add3A = arith.constant 9.99999974E-6 : f32
    %add3A_20 = vector.broadcast %add3A : f32 to vector<1x64xf32>
    %add3A_21 = arith.addf %sub3A, %add3A_20 : vector<1x64xf32>
    %sqrt3A = math.sqrt %add3A_21 : vector<1x64xf32>
    %div3A_22 = vector.broadcast %sqrt3A : vector<1x64xf32> to vector<5000x64xf32>
    %div3A_23 = arith.divf %mul3A_19, %div3A_22 : vector<5000x64xf32>
    %get3A_24 = arith.constant 0 : index
    %get3A_25 = arith.constant 0 : index
    %get3A_26 = vector.load %arg4[%get3A_24, %get3A_25] : memref<1x64xf32, #tpu.memory_space<vmem>>, vector<1x64xf32>
    %add3A_27 = vector.broadcast %get3A_26 : vector<1x64xf32> to vector<5000x64xf32>
    %add3A_28 = arith.addf %div3A_23, %add3A_27 : vector<5000x64xf32>
    %max3A = arith.constant 0.000000e+00 : f32
    %max3A_29 = vector.broadcast %max3A : f32 to vector<5000x64xf32>
    %max3A_30 = arith.maximumf %add3A_28, %max3A_29 : vector<5000x64xf32>
    %get3A_31 = arith.constant 0 : index
    %get3A_32 = arith.constant 0 : index
    %get3A_33 = vector.load %arg5[%get3A_31, %get3A_32] : memref<64x64xf32, #tpu.memory_space<vmem>>, vector<64x64xf32>
    %dot_general3A = arith.constant dense<0.000000e+00> : vector<5000x64xf32>
    %dot_general3A_34 = tpu.matmul %max3A_30, %get3A_33, %dot_general3A {dimension_numbers = #tpu.dot_dimension_numbers<[1], [0], [0], [1], [0, 0, 1, 1], [], []>, transpose_lhs_hint = false} : vector<5000x64xf32>, vector<64x64xf32>, vector<5000x64xf32> -> vector<5000x64xf32>
    %get3A_35 = arith.constant 0 : index
    %get3A_36 = arith.constant 0 : index
    %get3A_37 = vector.load %arg6[%get3A_35, %get3A_36] : memref<1x64xf32, #tpu.memory_space<vmem>>, vector<1x64xf32>
    %add3A_38 = vector.broadcast %get3A_37 : vector<1x64xf32> to vector<5000x64xf32>
    %add3A_39 = arith.addf %dot_general3A_34, %add3A_38 : vector<5000x64xf32>
    %swap3A = arith.constant 0 : index
    %swap3A_40 = arith.constant 0 : index
    %swap3A_41 = vector.load %arg7[%swap3A, %swap3A_40] : memref<5000x64xf32, #tpu.memory_space<vmem>>, vector<5000x64xf32>
    tpu.vector_store %arg7[%swap3A, %swap3A_40], %add3A_39 {strides = array<i32>} : memref<5000x64xf32, #tpu.memory_space<vmem>>, vector<5000x64xf32>,
    %reduce_sum3A = arith.constant dense<0.000000e+00> : vector<64xf32>
    %reduce_sum3A_42 = vector.multi_reduction <add>, %add3A_39, %reduce_sum3A [0] : vector<5000x64xf32> to vector<64xf32>
    %broadcast_in_dim3A = vector.shape_cast %reduce_sum3A_42 : vector<64xf32> to vector<1x64xf32>
    %mul3A_43 = arith.mulf %add3A_39, %add3A_39 : vector<5000x64xf32>
    %reduce_sum3A_44 = arith.constant dense<0.000000e+00> : vector<64xf32>
    %reduce_sum3A_45 = vector.multi_reduction <add>, %mul3A_43, %reduce_sum3A_44 [0] : vector<5000x64xf32> to vector<64xf32>
    %broadcast_in_dim3A_46 = vector.shape_cast %reduce_sum3A_45 : vector<64xf32> to vector<1x64xf32>
    %broadcast_in_dim3A_47 = arith.constant 0.000000e+00 : f32
    %broadcast_in_dim3A_48 = vector.broadcast %broadcast_in_dim3A_47 : f32 to vector<6x64xf32>
    %concatenate3A = tpu.concatenate %broadcast_in_dim3A, %broadcast_in_dim3A_46, %broadcast_in_dim3A_48 in 0 : vector<1x64xf32>, vector<1x64xf32>, vector<6x64xf32> -> vector<8x64xf32>
    %eq3A = arith.constant 0 : i32
    %eq3A_49 = arith.cmpi eq, %arg0, %eq3A : i32
    %convert_element_type3A = arith.extui %eq3A_49 : i1 to i32
    %cond3A = arith.constant 0 : i32
    %cond3A_50 = arith.cmpi ne, %convert_element_type3A, %cond3A : i32
    scf.if %cond3A_50 {
      %swap3A_55 = arith.constant 0 : index
      %swap3A_56 = arith.constant 0 : index
      %swap3A_57 = vector.load %arg8[%swap3A_55, %swap3A_56] : memref<8x64xf32, #tpu.memory_space<vmem>>, vector<8x64xf32>
      tpu.vector_store %arg8[%swap3A_55, %swap3A_56], %concatenate3A {strides = array<i32>} : memref<8x64xf32, #tpu.memory_space<vmem>>, vector<8x64xf32>,
    } else {
    }
    %gt3A = arith.constant 0 : i32
    %gt3A_51 = arith.cmpi sgt, %arg0, %gt3A : i32
    %convert_element_type3A_52 = arith.extui %gt3A_51 : i1 to i32
    %cond3A_53 = arith.constant 0 : i32
    %cond3A_54 = arith.cmpi ne, %convert_element_type3A_52, %cond3A_53 : i32
    scf.if %cond3A_54 {
      %get3A_55 = arith.constant 0 : index
      %get3A_56 = arith.constant 0 : index
      %get3A_57 = vector.load %arg8[%get3A_55, %get3A_56] : memref<8x64xf32, #tpu.memory_space<vmem>>, vector<8x64xf32>
      %add3A_58 = arith.addf %get3A_57, %concatenate3A : vector<8x64xf32>
      %swap3A_59 = arith.constant 0 : index
      %swap3A_60 = arith.constant 0 : index
      %swap3A_61 = vector.load %arg8[%swap3A_59, %swap3A_60] : memref<8x64xf32, #tpu.memory_space<vmem>>, vector<8x64xf32>
      tpu.vector_store %arg8[%swap3A_59, %swap3A_60], %add3A_58 {strides = array<i32>} : memref<8x64xf32, #tpu.memory_space<vmem>>, vector<8x64xf32>,
    } else {
    }
    return
  }
  func.func @transform_0(%arg0: i32) -> (i32, i32) {
    %c0_i32 = arith.constant 0 : i32
    %c0_i32_0 = arith.constant 0 : i32
    return %arg0, %c0_i32 : i32, i32
  }
  func.func @transform_1(%arg0: i32) -> (i32, i32) {
    %c0_i32 = arith.constant 0 : i32
    %c0_i32_0 = arith.constant 0 : i32
    %c0_i32_1 = arith.constant 0 : i32
    return %c0_i32, %c0_i32_0 : i32, i32
  }
  func.func @transform_2(%arg0: i32) -> (i32, i32) {
    %c0_i32 = arith.constant 0 : i32
    %c0_i32_0 = arith.constant 0 : i32
    %c0_i32_1 = arith.constant 0 : i32
    return %c0_i32, %c0_i32_0 : i32, i32
  }
  func.func @transform_3(%arg0: i32) -> (i32, i32) {
    %c0_i32 = arith.constant 0 : i32
    %c0_i32_0 = arith.constant 0 : i32
    %c0_i32_1 = arith.constant 0 : i32
    return %c0_i32, %c0_i32_0 : i32, i32
  }
  func.func @transform_4(%arg0: i32) -> (i32, i32) {
    %c0_i32 = arith.constant 0 : i32
    %c0_i32_0 = arith.constant 0 : i32
    %c0_i32_1 = arith.constant 0 : i32
    return %c0_i32, %c0_i32_0 : i32, i32
  }
  func.func @transform_5(%arg0: i32) -> (i32, i32) {
    %c0_i32 = arith.constant 0 : i32
    %c0_i32_0 = arith.constant 0 : i32
    %c0_i32_1 = arith.constant 0 : i32
    return %c0_i32, %c0_i32_0 : i32, i32
  }
  func.func @transform_6(%arg0: i32) -> (i32, i32) {
    %c0_i32 = arith.constant 0 : i32
    %c0_i32_0 = arith.constant 0 : i32
    return %arg0, %c0_i32 : i32, i32
  }
  func.func @transform_7(%arg0: i32) -> (i32, i32) {
    %c0_i32 = arith.constant 0 : i32
    %c0_i32_0 = arith.constant 0 : i32
    %c0_i32_1 = arith.constant 0 : i32
    return %c0_i32, %c0_i32_0 : i32, i32
  }
}

module attributes {stable_mosaic.version = 14 : i64} {
  func.func @_k_nk3tb(%arg0: i32, %arg1: memref<5000x64xf32, #tpu.memory_space<vmem>>, %arg2: memref<8x64xf32, #tpu.memory_space<vmem>>, %arg3: memref<1x64xf32, #tpu.memory_space<vmem>>, %arg4: memref<1x64xf32, #tpu.memory_space<vmem>>, %arg5: memref<5000x64xf32, #tpu.memory_space<vmem>>, %arg6: memref<5000x4xf32, #tpu.memory_space<vmem>>, %arg7: memref<64x64xf32, #tpu.memory_space<vmem>>, %arg8: memref<64x64xf32, #tpu.memory_space<vmem>>, %arg9: memref<1x64xf32, #tpu.memory_space<vmem>>, %arg10: memref<5000x64xf32, #tpu.memory_space<vmem>>, %arg11: memref<5000x80xf32, #tpu.memory_space<vmem>>, %arg12: memref<5000x80xf32, #tpu.memory_space<vmem>>) attributes {dimension_semantics = [#tpu.dimension_semantics<arbitrary>], iteration_bounds = array<i64: 10>, scalar_prefetch = 0 : i64, scratch_operands = 0 : i64, tpu.core_type = #tpu.core_type<tc>, window_params = [{transform_indices = @transform_0, window_bounds = array<i64: 5000, 64>}, {pipeline_mode = #tpu.pipeline_mode<synchronous>, transform_indices = @transform_1, window_bounds = array<i64: 8, 64>}, {pipeline_mode = #tpu.pipeline_mode<synchronous>, transform_indices = @transform_2, window_bounds = array<i64: 1, 64>}, {pipeline_mode = #tpu.pipeline_mode<synchronous>, transform_indices = @transform_3, window_bounds = array<i64: 1, 64>}, {transform_indices = @transform_4, window_bounds = array<i64: 5000, 64>}, {transform_indices = @transform_5, window_bounds = array<i64: 5000, 4>}, {pipeline_mode = #tpu.pipeline_mode<synchronous>, transform_indices = @transform_6, window_bounds = array<i64: 64, 64>}, {pipeline_mode = #tpu.pipeline_mode<synchronous>, transform_indices = @transform_7, window_bounds = array<i64: 64, 64>}, {pipeline_mode = #tpu.pipeline_mode<synchronous>, transform_indices = @transform_8, window_bounds = array<i64: 1, 64>}, {transform_indices = @transform_9, window_bounds = array<i64: 5000, 64>}, {transform_indices = @transform_10, window_bounds = array<i64: 5000, 80>}, {transform_indices = @transform_11, window_bounds = array<i64: 5000, 80>}]} {
    %get3A = arith.constant 0 : index
    %get3A_0 = arith.constant 0 : index
    %get3A_1 = vector.load %arg1[%get3A, %get3A_0] : memref<5000x64xf32, #tpu.memory_space<vmem>>, vector<5000x64xf32>
    %get3A_2 = arith.constant 0 : index
    %get3A_3 = arith.constant 0 : index
    %get3A_4 = vector.load %arg2[%get3A_2, %get3A_3] : memref<8x64xf32, #tpu.memory_space<vmem>>, vector<1x64xf32>
    %div3A = arith.constant 5.000000e+04 : f32
    %div3A_5 = vector.broadcast %div3A : f32 to vector<1x64xf32>
    %div3A_6 = arith.divf %get3A_4, %div3A_5 : vector<1x64xf32>
    %get3A_7 = arith.constant 1 : index
    %get3A_8 = arith.constant 0 : index
    %get3A_9 = vector.load %arg2[%get3A_7, %get3A_8] : memref<8x64xf32, #tpu.memory_space<vmem>>, vector<1x64xf32>
    %div3A_10 = arith.constant 5.000000e+04 : f32
    %div3A_11 = vector.broadcast %div3A_10 : f32 to vector<1x64xf32>
    %div3A_12 = arith.divf %get3A_9, %div3A_11 : vector<1x64xf32>
    %mul3A = arith.mulf %div3A_6, %div3A_6 : vector<1x64xf32>
    %sub3A = arith.subf %div3A_12, %mul3A : vector<1x64xf32>
    %get3A_13 = arith.constant 0 : index
    %get3A_14 = arith.constant 0 : index
    %get3A_15 = vector.load %arg3[%get3A_13, %get3A_14] : memref<1x64xf32, #tpu.memory_space<vmem>>, vector<1x64xf32>
    %sub3A_16 = vector.broadcast %div3A_6 : vector<1x64xf32> to vector<5000x64xf32>
    %sub3A_17 = arith.subf %get3A_1, %sub3A_16 : vector<5000x64xf32>
    %mul3A_18 = vector.broadcast %get3A_15 : vector<1x64xf32> to vector<5000x64xf32>
    %mul3A_19 = arith.mulf %mul3A_18, %sub3A_17 : vector<5000x64xf32>
    %add3A = arith.constant 9.99999974E-6 : f32
    %add3A_20 = vector.broadcast %add3A : f32 to vector<1x64xf32>
    %add3A_21 = arith.addf %sub3A, %add3A_20 : vector<1x64xf32>
    %sqrt3A = math.sqrt %add3A_21 : vector<1x64xf32>
    %div3A_22 = vector.broadcast %sqrt3A : vector<1x64xf32> to vector<5000x64xf32>
    %div3A_23 = arith.divf %mul3A_19, %div3A_22 : vector<5000x64xf32>
    %get3A_24 = arith.constant 0 : index
    %get3A_25 = arith.constant 0 : index
    %get3A_26 = vector.load %arg4[%get3A_24, %get3A_25] : memref<1x64xf32, #tpu.memory_space<vmem>>, vector<1x64xf32>
    %add3A_27 = vector.broadcast %get3A_26 : vector<1x64xf32> to vector<5000x64xf32>
    %add3A_28 = arith.addf %div3A_23, %add3A_27 : vector<5000x64xf32>
    %max3A = arith.constant 0.000000e+00 : f32
    %max3A_29 = vector.broadcast %max3A : f32 to vector<5000x64xf32>
    %max3A_30 = arith.maximumf %add3A_28, %max3A_29 : vector<5000x64xf32>
    %get3A_31 = arith.constant 0 : index
    %get3A_32 = arith.constant 0 : index
    %get3A_33 = vector.load %arg5[%get3A_31, %get3A_32] : memref<5000x64xf32, #tpu.memory_space<vmem>>, vector<5000x64xf32>
    %add3A_34 = arith.addf %get3A_33, %max3A_30 : vector<5000x64xf32>
    %swap3A = arith.constant 0 : index
    %swap3A_35 = arith.constant 0 : index
    %swap3A_36 = vector.load %arg10[%swap3A, %swap3A_35] : memref<5000x64xf32, #tpu.memory_space<vmem>>, vector<5000x64xf32>
    tpu.vector_store %arg10[%swap3A, %swap3A_35], %add3A_34 {strides = array<i32>} : memref<5000x64xf32, #tpu.memory_space<vmem>>, vector<5000x64xf32>,
    %get3A_37 = arith.constant 0 : index
    %get3A_38 = arith.constant 0 : index
    %get3A_39 = vector.load %arg6[%get3A_37, %get3A_38] : memref<5000x4xf32, #tpu.memory_space<vmem>>, vector<5000x4xf32>
    %broadcast_in_dim3A = arith.constant 0.000000e+00 : f32
    %broadcast_in_dim3A_40 = vector.broadcast %broadcast_in_dim3A : f32 to vector<5000x12xf32>
    %get3A_41 = arith.constant 0 : index
    %get3A_42 = arith.constant 0 : index
    %get3A_43 = vector.load %arg7[%get3A_41, %get3A_42] : memref<64x64xf32, #tpu.memory_space<vmem>>, vector<64x64xf32>
    %dot_general3A = arith.constant dense<0.000000e+00> : vector<5000x64xf32>
    %dot_general3A_44 = tpu.matmul %add3A_34, %get3A_43, %dot_general3A {dimension_numbers = #tpu.dot_dimension_numbers<[1], [0], [0], [1], [0, 0, 1, 1], [], []>, transpose_lhs_hint = false} : vector<5000x64xf32>, vector<64x64xf32>, vector<5000x64xf32> -> vector<5000x64xf32>
    %get3A_45 = arith.constant 0 : index
    %get3A_46 = arith.constant 0 : index
    %get3A_47 = vector.load %arg9[%get3A_45, %get3A_46] : memref<1x64xf32, #tpu.memory_space<vmem>>, vector<1x64xf32>
    %add3A_48 = vector.broadcast %get3A_47 : vector<1x64xf32> to vector<5000x64xf32>
    %add3A_49 = arith.addf %dot_general3A_44, %add3A_48 : vector<5000x64xf32>
    %concatenate3A = tpu.concatenate %add3A_49, %get3A_39, %broadcast_in_dim3A_40 in 1 : vector<5000x64xf32>, vector<5000x4xf32>, vector<5000x12xf32> -> vector<5000x80xf32>
    %swap3A_50 = arith.constant 0 : index
    %swap3A_51 = arith.constant 0 : index
    %swap3A_52 = vector.load %arg11[%swap3A_50, %swap3A_51] : memref<5000x80xf32, #tpu.memory_space<vmem>>, vector<5000x80xf32>
    tpu.vector_store %arg11[%swap3A_50, %swap3A_51], %concatenate3A {strides = array<i32>} : memref<5000x80xf32, #tpu.memory_space<vmem>>, vector<5000x80xf32>,
    %get3A_53 = arith.constant 0 : index
    %get3A_54 = arith.constant 0 : index
    %get3A_55 = vector.load %arg8[%get3A_53, %get3A_54] : memref<64x64xf32, #tpu.memory_space<vmem>>, vector<64x64xf32>
    %dot_general3A_56 = arith.constant dense<0.000000e+00> : vector<5000x64xf32>
    %dot_general3A_57 = tpu.matmul %add3A_34, %get3A_55, %dot_general3A_56 {dimension_numbers = #tpu.dot_dimension_numbers<[1], [0], [0], [1], [0, 0, 1, 1], [], []>, transpose_lhs_hint = false} : vector<5000x64xf32>, vector<64x64xf32>, vector<5000x64xf32> -> vector<5000x64xf32>
    %neg3A = arith.constant 0.000000e+00 : f32
    %neg3A_58 = vector.broadcast %neg3A : f32 to vector<5000x4xf32>
    %neg3A_59 = arith.subf %neg3A_58, %get3A_39 : vector<5000x4xf32>
    %concatenate3A_60 = tpu.concatenate %dot_general3A_57, %neg3A_59, %broadcast_in_dim3A_40 in 1 : vector<5000x64xf32>, vector<5000x4xf32>, vector<5000x12xf32> -> vector<5000x80xf32>
    %swap3A_61 = arith.constant 0 : index
    %swap3A_62 = arith.constant 0 : index
    %swap3A_63 = vector.load %arg12[%swap3A_61, %swap3A_62] : memref<5000x80xf32, #tpu.memory_space<vmem>>, vector<5000x80xf32>
    tpu.vector_store %arg12[%swap3A_61, %swap3A_62], %concatenate3A_60 {strides = array<i32>} : memref<5000x80xf32, #tpu.memory_space<vmem>>, vector<5000x80xf32>,
    return
  }
  func.func @transform_0(%arg0: i32) -> (i32, i32) {
    %c0_i32 = arith.constant 0 : i32
    %c0_i32_0 = arith.constant 0 : i32
    return %arg0, %c0_i32 : i32, i32
  }
  func.func @transform_1(%arg0: i32) -> (i32, i32) {
    %c0_i32 = arith.constant 0 : i32
    %c0_i32_0 = arith.constant 0 : i32
    %c0_i32_1 = arith.constant 0 : i32
    return %c0_i32, %c0_i32_0 : i32, i32
  }
  func.func @transform_2(%arg0: i32) -> (i32, i32) {
    %c0_i32 = arith.constant 0 : i32
    %c0_i32_0 = arith.constant 0 : i32
    %c0_i32_1 = arith.constant 0 : i32
    return %c0_i32, %c0_i32_0 : i32, i32
  }
  func.func @transform_3(%arg0: i32) -> (i32, i32) {
    %c0_i32 = arith.constant 0 : i32
    %c0_i32_0 = arith.constant 0 : i32
    %c0_i32_1 = arith.constant 0 : i32
    return %c0_i32, %c0_i32_0 : i32, i32
  }
  func.func @transform_4(%arg0: i32) -> (i32, i32) {
    %c0_i32 = arith.constant 0 : i32
    %c0_i32_0 = arith.constant 0 : i32
    return %arg0, %c0_i32 : i32, i32
  }
  func.func @transform_5(%arg0: i32) -> (i32, i32) {
    %c0_i32 = arith.constant 0 : i32
    %c0_i32_0 = arith.constant 0 : i32
    return %arg0, %c0_i32 : i32, i32
  }
  func.func @transform_6(%arg0: i32) -> (i32, i32) {
    %c0_i32 = arith.constant 0 : i32
    %c0_i32_0 = arith.constant 0 : i32
    %c0_i32_1 = arith.constant 0 : i32
    return %c0_i32, %c0_i32_0 : i32, i32
  }
  func.func @transform_7(%arg0: i32) -> (i32, i32) {
    %c0_i32 = arith.constant 0 : i32
    %c0_i32_0 = arith.constant 0 : i32
    %c0_i32_1 = arith.constant 0 : i32
    return %c0_i32, %c0_i32_0 : i32, i32
  }
  func.func @transform_8(%arg0: i32) -> (i32, i32) {
    %c0_i32 = arith.constant 0 : i32
    %c0_i32_0 = arith.constant 0 : i32
    %c0_i32_1 = arith.constant 0 : i32
    return %c0_i32, %c0_i32_0 : i32, i32
  }
  func.func @transform_9(%arg0: i32) -> (i32, i32) {
    %c0_i32 = arith.constant 0 : i32
    %c0_i32_0 = arith.constant 0 : i32
    return %arg0, %c0_i32 : i32, i32
  }
  func.func @transform_10(%arg0: i32) -> (i32, i32) {
    %c0_i32 = arith.constant 0 : i32
    %c0_i32_0 = arith.constant 0 : i32
    return %arg0, %c0_i32 : i32, i32
  }
  func.func @transform_11(%arg0: i32) -> (i32, i32) {
    %c0_i32 = arith.constant 0 : i32
    %c0_i32_0 = arith.constant 0 : i32
    return %arg0, %c0_i32 : i32, i32
  }
}

module attributes {stable_mosaic.version = 14 : i64} {
  func.func @_k_nk3pool(%arg0: i32, %arg1: memref<5000x64xf32, #tpu.memory_space<vmem>>, %arg2: memref<8x64xf32, #tpu.memory_space<vmem>>, %arg3: memref<1x64xf32, #tpu.memory_space<vmem>>, %arg4: memref<1x64xf32, #tpu.memory_space<vmem>>, %arg5: memref<5000x64xf32, #tpu.memory_space<vmem>>, %arg6: memref<5000x1xf32, #tpu.memory_space<vmem>>, %arg7: memref<256x64xf32, #tpu.memory_space<vmem>>, %arg8: memref<256x8xf32, #tpu.memory_space<vmem>>) attributes {dimension_semantics = [#tpu.dimension_semantics<arbitrary>], iteration_bounds = array<i64: 10>, scalar_prefetch = 0 : i64, scratch_operands = 0 : i64, tpu.core_type = #tpu.core_type<tc>, window_params = [{transform_indices = @transform_0, window_bounds = array<i64: 5000, 64>}, {pipeline_mode = #tpu.pipeline_mode<synchronous>, transform_indices = @transform_1, window_bounds = array<i64: 8, 64>}, {pipeline_mode = #tpu.pipeline_mode<synchronous>, transform_indices = @transform_2, window_bounds = array<i64: 1, 64>}, {pipeline_mode = #tpu.pipeline_mode<synchronous>, transform_indices = @transform_3, window_bounds = array<i64: 1, 64>}, {transform_indices = @transform_4, window_bounds = array<i64: 5000, 64>}, {transform_indices = @transform_5, window_bounds = array<i64: 5000, 1>}, {pipeline_mode = #tpu.pipeline_mode<synchronous>, transform_indices = @transform_6, window_bounds = array<i64: 256, 64>}, {pipeline_mode = #tpu.pipeline_mode<synchronous>, transform_indices = @transform_7, window_bounds = array<i64: 256, 8>}]} {
    %get3A = arith.constant 0 : index
    %get3A_0 = arith.constant 0 : index
    %get3A_1 = vector.load %arg5[%get3A, %get3A_0] : memref<5000x64xf32, #tpu.memory_space<vmem>>, vector<5000x64xf32>
    %get3A_2 = arith.constant 0 : index
    %get3A_3 = arith.constant 0 : index
    %get3A_4 = vector.load %arg1[%get3A_2, %get3A_3] : memref<5000x64xf32, #tpu.memory_space<vmem>>, vector<5000x64xf32>
    %get3A_5 = arith.constant 0 : index
    %get3A_6 = arith.constant 0 : index
    %get3A_7 = vector.load %arg2[%get3A_5, %get3A_6] : memref<8x64xf32, #tpu.memory_space<vmem>>, vector<1x64xf32>
    %div3A = arith.constant 5.000000e+04 : f32
    %div3A_8 = vector.broadcast %div3A : f32 to vector<1x64xf32>
    %div3A_9 = arith.divf %get3A_7, %div3A_8 : vector<1x64xf32>
    %get3A_10 = arith.constant 1 : index
    %get3A_11 = arith.constant 0 : index
    %get3A_12 = vector.load %arg2[%get3A_10, %get3A_11] : memref<8x64xf32, #tpu.memory_space<vmem>>, vector<1x64xf32>
    %div3A_13 = arith.constant 5.000000e+04 : f32
    %div3A_14 = vector.broadcast %div3A_13 : f32 to vector<1x64xf32>
    %div3A_15 = arith.divf %get3A_12, %div3A_14 : vector<1x64xf32>
    %mul3A = arith.mulf %div3A_9, %div3A_9 : vector<1x64xf32>
    %sub3A = arith.subf %div3A_15, %mul3A : vector<1x64xf32>
    %get3A_16 = arith.constant 0 : index
    %get3A_17 = arith.constant 0 : index
    %get3A_18 = vector.load %arg3[%get3A_16, %get3A_17] : memref<1x64xf32, #tpu.memory_space<vmem>>, vector<1x64xf32>
    %sub3A_19 = vector.broadcast %div3A_9 : vector<1x64xf32> to vector<5000x64xf32>
    %sub3A_20 = arith.subf %get3A_4, %sub3A_19 : vector<5000x64xf32>
    %mul3A_21 = vector.broadcast %get3A_18 : vector<1x64xf32> to vector<5000x64xf32>
    %mul3A_22 = arith.mulf %mul3A_21, %sub3A_20 : vector<5000x64xf32>
    %add3A = arith.constant 9.99999974E-6 : f32
    %add3A_23 = vector.broadcast %add3A : f32 to vector<1x64xf32>
    %add3A_24 = arith.addf %sub3A, %add3A_23 : vector<1x64xf32>
    %sqrt3A = math.sqrt %add3A_24 : vector<1x64xf32>
    %div3A_25 = vector.broadcast %sqrt3A : vector<1x64xf32> to vector<5000x64xf32>
    %div3A_26 = arith.divf %mul3A_22, %div3A_25 : vector<5000x64xf32>
    %get3A_27 = arith.constant 0 : index
    %get3A_28 = arith.constant 0 : index
    %get3A_29 = vector.load %arg4[%get3A_27, %get3A_28] : memref<1x64xf32, #tpu.memory_space<vmem>>, vector<1x64xf32>
    %add3A_30 = vector.broadcast %get3A_29 : vector<1x64xf32> to vector<5000x64xf32>
    %add3A_31 = arith.addf %div3A_26, %add3A_30 : vector<5000x64xf32>
    %max3A = arith.constant 0.000000e+00 : f32
    %max3A_32 = vector.broadcast %max3A : f32 to vector<5000x64xf32>
    %max3A_33 = arith.maximumf %add3A_31, %max3A_32 : vector<5000x64xf32>
    %add3A_34 = arith.addf %get3A_1, %max3A_33 : vector<5000x64xf32>
    %get3A_35 = arith.constant 0 : index
    %get3A_36 = arith.constant 0 : index
    %get3A_37 = vector.load %arg6[%get3A_35, %get3A_36] : memref<5000x1xf32, #tpu.memory_space<vmem>>, vector<5000x1xf32>
    %iota3A = tpu.iota {dimensions = array<i32: 1>} : vector<5000x256xi32>
    %convert_element_type3A = arith.sitofp %iota3A : vector<5000x256xi32> to vector<5000x256xf32>
    %eq3A = vector.broadcast %get3A_37 : vector<5000x1xf32> to vector<5000x256xf32>
    %eq3A_38 = arith.cmpf oeq, %eq3A, %convert_element_type3A : vector<5000x256xf32>
    %convert_element_type3A_39 = arith.extui %eq3A_38 : vector<5000x256xi1> to vector<5000x256xi32>
    %convert_element_type3A_40 = arith.sitofp %convert_element_type3A_39 : vector<5000x256xi32> to vector<5000x256xf32>
    %dot_general3A = arith.constant dense<0.000000e+00> : vector<256x64xf32>
    %dot_general3A_41 = tpu.matmul %convert_element_type3A_40, %add3A_34, %dot_general3A {dimension_numbers = #tpu.dot_dimension_numbers<[0], [0], [1], [1], [0, 1, 1, 1], [], []>, precision = #tpu.contract_precision<fp32>, transpose_lhs_hint = false} : vector<5000x256xf32>, vector<5000x64xf32>, vector<256x64xf32> -> vector<256x64xf32>
    %broadcast_in_dim3A = arith.constant 1.000000e+00 : f32
    %broadcast_in_dim3A_42 = vector.broadcast %broadcast_in_dim3A : f32 to vector<5000x8xf32>
    %dot_general3A_43 = arith.constant dense<0.000000e+00> : vector<256x8xf32>
    %dot_general3A_44 = tpu.matmul %convert_element_type3A_40, %broadcast_in_dim3A_42, %dot_general3A_43 {dimension_numbers = #tpu.dot_dimension_numbers<[0], [0], [1], [1], [0, 1, 1, 1], [], []>, precision = #tpu.contract_precision<fp32>, transpose_lhs_hint = false} : vector<5000x256xf32>, vector<5000x8xf32>, vector<256x8xf32> -> vector<256x8xf32>
    %eq3A_45 = arith.constant 0 : i32
    %eq3A_46 = arith.cmpi eq, %arg0, %eq3A_45 : i32
    %convert_element_type3A_47 = arith.extui %eq3A_46 : i1 to i32
    %cond3A = arith.constant 0 : i32
    %cond3A_48 = arith.cmpi ne, %convert_element_type3A_47, %cond3A : i32
    scf.if %cond3A_48 {
      %swap3A = arith.constant 0 : index
      %swap3A_53 = arith.constant 0 : index
      %swap3A_54 = vector.load %arg7[%swap3A, %swap3A_53] : memref<256x64xf32, #tpu.memory_space<vmem>>, vector<256x64xf32>
      tpu.vector_store %arg7[%swap3A, %swap3A_53], %dot_general3A_41 {strides = array<i32>} : memref<256x64xf32, #tpu.memory_space<vmem>>, vector<256x64xf32>,
      %swap3A_55 = arith.constant 0 : index
      %swap3A_56 = arith.constant 0 : index
      %swap3A_57 = vector.load %arg8[%swap3A_55, %swap3A_56] : memref<256x8xf32, #tpu.memory_space<vmem>>, vector<256x8xf32>
      tpu.vector_store %arg8[%swap3A_55, %swap3A_56], %dot_general3A_44 {strides = array<i32>} : memref<256x8xf32, #tpu.memory_space<vmem>>, vector<256x8xf32>,
    } else {
    }
    %gt3A = arith.constant 0 : i32
    %gt3A_49 = arith.cmpi sgt, %arg0, %gt3A : i32
    %convert_element_type3A_50 = arith.extui %gt3A_49 : i1 to i32
    %cond3A_51 = arith.constant 0 : i32
    %cond3A_52 = arith.cmpi ne, %convert_element_type3A_50, %cond3A_51 : i32
    scf.if %cond3A_52 {
      %get3A_53 = arith.constant 0 : index
      %get3A_54 = arith.constant 0 : index
      %get3A_55 = vector.load %arg7[%get3A_53, %get3A_54] : memref<256x64xf32, #tpu.memory_space<vmem>>, vector<256x64xf32>
      %add3A_56 = arith.addf %get3A_55, %dot_general3A_41 : vector<256x64xf32>
      %swap3A = arith.constant 0 : index
      %swap3A_57 = arith.constant 0 : index
      %swap3A_58 = vector.load %arg7[%swap3A, %swap3A_57] : memref<256x64xf32, #tpu.memory_space<vmem>>, vector<256x64xf32>
      tpu.vector_store %arg7[%swap3A, %swap3A_57], %add3A_56 {strides = array<i32>} : memref<256x64xf32, #tpu.memory_space<vmem>>, vector<256x64xf32>,
      %get3A_59 = arith.constant 0 : index
      %get3A_60 = arith.constant 0 : index
      %get3A_61 = vector.load %arg8[%get3A_59, %get3A_60] : memref<256x8xf32, #tpu.memory_space<vmem>>, vector<256x8xf32>
      %add3A_62 = arith.addf %get3A_61, %dot_general3A_44 : vector<256x8xf32>
      %swap3A_63 = arith.constant 0 : index
      %swap3A_64 = arith.constant 0 : index
      %swap3A_65 = vector.load %arg8[%swap3A_63, %swap3A_64] : memref<256x8xf32, #tpu.memory_space<vmem>>, vector<256x8xf32>
      tpu.vector_store %arg8[%swap3A_63, %swap3A_64], %add3A_62 {strides = array<i32>} : memref<256x8xf32, #tpu.memory_space<vmem>>, vector<256x8xf32>,
    } else {
    }
    return
  }
  func.func @transform_0(%arg0: i32) -> (i32, i32) {
    %c0_i32 = arith.constant 0 : i32
    %c0_i32_0 = arith.constant 0 : i32
    return %arg0, %c0_i32 : i32, i32
  }
  func.func @transform_1(%arg0: i32) -> (i32, i32) {
    %c0_i32 = arith.constant 0 : i32
    %c0_i32_0 = arith.constant 0 : i32
    %c0_i32_1 = arith.constant 0 : i32
    return %c0_i32, %c0_i32_0 : i32, i32
  }
  func.func @transform_2(%arg0: i32) -> (i32, i32) {
    %c0_i32 = arith.constant 0 : i32
    %c0_i32_0 = arith.constant 0 : i32
    %c0_i32_1 = arith.constant 0 : i32
    return %c0_i32, %c0_i32_0 : i32, i32
  }
  func.func @transform_3(%arg0: i32) -> (i32, i32) {
    %c0_i32 = arith.constant 0 : i32
    %c0_i32_0 = arith.constant 0 : i32
    %c0_i32_1 = arith.constant 0 : i32
    return %c0_i32, %c0_i32_0 : i32, i32
  }
  func.func @transform_4(%arg0: i32) -> (i32, i32) {
    %c0_i32 = arith.constant 0 : i32
    %c0_i32_0 = arith.constant 0 : i32
    return %arg0, %c0_i32 : i32, i32
  }
  func.func @transform_5(%arg0: i32) -> (i32, i32) {
    %c0_i32 = arith.constant 0 : i32
    %c0_i32_0 = arith.constant 0 : i32
    return %arg0, %c0_i32 : i32, i32
  }
  func.func @transform_6(%arg0: i32) -> (i32, i32) {
    %c0_i32 = arith.constant 0 : i32
    %c0_i32_0 = arith.constant 0 : i32
    %c0_i32_1 = arith.constant 0 : i32
    return %c0_i32, %c0_i32_0 : i32, i32
  }
  func.func @transform_7(%arg0: i32) -> (i32, i32) {
    %c0_i32 = arith.constant 0 : i32
    %c0_i32_0 = arith.constant 0 : i32
    %c0_i32_1 = arith.constant 0 : i32
    return %c0_i32, %c0_i32_0 : i32, i32
  }
}

module attributes {stable_mosaic.version = 14 : i64} {
  func.func @_k_head(%arg0: memref<256x64xf32, #tpu.memory_space<vmem>>, %arg1: memref<256x8xf32, #tpu.memory_space<vmem>>, %arg2: memref<64x32xf32, #tpu.memory_space<vmem>>, %arg3: memref<1x32xf32, #tpu.memory_space<vmem>>, %arg4: memref<64x32xf32, #tpu.memory_space<vmem>>, %arg5: memref<1x32xf32, #tpu.memory_space<vmem>>, %arg6: memref<32x64xf32, #tpu.memory_space<vmem>>, %arg7: memref<1x64xf32, #tpu.memory_space<vmem>>, %arg8: memref<1x64xf32, #tpu.memory_space<vmem>>, %arg9: memref<1x64xf32, #tpu.memory_space<vmem>>, %arg10: memref<1x64xf32, #tpu.memory_space<vmem>>, %arg11: memref<1x8xf32, #tpu.memory_space<vmem>>, %arg12: memref<256x32xf32, #tpu.memory_space<vmem>>, %arg13: memref<256x32xf32, #tpu.memory_space<vmem>>, %arg14: memref<256x1xf32, #tpu.memory_space<vmem>>) attributes {dimension_semantics = [], scalar_prefetch = 0 : i64, scratch_operands = 0 : i64, tpu.core_type = #tpu.core_type<tc>} {
    %get3A = arith.constant 0 : index
    %get3A_0 = arith.constant 0 : index
    %get3A_1 = vector.load %arg1[%get3A, %get3A_0] : memref<256x8xf32, #tpu.memory_space<vmem>>, vector<256x1xf32>
    %max3A = arith.constant 1.000000e+00 : f32
    %max3A_2 = vector.broadcast %max3A : f32 to vector<256x1xf32>
    %max3A_3 = arith.maximumf %get3A_1, %max3A_2 : vector<256x1xf32>
    %get3A_4 = arith.constant 0 : index
    %get3A_5 = arith.constant 0 : index
    %get3A_6 = vector.load %arg0[%get3A_4, %get3A_5] : memref<256x64xf32, #tpu.memory_space<vmem>>, vector<256x64xf32>
    %div3A = vector.broadcast %max3A_3 : vector<256x1xf32> to vector<256x64xf32>
    %div3A_7 = arith.divf %get3A_6, %div3A : vector<256x64xf32>
    %get3A_8 = arith.constant 0 : index
    %get3A_9 = arith.constant 0 : index
    %get3A_10 = vector.load %arg2[%get3A_8, %get3A_9] : memref<64x32xf32, #tpu.memory_space<vmem>>, vector<64x32xf32>
    %dot_general3A = arith.constant dense<0.000000e+00> : vector<256x32xf32>
    %dot_general3A_11 = tpu.matmul %div3A_7, %get3A_10, %dot_general3A {dimension_numbers = #tpu.dot_dimension_numbers<[1], [0], [0], [1], [0, 0, 1, 1], [], []>, transpose_lhs_hint = false} : vector<256x64xf32>, vector<64x32xf32>, vector<256x32xf32> -> vector<256x32xf32>
    %get3A_12 = arith.constant 0 : index
    %get3A_13 = arith.constant 0 : index
    %get3A_14 = vector.load %arg3[%get3A_12, %get3A_13] : memref<1x32xf32, #tpu.memory_space<vmem>>, vector<1x32xf32>
    %add3A = vector.broadcast %get3A_14 : vector<1x32xf32> to vector<256x32xf32>
    %add3A_15 = arith.addf %dot_general3A_11, %add3A : vector<256x32xf32>
    %swap3A = arith.constant 0 : index
    %swap3A_16 = arith.constant 0 : index
    %swap3A_17 = vector.load %arg12[%swap3A, %swap3A_16] : memref<256x32xf32, #tpu.memory_space<vmem>>, vector<256x32xf32>
    tpu.vector_store %arg12[%swap3A, %swap3A_16], %add3A_15 {strides = array<i32>} : memref<256x32xf32, #tpu.memory_space<vmem>>, vector<256x32xf32>,
    %get3A_18 = arith.constant 0 : index
    %get3A_19 = arith.constant 0 : index
    %get3A_20 = vector.load %arg4[%get3A_18, %get3A_19] : memref<64x32xf32, #tpu.memory_space<vmem>>, vector<64x32xf32>
    %dot_general3A_21 = arith.constant dense<0.000000e+00> : vector<256x32xf32>
    %dot_general3A_22 = tpu.matmul %div3A_7, %get3A_20, %dot_general3A_21 {dimension_numbers = #tpu.dot_dimension_numbers<[1], [0], [0], [1], [0, 0, 1, 1], [], []>, transpose_lhs_hint = false} : vector<256x64xf32>, vector<64x32xf32>, vector<256x32xf32> -> vector<256x32xf32>
    %get3A_23 = arith.constant 0 : index
    %get3A_24 = arith.constant 0 : index
    %get3A_25 = vector.load %arg5[%get3A_23, %get3A_24] : memref<1x32xf32, #tpu.memory_space<vmem>>, vector<1x32xf32>
    %add3A_26 = vector.broadcast %get3A_25 : vector<1x32xf32> to vector<256x32xf32>
    %add3A_27 = arith.addf %dot_general3A_22, %add3A_26 : vector<256x32xf32>
    %swap3A_28 = arith.constant 0 : index
    %swap3A_29 = arith.constant 0 : index
    %swap3A_30 = vector.load %arg13[%swap3A_28, %swap3A_29] : memref<256x32xf32, #tpu.memory_space<vmem>>, vector<256x32xf32>
    tpu.vector_store %arg13[%swap3A_28, %swap3A_29], %add3A_27 {strides = array<i32>} : memref<256x32xf32, #tpu.memory_space<vmem>>, vector<256x32xf32>,
    %get3A_31 = arith.constant 0 : index
    %get3A_32 = arith.constant 0 : index
    %get3A_33 = vector.load %arg6[%get3A_31, %get3A_32] : memref<32x64xf32, #tpu.memory_space<vmem>>, vector<32x64xf32>
    %dot_general3A_34 = arith.constant dense<0.000000e+00> : vector<256x64xf32>
    %dot_general3A_35 = tpu.matmul %add3A_15, %get3A_33, %dot_general3A_34 {dimension_numbers = #tpu.dot_dimension_numbers<[1], [0], [0], [1], [0, 0, 1, 1], [], []>, transpose_lhs_hint = false} : vector<256x32xf32>, vector<32x64xf32>, vector<256x64xf32> -> vector<256x64xf32>
    %get3A_36 = arith.constant 0 : index
    %get3A_37 = arith.constant 0 : index
    %get3A_38 = vector.load %arg7[%get3A_36, %get3A_37] : memref<1x64xf32, #tpu.memory_space<vmem>>, vector<1x64xf32>
    %add3A_39 = vector.broadcast %get3A_38 : vector<1x64xf32> to vector<256x64xf32>
    %add3A_40 = arith.addf %dot_general3A_35, %add3A_39 : vector<256x64xf32>
    %max3A_41 = arith.constant 0.000000e+00 : f32
    %max3A_42 = vector.broadcast %max3A_41 : f32 to vector<256x64xf32>
    %max3A_43 = arith.maximumf %add3A_40, %max3A_42 : vector<256x64xf32>
    %reduce_sum3A = arith.constant dense<0.000000e+00> : vector<64xf32>
    %reduce_sum3A_44 = vector.multi_reduction <add>, %max3A_43, %reduce_sum3A [0] : vector<256x64xf32> to vector<64xf32>
    %broadcast_in_dim3A = vector.shape_cast %reduce_sum3A_44 : vector<64xf32> to vector<1x64xf32>
    %div3A_45 = arith.constant 2.560000e+02 : f32
    %div3A_46 = vector.broadcast %div3A_45 : f32 to vector<1x64xf32>
    %div3A_47 = arith.divf %broadcast_in_dim3A, %div3A_46 : vector<1x64xf32>
    %sub3A = vector.broadcast %div3A_47 : vector<1x64xf32> to vector<256x64xf32>
    %sub3A_48 = arith.subf %max3A_43, %sub3A : vector<256x64xf32>
    %sub3A_49 = vector.broadcast %div3A_47 : vector<1x64xf32> to vector<256x64xf32>
    %sub3A_50 = arith.subf %max3A_43, %sub3A_49 : vector<256x64xf32>
    %mul3A = arith.mulf %sub3A_48, %sub3A_50 : vector<256x64xf32>
    %reduce_sum3A_51 = arith.constant dense<0.000000e+00> : vector<64xf32>
    %reduce_sum3A_52 = vector.multi_reduction <add>, %mul3A, %reduce_sum3A_51 [0] : vector<256x64xf32> to vector<64xf32>
    %broadcast_in_dim3A_53 = vector.shape_cast %reduce_sum3A_52 : vector<64xf32> to vector<1x64xf32>
    %div3A_54 = arith.constant 2.560000e+02 : f32
    %div3A_55 = vector.broadcast %div3A_54 : f32 to vector<1x64xf32>
    %div3A_56 = arith.divf %broadcast_in_dim3A_53, %div3A_55 : vector<1x64xf32>
    %get3A_57 = arith.constant 0 : index
    %get3A_58 = arith.constant 0 : index
    %get3A_59 = vector.load %arg8[%get3A_57, %get3A_58] : memref<1x64xf32, #tpu.memory_space<vmem>>, vector<1x64xf32>
    %sub3A_60 = vector.broadcast %div3A_47 : vector<1x64xf32> to vector<256x64xf32>
    %sub3A_61 = arith.subf %max3A_43, %sub3A_60 : vector<256x64xf32>
    %mul3A_62 = vector.broadcast %get3A_59 : vector<1x64xf32> to vector<256x64xf32>
    %mul3A_63 = arith.mulf %mul3A_62, %sub3A_61 : vector<256x64xf32>
    %add3A_64 = arith.constant 9.99999974E-6 : f32
    %add3A_65 = vector.broadcast %add3A_64 : f32 to vector<1x64xf32>
    %add3A_66 = arith.addf %div3A_56, %add3A_65 : vector<1x64xf32>
    %sqrt3A = math.sqrt %add3A_66 : vector<1x64xf32>
    %div3A_67 = vector.broadcast %sqrt3A : vector<1x64xf32> to vector<256x64xf32>
    %div3A_68 = arith.divf %mul3A_63, %div3A_67 : vector<256x64xf32>
    %get3A_69 = arith.constant 0 : index
    %get3A_70 = arith.constant 0 : index
    %get3A_71 = vector.load %arg9[%get3A_69, %get3A_70] : memref<1x64xf32, #tpu.memory_space<vmem>>, vector<1x64xf32>
    %add3A_72 = vector.broadcast %get3A_71 : vector<1x64xf32> to vector<256x64xf32>
    %add3A_73 = arith.addf %div3A_68, %add3A_72 : vector<256x64xf32>
    %convert_element_type3A = arith.truncf %add3A_73 : vector<256x64xf32> to vector<256x64xbf16>
    %convert_element_type3A_74 = arith.extf %convert_element_type3A : vector<256x64xbf16> to vector<256x64xf32>
    %get3A_75 = arith.constant 0 : index
    %get3A_76 = arith.constant 0 : index
    %get3A_77 = vector.load %arg10[%get3A_75, %get3A_76] : memref<1x64xf32, #tpu.memory_space<vmem>>, vector<1x64xf32>
    %convert_element_type3A_78 = arith.truncf %get3A_77 : vector<1x64xf32> to vector<1x64xbf16>
    %convert_element_type3A_79 = arith.extf %convert_element_type3A_78 : vector<1x64xbf16> to vector<1x64xf32>
    %mul3A_80 = vector.broadcast %convert_element_type3A_79 : vector<1x64xf32> to vector<256x64xf32>
    %mul3A_81 = arith.mulf %convert_element_type3A_74, %mul3A_80 : vector<256x64xf32>
    %reduce_sum3A_82 = arith.constant dense<0.000000e+00> : vector<256xf32>
    %reduce_sum3A_83 = vector.multi_reduction <add>, %mul3A_81, %reduce_sum3A_82 [1] : vector<256x64xf32> to vector<256xf32>
    %broadcast_in_dim3A_84 = vector.shape_cast %reduce_sum3A_83 : vector<256xf32> to vector<256x1xf32>
    %get3A_85 = arith.constant 0 : index
    %get3A_86 = arith.constant 0 : index
    %get3A_87 = vector.load %arg11[%get3A_85, %get3A_86] : memref<1x8xf32, #tpu.memory_space<vmem>>, vector<1x1xf32>
    %add3A_88 = vector.broadcast %get3A_87 : vector<1x1xf32> to vector<256x1xf32>
    %add3A_89 = arith.addf %broadcast_in_dim3A_84, %add3A_88 : vector<256x1xf32>
    %swap3A_90 = arith.constant 0 : index
    %swap3A_91 = arith.constant 0 : index
    %swap3A_92 = vector.load %arg14[%swap3A_90, %swap3A_91] : memref<256x1xf32, #tpu.memory_space<vmem>>, vector<256x1xf32>
    tpu.vector_store %arg14[%swap3A_90, %swap3A_91], %add3A_89 {strides = array<i32>} : memref<256x1xf32, #tpu.memory_space<vmem>>, vector<256x1xf32>,
    return
  }
}

</mosaic_0001>

<sc_bundles>
// kernel: kernel.22.cloned.1.call-start
scs
__scs_entry_jumppad:
0x0: {  	(pc) =	sbr.rel $0x88, $3  }
0x1: {  	(tag) =	ssettag $0x0;
	lr =	simm.s32 $0x1  }
0x2: {  	[smem:$0x3F64] =	sst lr;
	_ =	strace $0xD0000000  }
0x3: {  	_ = 	snop  }
0x4: {  	_ = 	snop  }
0x5: {  	_ = 	snop  }
0x6: {  	_ = 	snop  }
0x7: {  	_ = 	snop  }
__scs_overlays_trampoline_lowered:
0x8: {  	[smem:$0x3F73] =	sst s0  }
0x9: {  	[smem:$0x3F74] =	sst s1  }
0xa: {  	[smem:$0x3F75] =	sst s2  }
0xb: {  	[smem:$0x3F76] =	sst s3  }
0xc: {  	[smem:$0x3F77] =	sst s4  }
0xd: {  	[smem:$0x3F78] =	sst s5  }
0xe: {  	[smem:$0x3F79] =	sst s6  }
0xf: {  	[smem:$0x3F7A] =	sst s7  }
0x10: {  	[smem:$0x3F7B] =	sst s8  }
0x11: {  	[smem:$0x3F7C] =	sst s9;
	s0 =	simm.s32 @!p0 $0x0  }
0x12: {  	s1 =	sld [smem:$0x3F62];
	s0 =	simm.s32 @p0 $0x1  }
0x13: {  	[smem:$0x3F7D] =	sst s0;
	s0 =	simm.s32 @!p1 $0x0  }
0x14: {  	s2 =	sld [smem:$0x3F61];
	s0 =	simm.s32 @p1 $0x1  }
0x15: {  	[smem:$0x3F7E] =	sst s0;
	s0 =	simm.s32 @!p2 $0x0  }
0x16: {  	s3 =	sld [smem:$0x3FDB];
	s0 =	simm.s32 @p2 $0x1  }
0x17: {  	s4 =	simm.s32 $0x1BF5;
	[smem:$0x3F80] =	sst s0  }
0x18: {  	s0 =	sld [smem:$0x3F63];
	_ =	swait.ge [sflag:s4], $0x0  }
0x19: {  	s7 =	sld [smem:$0x3F64]  }
0x1a: {  	s8 =	sadd.s32 $0xFFFFE003, lr  }
0x1b: {  	s9 =	sadd.s32 $0xFFFFFEF7, lr;
	s5 =	simm.s32 $0xFFFFFFFF;
	p2 =	slt.u32 s8, $0xFFFFF086  }
0x1c: {  	p1 =	slt.u32 s9, $0xF7A;
	s5 =	simm.s32 @!p2 $0x0  }
0x1d: {  	s5 =	simm.s32 @p1 $0x1;
	p0 =	seq.s32 s7, s2  }
0x1e: {  	s7 =	smul.u32 @!p0 $0xF7A, s2;
	p2 =	seq.s32 @!p0 s5, $0x0  }
0x1f: {  	s9 =	smul.u32 $0xF7A, s1;
	s8 =	simm.s32 @!p0 $0x1BF5;
	p2 =	por !p2, p0  }
0x20: {  	[sflag:s8] =	ssyncset.s32 @!p0 $0xFFFFF086;
	s6 =	sadd.s32 @!p0 s3, s7;
	s7 =	simm.s32 @!p0 $0x108  }
0x21: {  	s3 =	sadd.s32 s3, s9;
	s6 =	sadd.s32 @!p0 $0x88, s6;
	s7 =	simm.s32 @p2 $0x1082  }
0x22: {  	[simem:s7], [sflag:s8] =	dma.local @!p0 [hbm:s6], $0xF7A  }
0x23: {  	s9 =	sor.u32 $0xD0000000, s2;
	s6 =	simm.s32 $0x108;
	_ =	swait.ge @!p0 [sflag:s8], $0x0  }
0x24: {  	s3 =	sadd.s32 $0x88, s3;
	s6 =	simm.s32 @!p1 $0x1082;
	[sflag:s4] =	ssyncset.s32 $0xFFFFF086  }
0x25: {  	[simem:s6], [sflag:s4] =	dma.local [hbm:s3], $0xF7A  }
0x26: {  	[smem:$0x3F64] =	sst s1;
	(tag) =	ssettag s2;
	_ =	strace s9  }
0x27: {  	s1 =	sld [smem:$0x3F74]  }
0x28: {  	s2 =	sld [smem:$0x3F75]  }
0x29: {  	s4 =	sld [smem:$0x3F77]  }
0x2a: {  	p0 =	seq.s32 s5, $0x0;
	s5 =	sld [smem:$0x3F78]  }
0x2b: {  	s6 =	sld [smem:$0x3F79]  }
0x2c: {  	s7 =	sld [smem:$0x3F7A]  }
0x2d: {  	s3 =	simm.s32 $0x108;
	s8 =	sld [smem:$0x3F7B]  }
0x2e: {  	s3 =	simm.s32 @!p0 $0x1082;
	s9 =	sld [smem:$0x3F7C]  }
0x2f: {  	lr =	sadd.s32 s0, s3;
	s0 =	sld [smem:$0x3F73]  }
0x30: {  	s3 =	sld [smem:$0x3F76]  }
0x31: {  	[smem:$0x3F7F] =	sst s10  }
0x32: {  	s10 =	sld [smem:$0x3F7D];
	_ =	sdelay $0x3  }
0x33: {  	p0 =	seq.s32 s10, $0x1;
	s10 =	sld [smem:$0x3F7F];
	_ =	sdelay $0x3  }
0x34: {  	[smem:$0x3F7F] =	sst s10  }
0x35: {  	s10 =	sld [smem:$0x3F7E];
	_ =	sdelay $0x3  }
0x36: {  	p1 =	seq.s32 s10, $0x1;
	s10 =	sld [smem:$0x3F7F];
	_ =	sdelay $0x3  }
0x37: {  	[smem:$0x3F7F] =	sst s10  }
0x38: {  	s10 =	sld [smem:$0x3F80]  }
0x39: {  	_ = 	snop;
	(pc) =	sbr.ind lr, $3  }
0x3a: {  	_ = 	snop  }
0x3b: {  	_ = 	snop  }
0x3c: {  	p2 =	seq.s32 s10, $0x1;
	s10 =	sld [smem:$0x3F7F]  }
0x3d: {  	_ =	shalt  }
0x3e: {  	_ =	shalt  }
0x3f: {  	_ =	shalt  }
0x40: {  	_ =	shalt  }
0x41: {  	_ =	shalt  }
0x42: {  	_ =	shalt  }
0x43: {  	_ =	shalt  }
0x44: {  	_ =	shalt  }
0x45: {  	_ =	shalt  }
0x46: {  	_ =	shalt  }
0x47: {  	_ =	shalt  }
0x48: {  	_ =	shalt  }
0x49: {  	_ =	shalt  }
0x4a: {  	_ =	shalt  }
0x4b: {  	_ =	shalt  }
0x4c: {  	_ =	shalt  }
0x4d: {  	_ =	shalt  }
0x4e: {  	_ =	shalt  }
0x4f: {  	_ =	shalt  }
0x50: {  	_ =	shalt  }
0x51: {  	_ =	shalt  }
0x52: {  	_ =	shalt  }
0x53: {  	_ =	shalt  }
0x54: {  	_ =	shalt  }
0x55: {  	_ =	shalt  }
0x56: {  	_ =	shalt  }
0x57: {  	_ =	shalt  }
0x58: {  	_ =	shalt  }
0x59: {  	_ =	shalt  }
0x5a: {  	_ =	shalt  }
0x5b: {  	_ =	shalt  }
0x5c: {  	_ =	shalt  }
0x5d: {  	_ =	shalt  }
0x5e: {  	_ =	shalt  }
0x5f: {  	_ =	shalt  }
0x60: {  	_ =	shalt  }
0x61: {  	_ =	shalt  }
0x62: {  	_ =	shalt  }
0x63: {  	_ =	shalt  }
0x64: {  	_ =	shalt  }
0x65: {  	_ =	shalt  }
0x66: {  	_ =	shalt  }
0x67: {  	_ =	shalt  }
0x68: {  	_ =	shalt  }
0x69: {  	_ =	shalt  }
0x6a: {  	_ =	shalt  }
0x6b: {  	_ =	shalt  }
0x6c: {  	_ =	shalt  }
0x6d: {  	_ =	shalt  }
0x6e: {  	_ =	shalt  }
0x6f: {  	_ =	shalt  }
0x70: {  	_ =	shalt  }
0x71: {  	_ =	shalt  }
0x72: {  	_ =	shalt  }
0x73: {  	_ =	shalt  }
0x74: {  	_ =	shalt  }
0x75: {  	_ =	shalt  }
0x76: {  	_ =	shalt  }
0x77: {  	_ =	shalt  }
0x78: {  	_ =	shalt  }
0x79: {  	_ =	shalt  }
0x7a: {  	_ =	shalt  }
0x7b: {  	_ =	shalt  }
0x7c: {  	_ =	shalt  }
0x7d: {  	_ =	shalt  }
0x7e: {  	_ =	shalt  }
0x7f: {  	_ =	shalt  }
0x80: {  	_ =	shalt  }
0x81: {  	_ =	shalt  }
0x82: {  	_ =	shalt  }
0x83: {  	_ =	shalt  }
0x84: {  	_ =	shalt  }
0x85: {  	_ =	shalt  }
0x86: {  	_ =	shalt  }
0x87: {  	_ =	shalt  }
.Lfunc_end0:
.L_simem_size_0:
called_computation_lowered:
.L_overlay_start_0:
0x88: {  	s2 =	sld [smem:$0x3FD9]  }
0x89: {  	s3 =	sld [smem:$0x3FFE];
	_ =	sdelay $0x1  }
0x8a: {  	s1 =	srdreg.scid  }
0x8b: {  	s0 =	sand.u32 $0x1, s1  }
0x8c: {  	s16 =	sshll.u32 s0, $0xA;
	s2 =	sadd.s32 s3, s2  }
0x8d: {  	s2 =	sadd.s32 s2, s16  }
0x8e: {  	[smem:$0x3F8B] =	sst s2  }
0x8f: {  	_ = 	snop  }
0x90: {  	(tm) =	ssettm $0x1  }
0x91: {  	s17 =	sld [smem:$0x3FFB];
	_ =	sdelay $0x3  }
0x92: {  	_ =	strace s17  }
0x93: {  	s2 =	sld [smem:$0x3FFC];
	_ =	sdelay $0x3  }
0x94: {  	_ =	strace s2  }
0x95: {  	s2 =	sld [smem:$0x3FFD];
	_ =	sdelay $0x3  }
0x96: {  	_ =	strace s2  }
0x97: {  	_ =	strace $0x8FFFFFFF  }
0x98: {  	s18 =	sld [smem:$0x3FDB];
	_ =	sdelay $0x1  }
0x99: {  	s19 =	simm.s32 $_scs_section_size  }
0x9a: {  	s4 =	simm.s32 $_size__tile_overlayer_lowered;
	s5 =	simm.s32 $_tile_overlayer_lowered  }
0x9b: {  	s22 =	simm.s32 $0x1BFF;
	s21 =	sshll.u32 s5, $0x1;
	s2 =	sadd.s32 s19, s18  }
0x9c: {  	s6 =	simm.s32 $0x0;
	s20 =	sshll.u32 s4, $0x1;
	s4 =	sadd.s32 s21, s2  }
0x9d: {  	[timem:s6], [sflag:s22] =	dma.local [hbm:s4], s20  }
0x9e: {  	_ =	swait.ge [sflag:s22], s20  }
0x9f: {  	s3 =	ssub.s32 $0x0, s20;
	[sflag:s22] =	ssyncset.done $0x0  }
0xa0: {  	[sflag:s22] =	ssyncadd.s32 s3;
	_ =	sdelay $0x1  }
0xa1: {  	s23 =	simm.s32 $0x1B8B  }
0xa2: {  	_ =	swait.ge [sflag:s23], $0x1  }
0xa3: {  	[sflag:s23] =	ssyncset.done $0x0  }
0xa4: {  	s25 =	simm.s32 $0x1B8E;
	s24 =	sld [smem:$0x3FFE];
	[sflag:s23] =	ssyncadd.s32 $0xFFFFFFFF  }
0xa5: {  	s26 =	simm.s32 $execute0_lowered;
	[smem:$0x3FD2] =	sst s25  }
0xa6: {  	s4 =	sshll.u32 s26, $0x1;
	_ =	strace $0x80000046;
	[dreg:$0x1] =	wrdreg $0xFFFFFFFF  }
0xa7: {  	s28 =	simm.s32 $_size_execute0_lowered;
	s2 =	sadd.s32 s2, s4;
	[dreg:$0x0] =	wrdreg $0x0  }
0xa8: {  	s4 =	sshll.u32 s28, $0x1;
	[dreg:$0x2] =	wrdreg s2  }
0xa9: {  	[dreg:$0x3] =	wrdreg s4  }
0xaa: {  	[dreg:$0x4] =	wrdreg $0xC0  }
0xab: {  	_ =	task [dreg:s6], $0x5FFFF  }
0xac: {  	[dreg:$0x1] =	wrdreg $0xFFFFFFFF  }
0xad: {  	[dreg:$0x0] =	wrdreg $0x60  }
0xae: {  	[dreg:$0x2] =	wrdreg s24  }
0xaf: {  	[dreg:$0x3] =	wrdreg $0x9  }
0xb0: {  	_ =	task.clear_ibuf [dreg:s6], $0x4FFFF;
	_ =	strace $0x90000046  }
0xb1: {  	s29 =	simm.s32 $0x9;
	_ =	strace $0x80000048  }
0xb2: {  	_ =	swait.ge [sflag:s29], $0x1  }
0xb3: {  	[sflag:s29] =	ssyncadd.s32 $0xFFFFFFFF  }
0xb4: {  	_ =	strace $0x90000048  }
0xb5: {  	_ =	sfence  }
0xb6: {  	s30 =	sld [smem:$0x0];
	_ =	sdelay $0x2  }
0xb7: {  	s31 =	sshll.u32 s1, $0xD;
	s1 =	sshrl.u32 s1, $0x2  }
0xb8: {  	s3 =	sand.u32 $0x4000, s31;
	s1 =	sadd.s32 s1, s30  }
0xb9: {  	s0 =	sor.u32 s3, s0;
	s1 =	sshll.u32 s1, $0x11  }
0xba: {  	s0 =	sor.u32 s1, s0  }
0xbb: {  	s0 =	sadd.s32 $0x8F2B, s0  }
0xbc: {  	[sflag:s0] =	ssyncadd.remote.s32 $0x1  }
0xbd: {  	_ =	sfence.sel $0xFFFF  }
0xbe: {  	[dreg:$0x0] =	wrdreg $0xFFFFFFFF;
	(pc) =	sbr.abs _section_cstart, $3  }
0xbf: {  	[dreg:$0x1] =	wrdreg $0xFFFFFFFF  }
0xc0: {  	_ =	task.clear_ibuf [dreg:s6], $0x2FFFF;
	_ =	strace $0x9FFFFFFF  }
0xc1: {  	(tm) =	ssettm $0x7FFFFFFF  }
tec
execute0_lowered:
.L_overlay_start_1:
0x0: {  	(tag) =	ssettag $0x1  }
0x1: {  	s4 =	rddreg [dreg:$0x0]  }
0x2: {  	s0 =	rddreg [dreg:$0x1];
	s1 =	simm.s32 $0x0;
	s5 =	srdreg.scid  }
0x3: {  	s2 =	stileid.u32;
	[smem:$0x7FF] =	sst s1  }
0x4: {  	s3 =	sadd.s32 $0xD2600, s4;
	s6 =	sand.u32 $0x1, s5;
	s29 =	sshll.u32 s2, $0x5  }
0x5: {  	s7 =	smul.u32 $0xA00, s2;
	s5 =	sshll.u32 s2, $0x1;
	_ =	strace $0x80000047  }
0x6: {  	s8 =	ssub.s32 $0x2, s6;
	s9 =	sadd.s32 s29, s4;
	s10 =	smul.u32 $0x500, s6  }
0x7: {  	s31 =	sshll.u32 s6, $0x4;
	s30 =	sshrl.u32 s8, $0x1;
	s7 =	sadd.s32 s7, s4  }
0x8: {  	s4 =	sadd.s32 $0x14C800, s4;
	s8 =	ssub.s32 s8, s30;
	s7 =	sadd.s32 s10, s7  }
0x9: {  	s10 =	sadd.s32 s31, s9;
	s6 =	sadd.s32 $0x3DFE00, s7;
	s7 =	sadd.s32 $0xB81000, s7  }
0xa: {  	s8 =	smax.u32 s8, $0x1;
	s9 =	sadd.s32 $0x1C6A00, s10;
	s10 =	sadd.s32 $0x1DF200, s10  }
.LBB2_1:
0xb: {  	p0 =	sgt.u32 s5, $0x1869  }
0xc: {  	s13 =	simm.s32 @!p0 $0x0;
	s14 =	simm.s32 @!p0 $0x4;
	p0 =	por p0, p0  }
0xd: {  	[tilespmem:s13], [sflag:$0x4] =	stream.linear.gather @!p0 [hbm4b:s10+s13], $0x80, $0x38;
	[tilespmem:$0x5100] =	vst v63  }
0xe: {  	_ =	swait.ge @!p0 [sflag:s14], $0x80  }
0xf: {  	[sflag:s14] =	ssyncset.done @!p0 $0x0  }
0x10: {  	s11 =	simm.s32 @!p0 $0x80;
	[sflag:s14] =	ssyncadd.s32 @!p0 $0xFFFFFF80  }
0x11: {  	[tilespmem:s11], [sflag:$0x4] =	stream.linear.gather @!p0 [hbm4b:s9+s13], $0x80, $0x38;
	[tilespmem:$0x5100] =	vst v63  }
0x12: {  	_ =	swait.ge @!p0 [sflag:s14], $0x80  }
0x13: {  	[sflag:s14] =	ssyncset.done @!p0 $0x0  }
0x14: {  	s12 =	simm.s32 @!p0 $0x100;
	[sflag:s14] =	ssyncadd.s32 @!p0 $0xFFFFFF80  }
0x15: {  	[tilespmem:s12], [sflag:$0x1] =	stream.indirect.gather @!p0 [hbm4b:s3+s11], $0x50, s13, s11, $0xb8;
	[tilespmem:$0x5100] =	vst v63  }
0x16: {  	s15 =	simm.s32 @!p0 $0x2900;
	s16 =	simm.s32 @!p0 $0x1  }
0x17: {  	[tilespmem:s15], [sflag:$0x2] =	stream.indirect.gather @!p0 [hbm4b:s4+s11], $0x50, s11, s11, $0xb8;
	[tilespmem:$0x5100] =	vst v63  }
0x18: {  	_ =	swait.ge @!p0 [sflag:s16], $0x2800  }
0x19: {  	[sflag:s16] =	ssyncset.done @!p0 $0x0  }
0x1a: {  	s11 =	simm.s32 @!p0 $0x2;
	[sflag:s16] =	ssyncadd.s32 @!p0 $0xFFFFD800  }
0x1b: {  	_ =	swait.ge @!p0 [sflag:s11], $0x2800  }
0x1c: {  	[sflag:s11] =	ssyncset.done @!p0 $0x0  }
0x1d: {  	[sflag:s11] =	ssyncadd.s32 @!p0 $0xFFFFD800;
	s11 =	sadd.s32 @!p0 $0x0, s6  }
0x1e: {  	[hbm4b:s11+s13] =	stream.linear.scatter @!p0 [tilespmem:s12], [sflag:$0x4], $0x2800, $0x38;
	[tilespmem:$0x5100] =	vst v63  }
0x1f: {  	_ =	swait.ge @!p0 [sflag:s14], $0x2800  }
0x20: {  	s16 =	simm.s32 @!p0 $0x3;
	s11 =	simm.s32 $0xA000;
	[sflag:s14] =	ssyncset.done @!p0 $0x0  }
0x21: {  	s12 =	simm.s32 $0x14000;
	[sflag:s14] =	ssyncadd.s32 @!p0 $0xFFFFD800;
	s14 =	sadd.s32 @!p0 $0x0, s7  }
0x22: {  	[hbm4b:s14+s13] =	stream.linear.scatter @!p0 [tilespmem:s15], [sflag:$0x3], $0x2800, $0x38;
	[tilespmem:$0x5100] =	vst v63  }
0x23: {  	s14 =	sadd.s32 $0x200, s10;
	s15 =	sadd.s32 $0x20, s5;
	_ =	swait.ge @!p0 [sflag:s16], $0x2800  }
0x24: {  	s13 =	sadd.s32 $0x200, s9;
	p2 =	sgt.u32 s15, $0x1869;
	[sflag:s16] =	ssyncset.done @!p0 $0x0  }
.LBB2_2:
0x25: {  	s17 =	simm.s32 @!p2 $0x0;
	s18 =	simm.s32 @!p2 $0x4;
	[sflag:s16] =	ssyncadd.s32 @!p0 $0xFFFFD800  }
0x26: {  	s16 =	smov.u32 s11;
	s11 =	smov.u32 s12;
	p0 =	por p2, p2  }
0x27: {  	[tilespmem:s17], [sflag:$0x4] =	stream.linear.gather @!p0 [hbm4b:s14+s17], $0x80, $0x38;
	[tilespmem:$0x5100] =	vst v63  }
0x28: {  	s12 =	sadd.s32 $0xA000, s12;
	_ =	swait.ge @!p0 [sflag:s18], $0x80  }
0x29: {  	p1 =	sne.s32 s12, $0x7A8000;
	[sflag:s18] =	ssyncset.done @!p0 $0x0  }
0x2a: {  	s19 =	simm.s32 @!p0 $0x80;
	[sflag:s18] =	ssyncadd.s32 @!p0 $0xFFFFFF80  }
0x2b: {  	[tilespmem:s19], [sflag:$0x4] =	stream.linear.gather @!p0 [hbm4b:s13+s17], $0x80, $0x38;
	[tilespmem:$0x5100] =	vst v63  }
0x2c: {  	_ =	swait.ge @!p0 [sflag:s18], $0x80  }
0x2d: {  	[sflag:s18] =	ssyncset.done @!p0 $0x0  }
0x2e: {  	s20 =	simm.s32 @!p0 $0x100;
	[sflag:s18] =	ssyncadd.s32 @!p0 $0xFFFFFF80  }
0x2f: {  	[tilespmem:s20], [sflag:$0x1] =	stream.indirect.gather @!p0 [hbm4b:s3+s19], $0x50, s17, s19, $0xb8;
	[tilespmem:$0x5100] =	vst v63  }
0x30: {  	s21 =	simm.s32 @!p0 $0x2900;
	s22 =	simm.s32 @!p0 $0x1  }
0x31: {  	[tilespmem:s21], [sflag:$0x2] =	stream.indirect.gather @!p0 [hbm4b:s4+s19], $0x50, s19, s19, $0xb8;
	[tilespmem:$0x5100] =	vst v63  }
0x32: {  	_ =	swait.ge @!p0 [sflag:s22], $0x2800  }
0x33: {  	[sflag:s22] =	ssyncset.done @!p0 $0x0  }
0x34: {  	s19 =	simm.s32 @!p0 $0x2;
	[sflag:s22] =	ssyncadd.s32 @!p0 $0xFFFFD800  }
0x35: {  	_ =	swait.ge @!p0 [sflag:s19], $0x2800  }
0x36: {  	[sflag:s19] =	ssyncset.done @!p0 $0x0  }
0x37: {  	[sflag:s19] =	ssyncadd.s32 @!p0 $0xFFFFD800;
	s19 =	sadd.s32 @!p0 s16, s6  }
0x38: {  	[hbm4b:s19+s17] =	stream.linear.scatter @!p0 [tilespmem:s20], [sflag:$0x4], $0x2800, $0x38;
	[tilespmem:$0x5100] =	vst v63  }
0x39: {  	_ =	swait.ge @!p0 [sflag:s18], $0x2800  }
.Ltmp0:
0x3a: {  	[sflag:s18] =	ssyncset.done @!p0 $0x0;
	(pc) =	sbr.rel @p1 .LBB2_2-.Ltmp0, $4  }
0x3b: {  	[sflag:s18] =	ssyncadd.s32 @!p0 $0xFFFFD800;
	s18 =	sadd.s32 @!p0 s16, s7;
	s16 =	simm.s32 @!p0 $0x3  }
0x3c: {  	[hbm4b:s18+s17] =	stream.linear.scatter @!p0 [tilespmem:s21], [sflag:$0x3], $0x2800, $0x38;
	[tilespmem:$0x5100] =	vst v63  }
0x3d: {  	s15 =	sadd.s32 $0x20, s15;
	s14 =	sadd.s32 $0x200, s14;
	_ =	swait.ge @!p0 [sflag:s16], $0x2800  }
0x3e: {  	p2 =	sgt.u32 s15, $0x1869;
	s13 =	sadd.s32 $0x200, s13;
	[sflag:s16] =	ssyncset.done @!p0 $0x0  }
0x3f: {  	s12 =	simm.s32 @!p2 $0x0  }
0x40: {  	s15 =	simm.s32 @!p2 $0x4;
	[sflag:s16] =	ssyncadd.s32 @!p0 $0xFFFFD800;
	p0 =	por p2, p2  }
0x41: {  	[tilespmem:s12], [sflag:$0x4] =	stream.linear.gather @!p0 [hbm4b:s14+s12], $0x80, $0x38;
	[tilespmem:$0x5100] =	vst v63  }
0x42: {  	_ =	swait.ge @!p0 [sflag:s15], $0x80  }
0x43: {  	[sflag:s15] =	ssyncset.done @!p0 $0x0  }
0x44: {  	s14 =	simm.s32 @!p0 $0x80;
	[sflag:s15] =	ssyncadd.s32 @!p0 $0xFFFFFF80  }
0x45: {  	[tilespmem:s14], [sflag:$0x4] =	stream.linear.gather @!p0 [hbm4b:s13+s12], $0x80, $0x38;
	[tilespmem:$0x5100] =	vst v63  }
0x46: {  	_ =	swait.ge @!p0 [sflag:s15], $0x80  }
0x47: {  	[sflag:s15] =	ssyncset.done @!p0 $0x0  }
0x48: {  	s13 =	simm.s32 @!p0 $0x100;
	[sflag:s15] =	ssyncadd.s32 @!p0 $0xFFFFFF80  }
0x49: {  	[tilespmem:s13], [sflag:$0x1] =	stream.indirect.gather @!p0 [hbm4b:s3+s14], $0x50, s12, s14, $0xb8;
	[tilespmem:$0x5100] =	vst v63  }
0x4a: {  	s16 =	simm.s32 @!p0 $0x2900;
	s17 =	simm.s32 @!p0 $0x1  }
0x4b: {  	[tilespmem:s16], [sflag:$0x2] =	stream.indirect.gather @!p0 [hbm4b:s4+s14], $0x50, s14, s14, $0xb8;
	[tilespmem:$0x5100] =	vst v63  }
0x4c: {  	_ =	swait.ge @!p0 [sflag:s17], $0x2800  }
0x4d: {  	[sflag:s17] =	ssyncset.done @!p0 $0x0  }
0x4e: {  	s14 =	simm.s32 @!p0 $0x2;
	[sflag:s17] =	ssyncadd.s32 @!p0 $0xFFFFD800  }
0x4f: {  	_ =	swait.ge @!p0 [sflag:s14], $0x2800  }
0x50: {  	[sflag:s14] =	ssyncset.done @!p0 $0x0  }
0x51: {  	[sflag:s14] =	ssyncadd.s32 @!p0 $0xFFFFD800;
	s14 =	sadd.s32 @!p0 s11, s6  }
0x52: {  	[hbm4b:s14+s12] =	stream.linear.scatter @!p0 [tilespmem:s13], [sflag:$0x4], $0x2800, $0x38;
	[tilespmem:$0x5100] =	vst v63  }
0x53: {  	s1 =	sadd.s32 $0x1, s1;
	_ =	swait.ge @!p0 [sflag:s15], $0x2800  }
0x54: {  	p1 =	sne.s32 s1, s8;
	s11 =	sadd.s32 @!p0 s11, s7;
	[sflag:s15] =	ssyncset.done @!p0 $0x0  }
.Ltmp1:
0x55: {  	s13 =	simm.s32 @!p0 $0x3;
	[sflag:s15] =	ssyncadd.s32 @!p0 $0xFFFFD800;
	(pc) =	sbr.rel @p1 .LBB2_1-.Ltmp1, $4  }
0x56: {  	[hbm4b:s11+s12] =	stream.linear.scatter @!p0 [tilespmem:s16], [sflag:$0x3], $0x2800, $0x38;
	[tilespmem:$0x5100] =	vst v63  }
0x57: {  	_ =	swait.ge @!p0 [sflag:s13], $0x2800  }
0x58: {  	[sflag:s13] =	ssyncset.done @!p0 $0x0  }
0x59: {  	[sflag:s13] =	ssyncadd.s32 @!p0 $0xFFFFD800  }
0x5a: {  	_ =	sfence.sel $0x180000  }
0x5b: {  	[bflag:$0x0] =	sbarrier.arrive $0xFFFF  }
0x5c: {  	p0 =	sne.s32 s2, $0x0;
	_ =	strace $0x90000047  }
0x5d: {  	s0 =	sadd.s32 @!p0 $0x100000, s0;
	[bflag:$0x2] =	sbarrier.arrive $0xFFFF  }
0x5e: {  	[sflag:s0] =	ssyncadd.tile.s32 @!p0 $0x1;
	_ =	shalt  }
.Lfunc_end2:
_tile_overlayer_lowered:
.L_overlay_start_2:
0x5f: {  	(tag) =	ssettag $0x2  }
0x60: {  	s0 =	rddreg [dreg:$0x0];
	s2 =	stileid.u32  }
0x61: {  	s1 =	rddreg [dreg:$0x1];
	p0 =	sne.s32 s2, $0x0  }
0x62: {  	s3 =	rddreg [dreg:$0x2];
	[bflag:$0x3] =	sbarrier.arrive $0xFFFF;
	s2 =	simm.s32 @!p0 $0x1C03  }
0x63: {  	[timem:s3], [sflag:s2] =	dma.local @!p0 [hbm:s0], s1  }
0x64: {  	s0 =	simm.s32 @!p0 $0x3  }
0x65: {  	_ =	swait.ge @!p0 [sflag:s0], s1  }
0x66: {  	s1 =	ssub.s32 @!p0 $0x0, s1;
	[sflag:s0] =	ssyncset.done @!p0 $0x0  }
0x67: {  	[sflag:s0] =	ssyncadd.s32 @!p0 s1  }
0x68: {  	[bflag:$0x3] =	sbarrier.arrive $0xFFFF  }
0x69: {  	_ =	shalt  }

// kernel: kernel.25.cloned.1.call-start
scs
__scs_entry_jumppad:
0x0: {  	(pc) =	sbr.rel $0x88, $3  }
0x1: {  	(tag) =	ssettag $0x0;
	lr =	simm.s32 $0x1  }
0x2: {  	[smem:$0x3F64] =	sst lr;
	_ =	strace $0xD0000000  }
0x3: {  	_ = 	snop  }
0x4: {  	_ = 	snop  }
0x5: {  	_ = 	snop  }
0x6: {  	_ = 	snop  }
0x7: {  	_ = 	snop  }
__scs_overlays_trampoline_lowered:
0x8: {  	[smem:$0x3F73] =	sst s0  }
0x9: {  	[smem:$0x3F74] =	sst s1  }
0xa: {  	[smem:$0x3F75] =	sst s2  }
0xb: {  	[smem:$0x3F76] =	sst s3  }
0xc: {  	[smem:$0x3F77] =	sst s4  }
0xd: {  	[smem:$0x3F78] =	sst s5  }
0xe: {  	[smem:$0x3F79] =	sst s6  }
0xf: {  	[smem:$0x3F7A] =	sst s7  }
0x10: {  	[smem:$0x3F7B] =	sst s8  }
0x11: {  	[smem:$0x3F7C] =	sst s9;
	s0 =	simm.s32 @!p0 $0x0  }
0x12: {  	s1 =	sld [smem:$0x3F62];
	s0 =	simm.s32 @p0 $0x1  }
0x13: {  	[smem:$0x3F7D] =	sst s0;
	s0 =	simm.s32 @!p1 $0x0  }
0x14: {  	s2 =	sld [smem:$0x3F61];
	s0 =	simm.s32 @p1 $0x1  }
0x15: {  	[smem:$0x3F7E] =	sst s0;
	s0 =	simm.s32 @!p2 $0x0  }
0x16: {  	s3 =	sld [smem:$0x3FDB];
	s0 =	simm.s32 @p2 $0x1  }
0x17: {  	s4 =	simm.s32 $0x1BF5;
	[smem:$0x3F80] =	sst s0  }
0x18: {  	s0 =	sld [smem:$0x3F63];
	_ =	swait.ge [sflag:s4], $0x0  }
0x19: {  	s7 =	sld [smem:$0x3F64]  }
0x1a: {  	s8 =	sadd.s32 $0xFFFFE003, lr  }
0x1b: {  	s9 =	sadd.s32 $0xFFFFFEF7, lr;
	s5 =	simm.s32 $0xFFFFFFFF;
	p2 =	slt.u32 s8, $0xFFFFF086  }
0x1c: {  	p1 =	slt.u32 s9, $0xF7A;
	s5 =	simm.s32 @!p2 $0x0  }
0x1d: {  	s5 =	simm.s32 @p1 $0x1;
	p0 =	seq.s32 s7, s2  }
0x1e: {  	s7 =	smul.u32 @!p0 $0xF7A, s2;
	p2 =	seq.s32 @!p0 s5, $0x0  }
0x1f: {  	s9 =	smul.u32 $0xF7A, s1;
	s8 =	simm.s32 @!p0 $0x1BF5;
	p2 =	por !p2, p0  }
0x20: {  	[sflag:s8] =	ssyncset.s32 @!p0 $0xFFFFF086;
	s6 =	sadd.s32 @!p0 s3, s7;
	s7 =	simm.s32 @!p0 $0x108  }
0x21: {  	s3 =	sadd.s32 s3, s9;
	s6 =	sadd.s32 @!p0 $0x88, s6;
	s7 =	simm.s32 @p2 $0x1082  }
0x22: {  	[simem:s7], [sflag:s8] =	dma.local @!p0 [hbm:s6], $0xF7A  }
0x23: {  	s9 =	sor.u32 $0xD0000000, s2;
	s6 =	simm.s32 $0x108;
	_ =	swait.ge @!p0 [sflag:s8], $0x0  }
0x24: {  	s3 =	sadd.s32 $0x88, s3;
	s6 =	simm.s32 @!p1 $0x1082;
	[sflag:s4] =	ssyncset.s32 $0xFFFFF086  }
0x25: {  	[simem:s6], [sflag:s4] =	dma.local [hbm:s3], $0xF7A  }
0x26: {  	[smem:$0x3F64] =	sst s1;
	(tag) =	ssettag s2;
	_ =	strace s9  }
0x27: {  	s1 =	sld [smem:$0x3F74]  }
0x28: {  	s2 =	sld [smem:$0x3F75]  }
0x29: {  	s4 =	sld [smem:$0x3F77]  }
0x2a: {  	p0 =	seq.s32 s5, $0x0;
	s5 =	sld [smem:$0x3F78]  }
0x2b: {  	s6 =	sld [smem:$0x3F79]  }
0x2c: {  	s7 =	sld [smem:$0x3F7A]  }
0x2d: {  	s3 =	simm.s32 $0x108;
	s8 =	sld [smem:$0x3F7B]  }
0x2e: {  	s3 =	simm.s32 @!p0 $0x1082;
	s9 =	sld [smem:$0x3F7C]  }
0x2f: {  	lr =	sadd.s32 s0, s3;
	s0 =	sld [smem:$0x3F73]  }
0x30: {  	s3 =	sld [smem:$0x3F76]  }
0x31: {  	[smem:$0x3F7F] =	sst s10  }
0x32: {  	s10 =	sld [smem:$0x3F7D];
	_ =	sdelay $0x3  }
0x33: {  	p0 =	seq.s32 s10, $0x1;
	s10 =	sld [smem:$0x3F7F];
	_ =	sdelay $0x3  }
0x34: {  	[smem:$0x3F7F] =	sst s10  }
0x35: {  	s10 =	sld [smem:$0x3F7E];
	_ =	sdelay $0x3  }
0x36: {  	p1 =	seq.s32 s10, $0x1;
	s10 =	sld [smem:$0x3F7F];
	_ =	sdelay $0x3  }
0x37: {  	[smem:$0x3F7F] =	sst s10  }
0x38: {  	s10 =	sld [smem:$0x3F80]  }
0x39: {  	_ = 	snop;
	(pc) =	sbr.ind lr, $3  }
0x3a: {  	_ = 	snop  }
0x3b: {  	_ = 	snop  }
0x3c: {  	p2 =	seq.s32 s10, $0x1;
	s10 =	sld [smem:$0x3F7F]  }
0x3d: {  	_ =	shalt  }
0x3e: {  	_ =	shalt  }
0x3f: {  	_ =	shalt  }
0x40: {  	_ =	shalt  }
0x41: {  	_ =	shalt  }
0x42: {  	_ =	shalt  }
0x43: {  	_ =	shalt  }
0x44: {  	_ =	shalt  }
0x45: {  	_ =	shalt  }
0x46: {  	_ =	shalt  }
0x47: {  	_ =	shalt  }
0x48: {  	_ =	shalt  }
0x49: {  	_ =	shalt  }
0x4a: {  	_ =	shalt  }
0x4b: {  	_ =	shalt  }
0x4c: {  	_ =	shalt  }
0x4d: {  	_ =	shalt  }
0x4e: {  	_ =	shalt  }
0x4f: {  	_ =	shalt  }
0x50: {  	_ =	shalt  }
0x51: {  	_ =	shalt  }
0x52: {  	_ =	shalt  }
0x53: {  	_ =	shalt  }
0x54: {  	_ =	shalt  }
0x55: {  	_ =	shalt  }
0x56: {  	_ =	shalt  }
0x57: {  	_ =	shalt  }
0x58: {  	_ =	shalt  }
0x59: {  	_ =	shalt  }
0x5a: {  	_ =	shalt  }
0x5b: {  	_ =	shalt  }
0x5c: {  	_ =	shalt  }
0x5d: {  	_ =	shalt  }
0x5e: {  	_ =	shalt  }
0x5f: {  	_ =	shalt  }
0x60: {  	_ =	shalt  }
0x61: {  	_ =	shalt  }
0x62: {  	_ =	shalt  }
0x63: {  	_ =	shalt  }
0x64: {  	_ =	shalt  }
0x65: {  	_ =	shalt  }
0x66: {  	_ =	shalt  }
0x67: {  	_ =	shalt  }
0x68: {  	_ =	shalt  }
0x69: {  	_ =	shalt  }
0x6a: {  	_ =	shalt  }
0x6b: {  	_ =	shalt  }
0x6c: {  	_ =	shalt  }
0x6d: {  	_ =	shalt  }
0x6e: {  	_ =	shalt  }
0x6f: {  	_ =	shalt  }
0x70: {  	_ =	shalt  }
0x71: {  	_ =	shalt  }
0x72: {  	_ =	shalt  }
0x73: {  	_ =	shalt  }
0x74: {  	_ =	shalt  }
0x75: {  	_ =	shalt  }
0x76: {  	_ =	shalt  }
0x77: {  	_ =	shalt  }
0x78: {  	_ =	shalt  }
0x79: {  	_ =	shalt  }
0x7a: {  	_ =	shalt  }
0x7b: {  	_ =	shalt  }
0x7c: {  	_ =	shalt  }
0x7d: {  	_ =	shalt  }
0x7e: {  	_ =	shalt  }
0x7f: {  	_ =	shalt  }
0x80: {  	_ =	shalt  }
0x81: {  	_ =	shalt  }
0x82: {  	_ =	shalt  }
0x83: {  	_ =	shalt  }
0x84: {  	_ =	shalt  }
0x85: {  	_ =	shalt  }
0x86: {  	_ =	shalt  }
0x87: {  	_ =	shalt  }
.Lfunc_end0:
.L_simem_size_0:
called_computation.1_lowered:
.L_overlay_start_0:
0x88: {  	s2 =	sld [smem:$0x3FD9]  }
0x89: {  	s3 =	sld [smem:$0x3FFE];
	_ =	sdelay $0x1  }
0x8a: {  	s1 =	srdreg.scid  }
0x8b: {  	s0 =	sand.u32 $0x1, s1  }
0x8c: {  	s16 =	sshll.u32 s0, $0xA;
	s2 =	sadd.s32 s3, s2  }
0x8d: {  	s2 =	sadd.s32 s2, s16  }
0x8e: {  	[smem:$0x3F8B] =	sst s2  }
0x8f: {  	_ = 	snop  }
0x90: {  	(tm) =	ssettm $0x1  }
0x91: {  	s17 =	sld [smem:$0x3FFB];
	_ =	sdelay $0x3  }
0x92: {  	_ =	strace s17  }
0x93: {  	s2 =	sld [smem:$0x3FFC];
	_ =	sdelay $0x3  }
0x94: {  	_ =	strace s2  }
0x95: {  	s2 =	sld [smem:$0x3FFD];
	_ =	sdelay $0x3  }
0x96: {  	_ =	strace s2  }
0x97: {  	_ =	strace $0x8FFFFFFF  }
0x98: {  	s18 =	sld [smem:$0x3FDB];
	_ =	sdelay $0x1  }
0x99: {  	s19 =	simm.s32 $_scs_section_size  }
0x9a: {  	s4 =	simm.s32 $_size__tile_overlayer_lowered;
	s5 =	simm.s32 $_tile_overlayer_lowered  }
0x9b: {  	s22 =	simm.s32 $0x1BFF;
	s21 =	sshll.u32 s5, $0x1;
	s2 =	sadd.s32 s19, s18  }
0x9c: {  	s6 =	simm.s32 $0x0;
	s20 =	sshll.u32 s4, $0x1;
	s4 =	sadd.s32 s21, s2  }
0x9d: {  	[timem:s6], [sflag:s22] =	dma.local [hbm:s4], s20  }
0x9e: {  	_ =	swait.ge [sflag:s22], s20  }
0x9f: {  	s3 =	ssub.s32 $0x0, s20;
	[sflag:s22] =	ssyncset.done $0x0  }
0xa0: {  	[sflag:s22] =	ssyncadd.s32 s3;
	_ =	sdelay $0x1  }
0xa1: {  	s23 =	simm.s32 $0x1B8B  }
0xa2: {  	_ =	swait.ge [sflag:s23], $0x1  }
0xa3: {  	[sflag:s23] =	ssyncset.done $0x0  }
0xa4: {  	s25 =	simm.s32 $0x1B8E;
	s24 =	sld [smem:$0x3FFE];
	[sflag:s23] =	ssyncadd.s32 $0xFFFFFFFF  }
0xa5: {  	s26 =	simm.s32 $execute0_lowered;
	[smem:$0x3FD2] =	sst s25  }
0xa6: {  	s4 =	sshll.u32 s26, $0x1;
	_ =	strace $0x80000049;
	[dreg:$0x1] =	wrdreg $0xFFFFFFFF  }
0xa7: {  	s28 =	simm.s32 $_size_execute0_lowered;
	s2 =	sadd.s32 s2, s4;
	[dreg:$0x0] =	wrdreg $0x0  }
0xa8: {  	s4 =	sshll.u32 s28, $0x1;
	[dreg:$0x2] =	wrdreg s2  }
0xa9: {  	[dreg:$0x3] =	wrdreg s4  }
0xaa: {  	[dreg:$0x4] =	wrdreg $0xC0  }
0xab: {  	_ =	task [dreg:s6], $0x5FFFF  }
0xac: {  	[dreg:$0x1] =	wrdreg $0xFFFFFFFF  }
0xad: {  	[dreg:$0x0] =	wrdreg $0x60  }
0xae: {  	[dreg:$0x2] =	wrdreg s24  }
0xaf: {  	[dreg:$0x3] =	wrdreg $0x8800  }
0xb0: {  	[dreg:$0x4] =	wrdreg $0x9  }
0xb1: {  	_ =	task.clear_ibuf [dreg:s6], $0x5FFFF;
	_ =	strace $0x90000049  }
0xb2: {  	s29 =	simm.s32 $0x9;
	_ =	strace $0x8000004B  }
0xb3: {  	_ =	swait.ge [sflag:s29], $0x1  }
0xb4: {  	[sflag:s29] =	ssyncadd.s32 $0xFFFFFFFF  }
0xb5: {  	_ =	strace $0x9000004B  }
0xb6: {  	_ =	sfence  }
0xb7: {  	s30 =	sld [smem:$0x0];
	_ =	sdelay $0x2  }
0xb8: {  	s31 =	sshll.u32 s1, $0xD;
	s1 =	sshrl.u32 s1, $0x2  }
0xb9: {  	s3 =	sand.u32 $0x4000, s31;
	s1 =	sadd.s32 s1, s30  }
0xba: {  	s0 =	sor.u32 s3, s0;
	s1 =	sshll.u32 s1, $0x11  }
0xbb: {  	s0 =	sor.u32 s1, s0  }
0xbc: {  	s0 =	sadd.s32 $0x8F2B, s0  }
0xbd: {  	[sflag:s0] =	ssyncadd.remote.s32 $0x1  }
0xbe: {  	_ =	sfence.sel $0xFFFF  }
0xbf: {  	[dreg:$0x0] =	wrdreg $0xFFFFFFFF;
	(pc) =	sbr.abs _section_cstart, $3  }
0xc0: {  	[dreg:$0x1] =	wrdreg $0xFFFFFFFF  }
0xc1: {  	_ =	task.clear_ibuf [dreg:s6], $0x2FFFF;
	_ =	strace $0x9FFFFFFF  }
0xc2: {  	(tm) =	ssettm $0x7FFFFFFF  }
0xc3: {  	_ =	shalt  }
tec
execute0_lowered:
.L_overlay_start_1:
0x0: {  	(tag) =	ssettag $0x1  }
0x1: {  	s5 =	rddreg [dreg:$0x0]  }
0x2: {  	s2 =	rddreg [dreg:$0x1]  }
0x3: {  	s0 =	rddreg [dreg:$0x2];
	s3 =	simm.s32 $0x0;
	s1 =	stileid.u32  }
0x4: {  	s6 =	srdreg.scid;
	[smem:$0x7FF] =	sst s3  }
0x5: {  	s4 =	sshll.u32 s1, $0x8;
	s13 =	sadd.s32 $0x2B8C200, s5;
	s10 =	smul.u32 $0xC350, s1  }
0x6: {  	s21 =	sshll.u32 s1, $0x4;
	s17 =	sand.u32 $0x1, s6;
	s8 =	smul.u32 $0x30D40, s1  }
0x7: {  	s9 =	sadd.s32 $0xD4000, s5;
	s25 =	sshll.u32 s1, $0x6;
	s29 =	sshll.u32 s1, $0xD  }
0x8: {  	_ =	strace $0x8000004A;
	s14 =	sadd.s32 s4, s5;
	s11 =	sadd.s32 s21, s5  }
0x9: {  	s4 =	sadd.s32 $0xD2600, s5;
	s7 =	ssub.s32 $0x2, s17;
	s16 =	sshll.u32 s17, $0x5  }
0xa: {  	s6 =	sor.u32 $0x1C01, s25;
	p0 =	sne.s32 s17, $0x0;
	s17 =	simm.s32 $0x8  }
0xb: {  	s22 =	sshrl.u32 s10, $0x3;
	s23 =	sshrl.u32 s7, $0x1;
	s24 =	sshrl.u32 s8, $0x2  }
0xc: {  	s26 =	sor.u32 s16, s8;
	s30 =	sor.u32 s16, s29;
	s19 =	sadd.s32 s10, s2  }
0xd: {  	s11 =	sadd.s32 $0x1DF200, s11;
	s14 =	sadd.s32 $0x1C49E00, s14;
	s16 =	simm.s32 $0x1  }
0xe: {  	s12 =	sadd.s32 s22, s5;
	s15 =	ssub.s32 s7, s23;
	s5 =	sadd.s32 s24, s2  }
0xf: {  	s8 =	sshrl.u32 s26, $0x3;
	s18 =	sor.u32 $0x10, s26;
	s31 =	sor.u32 $0x10, s30  }
0x10: {  	s19 =	sshrl.u32 @!p0 s19, $0x3;
	s7 =	sadd.s32 s9, s8;
	s28 =	sshrl.u32 s18, $0x3  }
0x11: {  	s10 =	smax.u32 s15, $0x1;
	s15 =	sshrl.u32 s31, $0x3;
	s18 =	simm.s32 $0x2  }
0x12: {  	s8 =	sadd.s32 s9, s28;
	s9 =	sadd.s32 $0x135C00, s12;
	s12 =	sshrl.u32 s30, $0x3  }
0x13: {  	s12 =	sadd.s32 s12, s13;
	s13 =	sadd.s32 s15, s13;
	s15 =	sshrl.u32 s5, $0x3  }
.LBB2_1:
0x14: {  	[spmem:s15], [sflag:s6] =	dma.local [hbm:s4], $0x186A  }
0x15: {  	_ =	swait.ge [sflag:s16], $0x186A  }
0x16: {  	s20 =	sadd.s32 $0x0, s1;
	[sflag:s16] =	ssyncset.done $0x0  }
0x17: {  	p1 =	sgt.u32 s20, $0x1869;
	[sflag:s16] =	ssyncadd.s32 $0xFFFFE796  }
0x18: {  	s20 =	simm.s32 @!p1 $0x0;
	s22 =	simm.s32 @!p1 $0x2;
	[bflag:$0x0] =	sbarrier.arrive $0xFFFF  }
0x19: {  	[tilespmem:s20], [sflag:$0x2] =	stream.linear.gather @!p1 [hbm4b:s11+s20], $0x80, $0x38;
	[tilespmem:$0xCBD0] =	vst v63  }
0x1a: {  	_ =	swait.ge @!p1 [sflag:s22], $0x80  }
0x1b: {  	s24 =	simm.s32 @!p1 $0x80;
	[sflag:s22] =	ssyncset.done @!p1 $0x0  }
0x1c: {  	s21 =	simm.s32 @!p1 $0x10;
	s23 =	simm.s32 @!p1 $0x40;
	[sflag:s22] =	ssyncadd.s32 @!p1 $0xFFFFFF80  }
0x1d: {  	[tilespmem:s24], [sflag:$0x2] =	stream.strided.gather @!p1 [hbm4b:s12+s21], $0x800, s23, s21, $0x38;
	[tilespmem:$0xCBD0] =	vst v63  }
0x1e: {  	p2 =	por p1, p1;
	_ =	swait.ge @!p1 [sflag:s22], $0x800  }
0x1f: {  	[sflag:s22] =	ssyncset.done @!p2 $0x0  }
0x20: {  	s31 =	sadd.s32 $0x10, s1;
	s23 =	simm.s32 @!p2 $0x1;
	[sflag:s22] =	ssyncadd.s32 @!p2 $0xFFFFF800  }
0x21: {  	[spmem:s2] =	stream.indirect.scatter.add.f32 @!p2 [tilespmem:s24], [sflag:$0x1], $0x10, s20, s24, $0xb8;
	[tilespmem:$0xCBD0] =	vst v63  }
0x22: {  	s21 =	simm.s32 $0x20;
	p1 =	sgt.u32 s31, $0x1869;
	_ =	swait.ge @!p2 [sflag:s23], $0x800  }
0x23: {  	s22 =	sadd.s32 $0x100, s11;
	s20 =	sadd.s32 $0x4000, s12;
	[sflag:s23] =	ssyncset.done @!p2 $0x0  }
.LBB2_2:
0x24: {  	s24 =	simm.s32 @!p1 $0x0;
	s25 =	simm.s32 @!p1 $0x2;
	[sflag:s23] =	ssyncadd.s32 @!p2 $0xFFFFF800  }
0x25: {  	[tilespmem:s24], [sflag:$0x2] =	stream.linear.gather @!p1 [hbm4b:s22+s24], $0x80, $0x38;
	[tilespmem:$0xCBD0] =	vst v63  }
0x26: {  	s26 =	smov.u32 s21;
	s21 =	sadd.s32 $0x10, s21;
	_ =	swait.ge @!p1 [sflag:s25], $0x80  }
0x27: {  	s28 =	simm.s32 @!p1 $0x80;
	p3 =	sne.s32 s21, $0x1870;
	[sflag:s25] =	ssyncset.done @!p1 $0x0  }
0x28: {  	s23 =	simm.s32 @!p1 $0x10;
	s29 =	simm.s32 @!p1 $0x40;
	[sflag:s25] =	ssyncadd.s32 @!p1 $0xFFFFFF80  }
0x29: {  	[tilespmem:s28], [sflag:$0x2] =	stream.strided.gather @!p1 [hbm4b:s20+s23], $0x800, s29, s23, $0x38;
	[tilespmem:$0xCBD0] =	vst v63  }
0x2a: {  	p2 =	por p1, p1;
	_ =	swait.ge @!p1 [sflag:s25], $0x800  }
.Ltmp0:
0x2b: {  	[sflag:s25] =	ssyncset.done @!p2 $0x0;
	(pc) =	sbr.rel @p3 .LBB2_2-.Ltmp0, $4  }
0x2c: {  	s23 =	simm.s32 @!p2 $0x1;
	[sflag:s25] =	ssyncadd.s32 @!p2 $0xFFFFF800  }
0x2d: {  	[spmem:s2] =	stream.indirect.scatter.add.f32 @!p2 [tilespmem:s28], [sflag:$0x1], $0x10, s24, s28, $0xb8;
	[tilespmem:$0xCBD0] =	vst v63  }
0x2e: {  	s20 =	sadd.s32 $0x4000, s20;
	s24 =	sadd.s32 s26, s1;
	_ =	swait.ge @!p2 [sflag:s23], $0x800  }
0x2f: {  	s22 =	sadd.s32 $0x100, s22;
	p1 =	sgt.u32 s24, $0x1869;
	[sflag:s23] =	ssyncset.done @!p2 $0x0  }
0x30: {  	s21 =	simm.s32 @!p1 $0x0;
	s24 =	simm.s32 @!p1 $0x2;
	[sflag:s23] =	ssyncadd.s32 @!p2 $0xFFFFF800  }
0x31: {  	[tilespmem:s21], [sflag:$0x2] =	stream.linear.gather @!p1 [hbm4b:s22+s21], $0x80, $0x38;
	[tilespmem:$0xCBD0] =	vst v63  }
0x32: {  	_ =	swait.ge @!p1 [sflag:s24], $0x80  }
0x33: {  	s23 =	simm.s32 @!p1 $0x10;
	[sflag:s24] =	ssyncset.done @!p1 $0x0  }
0x34: {  	s25 =	simm.s32 @!p1 $0x40;
	s22 =	simm.s32 @!p1 $0x80;
	[sflag:s24] =	ssyncadd.s32 @!p1 $0xFFFFFF80  }
0x35: {  	[tilespmem:s22], [sflag:$0x2] =	stream.strided.gather @!p1 [hbm4b:s20+s23], $0x800, s25, s23, $0x38;
	[tilespmem:$0xCBD0] =	vst v63  }
0x36: {  	_ =	swait.ge @!p1 [sflag:s24], $0x800;
	p1 =	por p1, p1  }
0x37: {  	[sflag:s24] =	ssyncset.done @!p1 $0x0  }
0x38: {  	s20 =	simm.s32 @!p1 $0x1;
	[sflag:s24] =	ssyncadd.s32 @!p1 $0xFFFFF800  }
0x39: {  	[spmem:s2] =	stream.indirect.scatter.add.f32 @!p1 [tilespmem:s22], [sflag:$0x1], $0x10, s21, s22, $0xb8;
	[tilespmem:$0xCBD0] =	vst v63  }
0x3a: {  	_ =	swait.ge @!p1 [sflag:s20], $0x800  }
0x3b: {  	[sflag:s20] =	ssyncset.done @!p1 $0x0  }
0x3c: {  	[sflag:s20] =	ssyncadd.s32 @!p1 $0xFFFFF800  }
0x3d: {  	[bflag:$0x0] =	sbarrier.arrive $0xFFFF  }
0x3e: {  	[hbm:s7@s17], [sflag:s6] =	dma.strided [spmem:s15@s18], $0x186A, s16, $0x2   }
0x3f: {  	_ =	swait.ge [sflag:s16], $0x186A  }
0x40: {  	[sflag:s16] =	ssyncset.done $0x0  }
0x41: {  	[sflag:s16] =	ssyncadd.s32 $0xFFFFE796  }
0x42: {  	[spmem:s15], [sflag:s6] =	dma.local [hbm:s4], $0x186A  }
0x43: {  	_ =	swait.ge [sflag:s16], $0x186A  }
0x44: {  	s30 =	sadd.s32 $0x0, s1;
	[sflag:s16] =	ssyncset.done $0x0  }
0x45: {  	p1 =	sgt.u32 s30, $0x1869;
	[sflag:s16] =	ssyncadd.s32 $0xFFFFE796  }
0x46: {  	s20 =	simm.s32 @!p1 $0x0;
	s22 =	simm.s32 @!p1 $0x2;
	[bflag:$0x0] =	sbarrier.arrive $0xFFFF  }
0x47: {  	[tilespmem:s20], [sflag:$0x2] =	stream.linear.gather @!p1 [hbm4b:s11+s20], $0x80, $0x38;
	[tilespmem:$0xCBD0] =	vst v63  }
0x48: {  	_ =	swait.ge @!p1 [sflag:s22], $0x80  }
0x49: {  	s24 =	simm.s32 @!p1 $0x80;
	[sflag:s22] =	ssyncset.done @!p1 $0x0  }
0x4a: {  	s21 =	simm.s32 @!p1 $0x10;
	s23 =	simm.s32 @!p1 $0x40;
	[sflag:s22] =	ssyncadd.s32 @!p1 $0xFFFFFF80  }
0x4b: {  	[tilespmem:s24], [sflag:$0x2] =	stream.strided.gather @!p1 [hbm4b:s13+s21], $0x800, s23, s21, $0x38;
	[tilespmem:$0xCBD0] =	vst v63  }
0x4c: {  	p2 =	por p1, p1;
	_ =	swait.ge @!p1 [sflag:s22], $0x800  }
0x4d: {  	[sflag:s22] =	ssyncset.done @!p2 $0x0  }
0x4e: {  	s31 =	sadd.s32 $0x10, s1;
	s23 =	simm.s32 @!p2 $0x1;
	[sflag:s22] =	ssyncadd.s32 @!p2 $0xFFFFF800  }
0x4f: {  	[spmem:s2] =	stream.indirect.scatter.add.f32 @!p2 [tilespmem:s24], [sflag:$0x1], $0x10, s20, s24, $0xb8;
	[tilespmem:$0xCBD0] =	vst v63  }
0x50: {  	s21 =	simm.s32 $0x20;
	p1 =	sgt.u32 s31, $0x1869;
	_ =	swait.ge @!p2 [sflag:s23], $0x800  }
0x51: {  	s22 =	sadd.s32 $0x100, s11;
	s20 =	sadd.s32 $0x4000, s13;
	[sflag:s23] =	ssyncset.done @!p2 $0x0  }
.LBB2_4:
0x52: {  	s24 =	simm.s32 @!p1 $0x0;
	s25 =	simm.s32 @!p1 $0x2;
	[sflag:s23] =	ssyncadd.s32 @!p2 $0xFFFFF800  }
0x53: {  	[tilespmem:s24], [sflag:$0x2] =	stream.linear.gather @!p1 [hbm4b:s22+s24], $0x80, $0x38;
	[tilespmem:$0xCBD0] =	vst v63  }
0x54: {  	s26 =	smov.u32 s21;
	s21 =	sadd.s32 $0x10, s21;
	_ =	swait.ge @!p1 [sflag:s25], $0x80  }
0x55: {  	s28 =	simm.s32 @!p1 $0x80;
	p3 =	sne.s32 s21, $0x1870;
	[sflag:s25] =	ssyncset.done @!p1 $0x0  }
0x56: {  	s23 =	simm.s32 @!p1 $0x10;
	s29 =	simm.s32 @!p1 $0x40;
	[sflag:s25] =	ssyncadd.s32 @!p1 $0xFFFFFF80  }
0x57: {  	[tilespmem:s28], [sflag:$0x2] =	stream.strided.gather @!p1 [hbm4b:s20+s23], $0x800, s29, s23, $0x38;
	[tilespmem:$0xCBD0] =	vst v63  }
0x58: {  	p2 =	por p1, p1;
	_ =	swait.ge @!p1 [sflag:s25], $0x800  }
.Ltmp1:
0x59: {  	[sflag:s25] =	ssyncset.done @!p2 $0x0;
	(pc) =	sbr.rel @p3 .LBB2_4-.Ltmp1, $4  }
0x5a: {  	s23 =	simm.s32 @!p2 $0x1;
	[sflag:s25] =	ssyncadd.s32 @!p2 $0xFFFFF800  }
0x5b: {  	[spmem:s2] =	stream.indirect.scatter.add.f32 @!p2 [tilespmem:s28], [sflag:$0x1], $0x10, s24, s28, $0xb8;
	[tilespmem:$0xCBD0] =	vst v63  }
0x5c: {  	s20 =	sadd.s32 $0x4000, s20;
	s24 =	sadd.s32 s26, s1;
	_ =	swait.ge @!p2 [sflag:s23], $0x800  }
0x5d: {  	s22 =	sadd.s32 $0x100, s22;
	p1 =	sgt.u32 s24, $0x1869;
	[sflag:s23] =	ssyncset.done @!p2 $0x0  }
0x5e: {  	s21 =	simm.s32 @!p1 $0x0;
	s24 =	simm.s32 @!p1 $0x2;
	[sflag:s23] =	ssyncadd.s32 @!p2 $0xFFFFF800  }
0x5f: {  	[tilespmem:s21], [sflag:$0x2] =	stream.linear.gather @!p1 [hbm4b:s22+s21], $0x80, $0x38;
	[tilespmem:$0xCBD0] =	vst v63  }
0x60: {  	_ =	swait.ge @!p1 [sflag:s24], $0x80  }
0x61: {  	s23 =	simm.s32 @!p1 $0x10;
	[sflag:s24] =	ssyncset.done @!p1 $0x0  }
0x62: {  	s25 =	simm.s32 @!p1 $0x40;
	s22 =	simm.s32 @!p1 $0x80;
	[sflag:s24] =	ssyncadd.s32 @!p1 $0xFFFFFF80  }
0x63: {  	[tilespmem:s22], [sflag:$0x2] =	stream.strided.gather @!p1 [hbm4b:s20+s23], $0x800, s25, s23, $0x38;
	[tilespmem:$0xCBD0] =	vst v63  }
0x64: {  	_ =	swait.ge @!p1 [sflag:s24], $0x800;
	p1 =	por p1, p1  }
0x65: {  	[sflag:s24] =	ssyncset.done @!p1 $0x0  }
0x66: {  	s20 =	simm.s32 @!p1 $0x1;
	[sflag:s24] =	ssyncadd.s32 @!p1 $0xFFFFF800  }
0x67: {  	[spmem:s2] =	stream.indirect.scatter.add.f32 @!p1 [tilespmem:s22], [sflag:$0x1], $0x10, s21, s22, $0xb8;
	[tilespmem:$0xCBD0] =	vst v63  }
0x68: {  	_ =	swait.ge @!p1 [sflag:s20], $0x800  }
0x69: {  	[sflag:s20] =	ssyncset.done @!p1 $0x0  }
0x6a: {  	[sflag:s20] =	ssyncadd.s32 @!p1 $0xFFFFF800  }
0x6b: {  	[bflag:$0x0] =	sbarrier.arrive $0xFFFF  }
0x6c: {  	[hbm:s8@s17], [sflag:s6] =	dma.strided [spmem:s15@s18], $0x186A, s16, $0x2   }
0x6d: {  	_ =	swait.ge [sflag:s16], $0x186A  }
0x6e: {  	[sflag:s16] =	ssyncset.done $0x0  }
0x6f: {  	s20 =	sshrl.u32 @!p0 s5, $0x3;
	[sflag:s16] =	ssyncadd.s32 $0xFFFFE796  }
0x70: {  	[spmem:s20], [sflag:s6] =	dma.local @!p0 [hbm:s4], $0x186A  }
0x71: {  	s20 =	simm.s32 @!p0 $0x1  }
0x72: {  	s21 =	sadd.s32 $0x0, s1;
	_ =	swait.ge @!p0 [sflag:s20], $0x186A  }
0x73: {  	p1 =	sgt.u32 @!p0 s21, $0x1869;
	[sflag:s20] =	ssyncset.done @!p0 $0x0  }
0x74: {  	p1 =	por p1, p0;
	[sflag:s20] =	ssyncadd.s32 @!p0 $0xFFFFE796  }
0x75: {  	s22 =	simm.s32 @!p1 $0x2;
	s20 =	simm.s32 @!p1 $0x0;
	[bflag:$0x0] =	sbarrier.arrive $0xFFFF  }
0x76: {  	[tilespmem:s20], [sflag:$0x2] =	stream.linear.gather @!p1 [hbm4b:s11+s20], $0x80, $0x38;
	[tilespmem:$0xCBD0] =	vst v63  }
0x77: {  	_ =	swait.ge @!p1 [sflag:s22], $0x80  }
0x78: {  	[sflag:s22] =	ssyncset.done @!p1 $0x0;
	p1 =	por p1, p1  }
0x79: {  	[sflag:s22] =	ssyncadd.s32 @!p1 $0xFFFFFF80;
	s24 =	simm.s32 @!p1 $0x80  }
0x7a: {  	[tilespmem:s24], [sflag:$0x2] =	stream.linear.gather @!p1 [hbm4b:s14+s20], $0x800, $0x38;
	[tilespmem:$0xCBD0] =	vst v63  }
0x7b: {  	_ =	swait.ge @!p1 [sflag:s22], $0x800  }
0x7c: {  	s25 =	sadd.s32 $0x10, s1;
	[sflag:s22] =	ssyncset.done @!p1 $0x0  }
0x7d: {  	p2 =	sgt.u32 @!p0 s25, $0x1869;
	s23 =	simm.s32 @!p1 $0x1;
	[sflag:s22] =	ssyncadd.s32 @!p1 $0xFFFFF800  }
0x7e: {  	[spmem:s2] =	stream.indirect.scatter.add.f32 @!p1 [tilespmem:s24], [sflag:$0x1], $0x10, s20, s24, $0xb8;
	[tilespmem:$0xCBD0] =	vst v63  }
0x7f: {  	p2 =	por p2, p0;
	s21 =	simm.s32 $0x20;
	_ =	swait.ge @!p1 [sflag:s23], $0x800  }
0x80: {  	s22 =	sadd.s32 $0x100, s11;
	s20 =	sadd.s32 $0x1000, s14;
	[sflag:s23] =	ssyncset.done @!p1 $0x0  }
.LBB2_6:
0x81: {  	s24 =	simm.s32 @!p2 $0x0;
	s25 =	simm.s32 @!p2 $0x2;
	[sflag:s23] =	ssyncadd.s32 @!p1 $0xFFFFF800  }
0x82: {  	[tilespmem:s24], [sflag:$0x2] =	stream.linear.gather @!p2 [hbm4b:s22+s24], $0x80, $0x38;
	[tilespmem:$0xCBD0] =	vst v63  }
0x83: {  	s23 =	smov.u32 s21;
	s21 =	sadd.s32 $0x10, s21;
	_ =	swait.ge @!p2 [sflag:s25], $0x80  }
0x84: {  	p1 =	por p2, p2;
	p3 =	sne.s32 s21, $0x1870;
	[sflag:s25] =	ssyncset.done @!p2 $0x0  }
0x85: {  	s26 =	simm.s32 @!p1 $0x80;
	[sflag:s25] =	ssyncadd.s32 @!p1 $0xFFFFFF80  }
0x86: {  	[tilespmem:s26], [sflag:$0x2] =	stream.linear.gather @!p1 [hbm4b:s20+s24], $0x800, $0x38;
	[tilespmem:$0xCBD0] =	vst v63  }
0x87: {  	_ =	swait.ge @!p1 [sflag:s25], $0x800  }
.Ltmp2:
0x88: {  	[sflag:s25] =	ssyncset.done @!p1 $0x0;
	(pc) =	sbr.rel @p3 .LBB2_6-.Ltmp2, $4  }
0x89: {  	s28 =	sadd.s32 s23, s1;
	s23 =	simm.s32 @!p1 $0x1;
	[sflag:s25] =	ssyncadd.s32 @!p1 $0xFFFFF800  }
0x8a: {  	[spmem:s2] =	stream.indirect.scatter.add.f32 @!p1 [tilespmem:s26], [sflag:$0x1], $0x10, s24, s26, $0xb8;
	[tilespmem:$0xCBD0] =	vst v63  }
0x8b: {  	p2 =	sgt.u32 @!p0 s28, $0x1869;
	s20 =	sadd.s32 $0x1000, s20;
	_ =	swait.ge @!p1 [sflag:s23], $0x800  }
0x8c: {  	s22 =	sadd.s32 $0x100, s22;
	p2 =	por p2, p0;
	[sflag:s23] =	ssyncset.done @!p1 $0x0  }
0x8d: {  	s21 =	simm.s32 @!p2 $0x0;
	s24 =	simm.s32 @!p2 $0x2;
	[sflag:s23] =	ssyncadd.s32 @!p1 $0xFFFFF800  }
0x8e: {  	[tilespmem:s21], [sflag:$0x2] =	stream.linear.gather @!p2 [hbm4b:s22+s21], $0x80, $0x38;
	[tilespmem:$0xCBD0] =	vst v63  }
0x8f: {  	_ =	swait.ge @!p2 [sflag:s24], $0x80  }
0x90: {  	p1 =	por p2, p2;
	[sflag:s24] =	ssyncset.done @!p2 $0x0  }
0x91: {  	s22 =	simm.s32 @!p1 $0x80;
	[sflag:s24] =	ssyncadd.s32 @!p1 $0xFFFFFF80  }
0x92: {  	[tilespmem:s22], [sflag:$0x2] =	stream.linear.gather @!p1 [hbm4b:s20+s21], $0x800, $0x38;
	[tilespmem:$0xCBD0] =	vst v63  }
0x93: {  	_ =	swait.ge @!p1 [sflag:s24], $0x800  }
0x94: {  	[sflag:s24] =	ssyncset.done @!p1 $0x0  }
0x95: {  	s20 =	simm.s32 @!p1 $0x1;
	[sflag:s24] =	ssyncadd.s32 @!p1 $0xFFFFF800  }
0x96: {  	[spmem:s2] =	stream.indirect.scatter.add.f32 @!p1 [tilespmem:s22], [sflag:$0x1], $0x10, s21, s22, $0xb8;
	[tilespmem:$0xCBD0] =	vst v63  }
0x97: {  	_ =	swait.ge @!p1 [sflag:s20], $0x800  }
0x98: {  	s3 =	sadd.s32 $0x1, s3;
	[sflag:s20] =	ssyncset.done @!p1 $0x0  }
0x99: {  	[sflag:s20] =	ssyncadd.s32 @!p1 $0xFFFFF800;
	p1 =	sne.s32 s3, s10  }
.Ltmp3:
0x9a: {  	s20 =	simm.s32 @!p0 $0x1;
	[bflag:$0x0] =	sbarrier.arrive $0xFFFF;
	(pc) =	sbr.rel @p1 .LBB2_1-.Ltmp3, $4  }
0x9b: {  	[hbm:s9], [sflag:s6] =	dma.local @!p0 [spmem:s19], $0x186A  }
0x9c: {  	_ =	swait.ge @!p0 [sflag:s20], $0x186A  }
0x9d: {  	[sflag:s20] =	ssyncset.done @!p0 $0x0  }
0x9e: {  	[sflag:s20] =	ssyncadd.s32 @!p0 $0xFFFFE796  }
0x9f: {  	_ =	sfence.sel $0x180000  }
0xa0: {  	[bflag:$0x0] =	sbarrier.arrive $0xFFFF  }
0xa1: {  	p0 =	sne.s32 s1, $0x0;
	_ =	strace $0x9000004A  }
0xa2: {  	s0 =	sadd.s32 @!p0 $0x100000, s0;
	[bflag:$0x2] =	sbarrier.arrive $0xFFFF  }
0xa3: {  	[sflag:s0] =	ssyncadd.tile.s32 @!p0 $0x1;
	_ =	shalt  }
.Lfunc_end2:
_tile_overlayer_lowered:
.L_overlay_start_2:
0xa4: {  	(tag) =	ssettag $0x2  }
0xa5: {  	s0 =	rddreg [dreg:$0x0];
	s2 =	stileid.u32  }
0xa6: {  	s1 =	rddreg [dreg:$0x1];
	p0 =	sne.s32 s2, $0x0  }
0xa7: {  	s3 =	rddreg [dreg:$0x2];
	[bflag:$0x3] =	sbarrier.arrive $0xFFFF;
	s2 =	simm.s32 @!p0 $0x1C01  }
0xa8: {  	[timem:s3], [sflag:s2] =	dma.local @!p0 [hbm:s0], s1  }
0xa9: {  	s0 =	simm.s32 @!p0 $0x1  }
0xaa: {  	_ =	swait.ge @!p0 [sflag:s0], s1  }
0xab: {  	s1 =	ssub.s32 @!p0 $0x0, s1;
	[sflag:s0] =	ssyncset.done @!p0 $0x0  }
0xac: {  	[sflag:s0] =	ssyncadd.s32 @!p0 s1  }
0xad: {  	[bflag:$0x3] =	sbarrier.arrive $0xFFFF  }
0xae: {  	_ =	shalt  }

// kernel: kernel.28.cloned.1.call-start
scs
__scs_entry_jumppad:
0x0: {  	(pc) =	sbr.rel $0x88, $3  }
0x1: {  	(tag) =	ssettag $0x0;
	lr =	simm.s32 $0x1  }
0x2: {  	[smem:$0x3F64] =	sst lr;
	_ =	strace $0xD0000000  }
0x3: {  	_ = 	snop  }
0x4: {  	_ = 	snop  }
0x5: {  	_ = 	snop  }
0x6: {  	_ = 	snop  }
0x7: {  	_ = 	snop  }
__scs_overlays_trampoline_lowered:
0x8: {  	[smem:$0x3F73] =	sst s0  }
0x9: {  	[smem:$0x3F74] =	sst s1  }
0xa: {  	[smem:$0x3F75] =	sst s2  }
0xb: {  	[smem:$0x3F76] =	sst s3  }
0xc: {  	[smem:$0x3F77] =	sst s4  }
0xd: {  	[smem:$0x3F78] =	sst s5  }
0xe: {  	[smem:$0x3F79] =	sst s6  }
0xf: {  	[smem:$0x3F7A] =	sst s7  }
0x10: {  	[smem:$0x3F7B] =	sst s8  }
0x11: {  	[smem:$0x3F7C] =	sst s9;
	s0 =	simm.s32 @!p0 $0x0  }
0x12: {  	s1 =	sld [smem:$0x3F62];
	s0 =	simm.s32 @p0 $0x1  }
0x13: {  	[smem:$0x3F7D] =	sst s0;
	s0 =	simm.s32 @!p1 $0x0  }
0x14: {  	s2 =	sld [smem:$0x3F61];
	s0 =	simm.s32 @p1 $0x1  }
0x15: {  	[smem:$0x3F7E] =	sst s0;
	s0 =	simm.s32 @!p2 $0x0  }
0x16: {  	s3 =	sld [smem:$0x3FDB];
	s0 =	simm.s32 @p2 $0x1  }
0x17: {  	s4 =	simm.s32 $0x1BF5;
	[smem:$0x3F80] =	sst s0  }
0x18: {  	s0 =	sld [smem:$0x3F63];
	_ =	swait.ge [sflag:s4], $0x0  }
0x19: {  	s7 =	sld [smem:$0x3F64]  }
0x1a: {  	s8 =	sadd.s32 $0xFFFFE003, lr  }
0x1b: {  	s9 =	sadd.s32 $0xFFFFFEF7, lr;
	s5 =	simm.s32 $0xFFFFFFFF;
	p2 =	slt.u32 s8, $0xFFFFF086  }
0x1c: {  	p1 =	slt.u32 s9, $0xF7A;
	s5 =	simm.s32 @!p2 $0x0  }
0x1d: {  	s5 =	simm.s32 @p1 $0x1;
	p0 =	seq.s32 s7, s2  }
0x1e: {  	s7 =	smul.u32 @!p0 $0xF7A, s2;
	p2 =	seq.s32 @!p0 s5, $0x0  }
0x1f: {  	s9 =	smul.u32 $0xF7A, s1;
	s8 =	simm.s32 @!p0 $0x1BF5;
	p2 =	por !p2, p0  }
0x20: {  	[sflag:s8] =	ssyncset.s32 @!p0 $0xFFFFF086;
	s6 =	sadd.s32 @!p0 s3, s7;
	s7 =	simm.s32 @!p0 $0x108  }
0x21: {  	s3 =	sadd.s32 s3, s9;
	s6 =	sadd.s32 @!p0 $0x88, s6;
	s7 =	simm.s32 @p2 $0x1082  }
0x22: {  	[simem:s7], [sflag:s8] =	dma.local @!p0 [hbm:s6], $0xF7A  }
0x23: {  	s9 =	sor.u32 $0xD0000000, s2;
	s6 =	simm.s32 $0x108;
	_ =	swait.ge @!p0 [sflag:s8], $0x0  }
0x24: {  	s3 =	sadd.s32 $0x88, s3;
	s6 =	simm.s32 @!p1 $0x1082;
	[sflag:s4] =	ssyncset.s32 $0xFFFFF086  }
0x25: {  	[simem:s6], [sflag:s4] =	dma.local [hbm:s3], $0xF7A  }
0x26: {  	[smem:$0x3F64] =	sst s1;
	(tag) =	ssettag s2;
	_ =	strace s9  }
0x27: {  	s1 =	sld [smem:$0x3F74]  }
0x28: {  	s2 =	sld [smem:$0x3F75]  }
0x29: {  	s4 =	sld [smem:$0x3F77]  }
0x2a: {  	p0 =	seq.s32 s5, $0x0;
	s5 =	sld [smem:$0x3F78]  }
0x2b: {  	s6 =	sld [smem:$0x3F79]  }
0x2c: {  	s7 =	sld [smem:$0x3F7A]  }
0x2d: {  	s3 =	simm.s32 $0x108;
	s8 =	sld [smem:$0x3F7B]  }
0x2e: {  	s3 =	simm.s32 @!p0 $0x1082;
	s9 =	sld [smem:$0x3F7C]  }
0x2f: {  	lr =	sadd.s32 s0, s3;
	s0 =	sld [smem:$0x3F73]  }
0x30: {  	s3 =	sld [smem:$0x3F76]  }
0x31: {  	[smem:$0x3F7F] =	sst s10  }
0x32: {  	s10 =	sld [smem:$0x3F7D];
	_ =	sdelay $0x3  }
0x33: {  	p0 =	seq.s32 s10, $0x1;
	s10 =	sld [smem:$0x3F7F];
	_ =	sdelay $0x3  }
0x34: {  	[smem:$0x3F7F] =	sst s10  }
0x35: {  	s10 =	sld [smem:$0x3F7E];
	_ =	sdelay $0x3  }
0x36: {  	p1 =	seq.s32 s10, $0x1;
	s10 =	sld [smem:$0x3F7F];
	_ =	sdelay $0x3  }
0x37: {  	[smem:$0x3F7F] =	sst s10  }
0x38: {  	s10 =	sld [smem:$0x3F80]  }
0x39: {  	_ = 	snop;
	(pc) =	sbr.ind lr, $3  }
0x3a: {  	_ = 	snop  }
0x3b: {  	_ = 	snop  }
0x3c: {  	p2 =	seq.s32 s10, $0x1;
	s10 =	sld [smem:$0x3F7F]  }
0x3d: {  	_ =	shalt  }
0x3e: {  	_ =	shalt  }
0x3f: {  	_ =	shalt  }
0x40: {  	_ =	shalt  }
0x41: {  	_ =	shalt  }
0x42: {  	_ =	shalt  }
0x43: {  	_ =	shalt  }
0x44: {  	_ =	shalt  }
0x45: {  	_ =	shalt  }
0x46: {  	_ =	shalt  }
0x47: {  	_ =	shalt  }
0x48: {  	_ =	shalt  }
0x49: {  	_ =	shalt  }
0x4a: {  	_ =	shalt  }
0x4b: {  	_ =	shalt  }
0x4c: {  	_ =	shalt  }
0x4d: {  	_ =	shalt  }
0x4e: {  	_ =	shalt  }
0x4f: {  	_ =	shalt  }
0x50: {  	_ =	shalt  }
0x51: {  	_ =	shalt  }
0x52: {  	_ =	shalt  }
0x53: {  	_ =	shalt  }
0x54: {  	_ =	shalt  }
0x55: {  	_ =	shalt  }
0x56: {  	_ =	shalt  }
0x57: {  	_ =	shalt  }
0x58: {  	_ =	shalt  }
0x59: {  	_ =	shalt  }
0x5a: {  	_ =	shalt  }
0x5b: {  	_ =	shalt  }
0x5c: {  	_ =	shalt  }
0x5d: {  	_ =	shalt  }
0x5e: {  	_ =	shalt  }
0x5f: {  	_ =	shalt  }
0x60: {  	_ =	shalt  }
0x61: {  	_ =	shalt  }
0x62: {  	_ =	shalt  }
0x63: {  	_ =	shalt  }
0x64: {  	_ =	shalt  }
0x65: {  	_ =	shalt  }
0x66: {  	_ =	shalt  }
0x67: {  	_ =	shalt  }
0x68: {  	_ =	shalt  }
0x69: {  	_ =	shalt  }
0x6a: {  	_ =	shalt  }
0x6b: {  	_ =	shalt  }
0x6c: {  	_ =	shalt  }
0x6d: {  	_ =	shalt  }
0x6e: {  	_ =	shalt  }
0x6f: {  	_ =	shalt  }
0x70: {  	_ =	shalt  }
0x71: {  	_ =	shalt  }
0x72: {  	_ =	shalt  }
0x73: {  	_ =	shalt  }
0x74: {  	_ =	shalt  }
0x75: {  	_ =	shalt  }
0x76: {  	_ =	shalt  }
0x77: {  	_ =	shalt  }
0x78: {  	_ =	shalt  }
0x79: {  	_ =	shalt  }
0x7a: {  	_ =	shalt  }
0x7b: {  	_ =	shalt  }
0x7c: {  	_ =	shalt  }
0x7d: {  	_ =	shalt  }
0x7e: {  	_ =	shalt  }
0x7f: {  	_ =	shalt  }
0x80: {  	_ =	shalt  }
0x81: {  	_ =	shalt  }
0x82: {  	_ =	shalt  }
0x83: {  	_ =	shalt  }
0x84: {  	_ =	shalt  }
0x85: {  	_ =	shalt  }
0x86: {  	_ =	shalt  }
0x87: {  	_ =	shalt  }
.Lfunc_end0:
.L_simem_size_0:
called_computation.2_lowered:
.L_overlay_start_0:
0x88: {  	s2 =	sld [smem:$0x3FD9]  }
0x89: {  	s3 =	sld [smem:$0x3FFE];
	_ =	sdelay $0x1  }
0x8a: {  	s1 =	srdreg.scid  }
0x8b: {  	s0 =	sand.u32 $0x1, s1  }
0x8c: {  	s16 =	sshll.u32 s0, $0xA;
	s2 =	sadd.s32 s3, s2  }
0x8d: {  	s2 =	sadd.s32 s2, s16  }
0x8e: {  	[smem:$0x3F8B] =	sst s2  }
0x8f: {  	_ = 	snop  }
0x90: {  	(tm) =	ssettm $0x1  }
0x91: {  	s17 =	sld [smem:$0x3FFB];
	_ =	sdelay $0x3  }
0x92: {  	_ =	strace s17  }
0x93: {  	s2 =	sld [smem:$0x3FFC];
	_ =	sdelay $0x3  }
0x94: {  	_ =	strace s2  }
0x95: {  	s2 =	sld [smem:$0x3FFD];
	_ =	sdelay $0x3  }
0x96: {  	_ =	strace s2  }
0x97: {  	_ =	strace $0x8FFFFFFF  }
0x98: {  	s18 =	sld [smem:$0x3FDB];
	_ =	sdelay $0x1  }
0x99: {  	s19 =	simm.s32 $_scs_section_size  }
0x9a: {  	s4 =	simm.s32 $_size__tile_overlayer_lowered;
	s5 =	simm.s32 $_tile_overlayer_lowered  }
0x9b: {  	s22 =	simm.s32 $0x1BFF;
	s21 =	sshll.u32 s5, $0x1;
	s2 =	sadd.s32 s19, s18  }
0x9c: {  	s6 =	simm.s32 $0x0;
	s20 =	sshll.u32 s4, $0x1;
	s4 =	sadd.s32 s21, s2  }
0x9d: {  	[timem:s6], [sflag:s22] =	dma.local [hbm:s4], s20  }
0x9e: {  	_ =	swait.ge [sflag:s22], s20  }
0x9f: {  	s3 =	ssub.s32 $0x0, s20;
	[sflag:s22] =	ssyncset.done $0x0  }
0xa0: {  	[sflag:s22] =	ssyncadd.s32 s3;
	_ =	sdelay $0x1  }
0xa1: {  	s23 =	simm.s32 $0x1B8B  }
0xa2: {  	_ =	swait.ge [sflag:s23], $0x1  }
0xa3: {  	[sflag:s23] =	ssyncset.done $0x0  }
0xa4: {  	s25 =	simm.s32 $0x1B8E;
	s24 =	sld [smem:$0x3FFE];
	[sflag:s23] =	ssyncadd.s32 $0xFFFFFFFF  }
0xa5: {  	s26 =	simm.s32 $execute0_lowered;
	[smem:$0x3FD2] =	sst s25  }
0xa6: {  	s4 =	sshll.u32 s26, $0x1;
	_ =	strace $0x8000004C;
	[dreg:$0x1] =	wrdreg $0xFFFFFFFF  }
0xa7: {  	s28 =	simm.s32 $_size_execute0_lowered;
	s2 =	sadd.s32 s2, s4;
	[dreg:$0x0] =	wrdreg $0x0  }
0xa8: {  	s4 =	sshll.u32 s28, $0x1;
	[dreg:$0x2] =	wrdreg s2  }
0xa9: {  	[dreg:$0x3] =	wrdreg s4  }
0xaa: {  	[dreg:$0x4] =	wrdreg $0xC0  }
0xab: {  	_ =	task [dreg:s6], $0x5FFFF  }
0xac: {  	[dreg:$0x1] =	wrdreg $0xFFFFFFFF  }
0xad: {  	[dreg:$0x0] =	wrdreg $0x60  }
0xae: {  	[dreg:$0x2] =	wrdreg s24  }
0xaf: {  	[dreg:$0x3] =	wrdreg $0x9  }
0xb0: {  	_ =	task.clear_ibuf [dreg:s6], $0x4FFFF;
	_ =	strace $0x9000004C  }
0xb1: {  	s29 =	simm.s32 $0x9;
	_ =	strace $0x8000004E  }
0xb2: {  	_ =	swait.ge [sflag:s29], $0x1  }
0xb3: {  	[sflag:s29] =	ssyncadd.s32 $0xFFFFFFFF  }
0xb4: {  	_ =	strace $0x9000004E  }
0xb5: {  	_ =	sfence  }
0xb6: {  	s30 =	sld [smem:$0x0];
	_ =	sdelay $0x2  }
0xb7: {  	s31 =	sshll.u32 s1, $0xD;
	s1 =	sshrl.u32 s1, $0x2  }
0xb8: {  	s3 =	sand.u32 $0x4000, s31;
	s1 =	sadd.s32 s1, s30  }
0xb9: {  	s0 =	sor.u32 s3, s0;
	s1 =	sshll.u32 s1, $0x11  }
0xba: {  	s0 =	sor.u32 s1, s0  }
0xbb: {  	s0 =	sadd.s32 $0x8F2B, s0  }
0xbc: {  	[sflag:s0] =	ssyncadd.remote.s32 $0x1  }
0xbd: {  	_ =	sfence.sel $0xFFFF  }
0xbe: {  	[dreg:$0x0] =	wrdreg $0xFFFFFFFF;
	(pc) =	sbr.abs _section_cstart, $3  }
0xbf: {  	[dreg:$0x1] =	wrdreg $0xFFFFFFFF  }
0xc0: {  	_ =	task.clear_ibuf [dreg:s6], $0x2FFFF;
	_ =	strace $0x9FFFFFFF  }
0xc1: {  	(tm) =	ssettm $0x7FFFFFFF  }
tec
execute0_lowered:
.L_overlay_start_1:
0x0: {  	(tag) =	ssettag $0x1  }
0x1: {  	s4 =	rddreg [dreg:$0x0]  }
0x2: {  	s0 =	rddreg [dreg:$0x1];
	s1 =	simm.s32 $0x0;
	s5 =	srdreg.scid  }
0x3: {  	s2 =	stileid.u32;
	[smem:$0x7FF] =	sst s1  }
0x4: {  	s3 =	sadd.s32 $0xF000, s4;
	s6 =	sand.u32 $0x1, s5;
	s29 =	sshll.u32 s2, $0x5  }
0x5: {  	s7 =	smul.u32 $0xA00, s2;
	s5 =	sshll.u32 s2, $0x1;
	_ =	strace $0x8000004D  }
0x6: {  	s8 =	ssub.s32 $0x2, s6;
	s9 =	sadd.s32 s29, s4;
	s10 =	smul.u32 $0x500, s6  }
0x7: {  	s31 =	sshll.u32 s6, $0x4;
	s30 =	sshrl.u32 s8, $0x1;
	s7 =	sadd.s32 s7, s4  }
0x8: {  	s4 =	sadd.s32 $0xD4000, s4;
	s8 =	ssub.s32 s8, s30;
	s7 =	sadd.s32 s10, s7  }
0x9: {  	s10 =	sadd.s32 s31, s9;
	s6 =	sadd.s32 $0x566A00, s7;
	s7 =	sadd.s32 $0xD07C00, s7  }
0xa: {  	s8 =	smax.u32 s8, $0x1;
	s9 =	sadd.s32 $0x1C6A00, s10;
	s10 =	sadd.s32 $0x1DF200, s10  }
.LBB2_1:
0xb: {  	p0 =	sgt.u32 s5, $0x1869  }
0xc: {  	s13 =	simm.s32 @!p0 $0x0;
	s14 =	simm.s32 @!p0 $0x4;
	p0 =	por p0, p0  }
0xd: {  	[tilespmem:s13], [sflag:$0x4] =	stream.linear.gather @!p0 [hbm4b:s10+s13], $0x80, $0x38;
	[tilespmem:$0x5100] =	vst v63  }
0xe: {  	_ =	swait.ge @!p0 [sflag:s14], $0x80  }
0xf: {  	[sflag:s14] =	ssyncset.done @!p0 $0x0  }
0x10: {  	s11 =	simm.s32 @!p0 $0x80;
	[sflag:s14] =	ssyncadd.s32 @!p0 $0xFFFFFF80  }
0x11: {  	[tilespmem:s11], [sflag:$0x4] =	stream.linear.gather @!p0 [hbm4b:s9+s13], $0x80, $0x38;
	[tilespmem:$0x5100] =	vst v63  }
0x12: {  	_ =	swait.ge @!p0 [sflag:s14], $0x80  }
0x13: {  	[sflag:s14] =	ssyncset.done @!p0 $0x0  }
0x14: {  	s12 =	simm.s32 @!p0 $0x100;
	[sflag:s14] =	ssyncadd.s32 @!p0 $0xFFFFFF80  }
0x15: {  	[tilespmem:s12], [sflag:$0x1] =	stream.indirect.gather @!p0 [hbm4b:s3+s11], $0x50, s13, s11, $0xb8;
	[tilespmem:$0x5100] =	vst v63  }
0x16: {  	s15 =	simm.s32 @!p0 $0x2900;
	s16 =	simm.s32 @!p0 $0x1  }
0x17: {  	[tilespmem:s15], [sflag:$0x2] =	stream.indirect.gather @!p0 [hbm4b:s4+s11], $0x50, s11, s11, $0xb8;
	[tilespmem:$0x5100] =	vst v63  }
0x18: {  	_ =	swait.ge @!p0 [sflag:s16], $0x2800  }
0x19: {  	[sflag:s16] =	ssyncset.done @!p0 $0x0  }
0x1a: {  	s11 =	simm.s32 @!p0 $0x2;
	[sflag:s16] =	ssyncadd.s32 @!p0 $0xFFFFD800  }
0x1b: {  	_ =	swait.ge @!p0 [sflag:s11], $0x2800  }
0x1c: {  	[sflag:s11] =	ssyncset.done @!p0 $0x0  }
0x1d: {  	[sflag:s11] =	ssyncadd.s32 @!p0 $0xFFFFD800;
	s11 =	sadd.s32 @!p0 $0x0, s6  }
0x1e: {  	[hbm4b:s11+s13] =	stream.linear.scatter @!p0 [tilespmem:s12], [sflag:$0x4], $0x2800, $0x38;
	[tilespmem:$0x5100] =	vst v63  }
0x1f: {  	_ =	swait.ge @!p0 [sflag:s14], $0x2800  }
0x20: {  	s16 =	simm.s32 @!p0 $0x3;
	s11 =	simm.s32 $0xA000;
	[sflag:s14] =	ssyncset.done @!p0 $0x0  }
0x21: {  	s12 =	simm.s32 $0x14000;
	[sflag:s14] =	ssyncadd.s32 @!p0 $0xFFFFD800;
	s14 =	sadd.s32 @!p0 $0x0, s7  }
0x22: {  	[hbm4b:s14+s13] =	stream.linear.scatter @!p0 [tilespmem:s15], [sflag:$0x3], $0x2800, $0x38;
	[tilespmem:$0x5100] =	vst v63  }
0x23: {  	s14 =	sadd.s32 $0x200, s10;
	s15 =	sadd.s32 $0x20, s5;
	_ =	swait.ge @!p0 [sflag:s16], $0x2800  }
0x24: {  	s13 =	sadd.s32 $0x200, s9;
	p2 =	sgt.u32 s15, $0x1869;
	[sflag:s16] =	ssyncset.done @!p0 $0x0  }
.LBB2_2:
0x25: {  	s17 =	simm.s32 @!p2 $0x0;
	s18 =	simm.s32 @!p2 $0x4;
	[sflag:s16] =	ssyncadd.s32 @!p0 $0xFFFFD800  }
0x26: {  	s16 =	smov.u32 s11;
	s11 =	smov.u32 s12;
	p0 =	por p2, p2  }
0x27: {  	[tilespmem:s17], [sflag:$0x4] =	stream.linear.gather @!p0 [hbm4b:s14+s17], $0x80, $0x38;
	[tilespmem:$0x5100] =	vst v63  }
0x28: {  	s12 =	sadd.s32 $0xA000, s12;
	_ =	swait.ge @!p0 [sflag:s18], $0x80  }
0x29: {  	p1 =	sne.s32 s12, $0x7A8000;
	[sflag:s18] =	ssyncset.done @!p0 $0x0  }
0x2a: {  	s19 =	simm.s32 @!p0 $0x80;
	[sflag:s18] =	ssyncadd.s32 @!p0 $0xFFFFFF80  }
0x2b: {  	[tilespmem:s19], [sflag:$0x4] =	stream.linear.gather @!p0 [hbm4b:s13+s17], $0x80, $0x38;
	[tilespmem:$0x5100] =	vst v63  }
0x2c: {  	_ =	swait.ge @!p0 [sflag:s18], $0x80  }
0x2d: {  	[sflag:s18] =	ssyncset.done @!p0 $0x0  }
0x2e: {  	s20 =	simm.s32 @!p0 $0x100;
	[sflag:s18] =	ssyncadd.s32 @!p0 $0xFFFFFF80  }
0x2f: {  	[tilespmem:s20], [sflag:$0x1] =	stream.indirect.gather @!p0 [hbm4b:s3+s19], $0x50, s17, s19, $0xb8;
	[tilespmem:$0x5100] =	vst v63  }
0x30: {  	s21 =	simm.s32 @!p0 $0x2900;
	s22 =	simm.s32 @!p0 $0x1  }
0x31: {  	[tilespmem:s21], [sflag:$0x2] =	stream.indirect.gather @!p0 [hbm4b:s4+s19], $0x50, s19, s19, $0xb8;
	[tilespmem:$0x5100] =	vst v63  }
0x32: {  	_ =	swait.ge @!p0 [sflag:s22], $0x2800  }
0x33: {  	[sflag:s22] =	ssyncset.done @!p0 $0x0  }
0x34: {  	s19 =	simm.s32 @!p0 $0x2;
	[sflag:s22] =	ssyncadd.s32 @!p0 $0xFFFFD800  }
0x35: {  	_ =	swait.ge @!p0 [sflag:s19], $0x2800  }
0x36: {  	[sflag:s19] =	ssyncset.done @!p0 $0x0  }
0x37: {  	[sflag:s19] =	ssyncadd.s32 @!p0 $0xFFFFD800;
	s19 =	sadd.s32 @!p0 s16, s6  }
0x38: {  	[hbm4b:s19+s17] =	stream.linear.scatter @!p0 [tilespmem:s20], [sflag:$0x4], $0x2800, $0x38;
	[tilespmem:$0x5100] =	vst v63  }
0x39: {  	_ =	swait.ge @!p0 [sflag:s18], $0x2800  }
.Ltmp0:
0x3a: {  	[sflag:s18] =	ssyncset.done @!p0 $0x0;
	(pc) =	sbr.rel @p1 .LBB2_2-.Ltmp0, $4  }
0x3b: {  	[sflag:s18] =	ssyncadd.s32 @!p0 $0xFFFFD800;
	s18 =	sadd.s32 @!p0 s16, s7;
	s16 =	simm.s32 @!p0 $0x3  }
0x3c: {  	[hbm4b:s18+s17] =	stream.linear.scatter @!p0 [tilespmem:s21], [sflag:$0x3], $0x2800, $0x38;
	[tilespmem:$0x5100] =	vst v63  }
0x3d: {  	s15 =	sadd.s32 $0x20, s15;
	s14 =	sadd.s32 $0x200, s14;
	_ =	swait.ge @!p0 [sflag:s16], $0x2800  }
0x3e: {  	p2 =	sgt.u32 s15, $0x1869;
	s13 =	sadd.s32 $0x200, s13;
	[sflag:s16] =	ssyncset.done @!p0 $0x0  }
0x3f: {  	s12 =	simm.s32 @!p2 $0x0  }
0x40: {  	s15 =	simm.s32 @!p2 $0x4;
	[sflag:s16] =	ssyncadd.s32 @!p0 $0xFFFFD800;
	p0 =	por p2, p2  }
0x41: {  	[tilespmem:s12], [sflag:$0x4] =	stream.linear.gather @!p0 [hbm4b:s14+s12], $0x80, $0x38;
	[tilespmem:$0x5100] =	vst v63  }
0x42: {  	_ =	swait.ge @!p0 [sflag:s15], $0x80  }
0x43: {  	[sflag:s15] =	ssyncset.done @!p0 $0x0  }
0x44: {  	s14 =	simm.s32 @!p0 $0x80;
	[sflag:s15] =	ssyncadd.s32 @!p0 $0xFFFFFF80  }
0x45: {  	[tilespmem:s14], [sflag:$0x4] =	stream.linear.gather @!p0 [hbm4b:s13+s12], $0x80, $0x38;
	[tilespmem:$0x5100] =	vst v63  }
0x46: {  	_ =	swait.ge @!p0 [sflag:s15], $0x80  }
0x47: {  	[sflag:s15] =	ssyncset.done @!p0 $0x0  }
0x48: {  	s13 =	simm.s32 @!p0 $0x100;
	[sflag:s15] =	ssyncadd.s32 @!p0 $0xFFFFFF80  }
0x49: {  	[tilespmem:s13], [sflag:$0x1] =	stream.indirect.gather @!p0 [hbm4b:s3+s14], $0x50, s12, s14, $0xb8;
	[tilespmem:$0x5100] =	vst v63  }
0x4a: {  	s16 =	simm.s32 @!p0 $0x2900;
	s17 =	simm.s32 @!p0 $0x1  }
0x4b: {  	[tilespmem:s16], [sflag:$0x2] =	stream.indirect.gather @!p0 [hbm4b:s4+s14], $0x50, s14, s14, $0xb8;
	[tilespmem:$0x5100] =	vst v63  }
0x4c: {  	_ =	swait.ge @!p0 [sflag:s17], $0x2800  }
0x4d: {  	[sflag:s17] =	ssyncset.done @!p0 $0x0  }
0x4e: {  	s14 =	simm.s32 @!p0 $0x2;
	[sflag:s17] =	ssyncadd.s32 @!p0 $0xFFFFD800  }
0x4f: {  	_ =	swait.ge @!p0 [sflag:s14], $0x2800  }
0x50: {  	[sflag:s14] =	ssyncset.done @!p0 $0x0  }
0x51: {  	[sflag:s14] =	ssyncadd.s32 @!p0 $0xFFFFD800;
	s14 =	sadd.s32 @!p0 s11, s6  }
0x52: {  	[hbm4b:s14+s12] =	stream.linear.scatter @!p0 [tilespmem:s13], [sflag:$0x4], $0x2800, $0x38;
	[tilespmem:$0x5100] =	vst v63  }
0x53: {  	s1 =	sadd.s32 $0x1, s1;
	_ =	swait.ge @!p0 [sflag:s15], $0x2800  }
0x54: {  	p1 =	sne.s32 s1, s8;
	s11 =	sadd.s32 @!p0 s11, s7;
	[sflag:s15] =	ssyncset.done @!p0 $0x0  }
.Ltmp1:
0x55: {  	s13 =	simm.s32 @!p0 $0x3;
	[sflag:s15] =	ssyncadd.s32 @!p0 $0xFFFFD800;
	(pc) =	sbr.rel @p1 .LBB2_1-.Ltmp1, $4  }
0x56: {  	[hbm4b:s11+s12] =	stream.linear.scatter @!p0 [tilespmem:s16], [sflag:$0x3], $0x2800, $0x38;
	[tilespmem:$0x5100] =	vst v63  }
0x57: {  	_ =	swait.ge @!p0 [sflag:s13], $0x2800  }
0x58: {  	[sflag:s13] =	ssyncset.done @!p0 $0x0  }
0x59: {  	[sflag:s13] =	ssyncadd.s32 @!p0 $0xFFFFD800  }
0x5a: {  	_ =	sfence.sel $0x180000  }
0x5b: {  	[bflag:$0x0] =	sbarrier.arrive $0xFFFF  }
0x5c: {  	p0 =	sne.s32 s2, $0x0;
	_ =	strace $0x9000004D  }
0x5d: {  	s0 =	sadd.s32 @!p0 $0x100000, s0;
	[bflag:$0x2] =	sbarrier.arrive $0xFFFF  }
0x5e: {  	[sflag:s0] =	ssyncadd.tile.s32 @!p0 $0x1;
	_ =	shalt  }
.Lfunc_end2:
_tile_overlayer_lowered:
.L_overlay_start_2:
0x5f: {  	(tag) =	ssettag $0x2  }
0x60: {  	s0 =	rddreg [dreg:$0x0];
	s2 =	stileid.u32  }
0x61: {  	s1 =	rddreg [dreg:$0x1];
	p0 =	sne.s32 s2, $0x0  }
0x62: {  	s3 =	rddreg [dreg:$0x2];
	[bflag:$0x3] =	sbarrier.arrive $0xFFFF;
	s2 =	simm.s32 @!p0 $0x1C03  }
0x63: {  	[timem:s3], [sflag:s2] =	dma.local @!p0 [hbm:s0], s1  }
0x64: {  	s0 =	simm.s32 @!p0 $0x3  }
0x65: {  	_ =	swait.ge @!p0 [sflag:s0], s1  }
0x66: {  	s1 =	ssub.s32 @!p0 $0x0, s1;
	[sflag:s0] =	ssyncset.done @!p0 $0x0  }
0x67: {  	[sflag:s0] =	ssyncadd.s32 @!p0 s1  }
0x68: {  	[bflag:$0x3] =	sbarrier.arrive $0xFFFF  }
0x69: {  	_ =	shalt  }

// kernel: kernel.31.cloned.1.call-start
scs
__scs_entry_jumppad:
0x0: {  	(pc) =	sbr.rel $0x88, $3  }
0x1: {  	(tag) =	ssettag $0x0;
	lr =	simm.s32 $0x1  }
0x2: {  	[smem:$0x3F64] =	sst lr;
	_ =	strace $0xD0000000  }
0x3: {  	_ = 	snop  }
0x4: {  	_ = 	snop  }
0x5: {  	_ = 	snop  }
0x6: {  	_ = 	snop  }
0x7: {  	_ = 	snop  }
__scs_overlays_trampoline_lowered:
0x8: {  	[smem:$0x3F73] =	sst s0  }
0x9: {  	[smem:$0x3F74] =	sst s1  }
0xa: {  	[smem:$0x3F75] =	sst s2  }
0xb: {  	[smem:$0x3F76] =	sst s3  }
0xc: {  	[smem:$0x3F77] =	sst s4  }
0xd: {  	[smem:$0x3F78] =	sst s5  }
0xe: {  	[smem:$0x3F79] =	sst s6  }
0xf: {  	[smem:$0x3F7A] =	sst s7  }
0x10: {  	[smem:$0x3F7B] =	sst s8  }
0x11: {  	[smem:$0x3F7C] =	sst s9;
	s0 =	simm.s32 @!p0 $0x0  }
0x12: {  	s1 =	sld [smem:$0x3F62];
	s0 =	simm.s32 @p0 $0x1  }
0x13: {  	[smem:$0x3F7D] =	sst s0;
	s0 =	simm.s32 @!p1 $0x0  }
0x14: {  	s2 =	sld [smem:$0x3F61];
	s0 =	simm.s32 @p1 $0x1  }
0x15: {  	[smem:$0x3F7E] =	sst s0;
	s0 =	simm.s32 @!p2 $0x0  }
0x16: {  	s3 =	sld [smem:$0x3FDB];
	s0 =	simm.s32 @p2 $0x1  }
0x17: {  	s4 =	simm.s32 $0x1BF5;
	[smem:$0x3F80] =	sst s0  }
0x18: {  	s0 =	sld [smem:$0x3F63];
	_ =	swait.ge [sflag:s4], $0x0  }
0x19: {  	s7 =	sld [smem:$0x3F64]  }
0x1a: {  	s8 =	sadd.s32 $0xFFFFE003, lr  }
0x1b: {  	s9 =	sadd.s32 $0xFFFFFEF7, lr;
	s5 =	simm.s32 $0xFFFFFFFF;
	p2 =	slt.u32 s8, $0xFFFFF086  }
0x1c: {  	p1 =	slt.u32 s9, $0xF7A;
	s5 =	simm.s32 @!p2 $0x0  }
0x1d: {  	s5 =	simm.s32 @p1 $0x1;
	p0 =	seq.s32 s7, s2  }
0x1e: {  	s7 =	smul.u32 @!p0 $0xF7A, s2;
	p2 =	seq.s32 @!p0 s5, $0x0  }
0x1f: {  	s9 =	smul.u32 $0xF7A, s1;
	s8 =	simm.s32 @!p0 $0x1BF5;
	p2 =	por !p2, p0  }
0x20: {  	[sflag:s8] =	ssyncset.s32 @!p0 $0xFFFFF086;
	s6 =	sadd.s32 @!p0 s3, s7;
	s7 =	simm.s32 @!p0 $0x108  }
0x21: {  	s3 =	sadd.s32 s3, s9;
	s6 =	sadd.s32 @!p0 $0x88, s6;
	s7 =	simm.s32 @p2 $0x1082  }
0x22: {  	[simem:s7], [sflag:s8] =	dma.local @!p0 [hbm:s6], $0xF7A  }
0x23: {  	s9 =	sor.u32 $0xD0000000, s2;
	s6 =	simm.s32 $0x108;
	_ =	swait.ge @!p0 [sflag:s8], $0x0  }
0x24: {  	s3 =	sadd.s32 $0x88, s3;
	s6 =	simm.s32 @!p1 $0x1082;
	[sflag:s4] =	ssyncset.s32 $0xFFFFF086  }
0x25: {  	[simem:s6], [sflag:s4] =	dma.local [hbm:s3], $0xF7A  }
0x26: {  	[smem:$0x3F64] =	sst s1;
	(tag) =	ssettag s2;
	_ =	strace s9  }
0x27: {  	s1 =	sld [smem:$0x3F74]  }
0x28: {  	s2 =	sld [smem:$0x3F75]  }
0x29: {  	s4 =	sld [smem:$0x3F77]  }
0x2a: {  	p0 =	seq.s32 s5, $0x0;
	s5 =	sld [smem:$0x3F78]  }
0x2b: {  	s6 =	sld [smem:$0x3F79]  }
0x2c: {  	s7 =	sld [smem:$0x3F7A]  }
0x2d: {  	s3 =	simm.s32 $0x108;
	s8 =	sld [smem:$0x3F7B]  }
0x2e: {  	s3 =	simm.s32 @!p0 $0x1082;
	s9 =	sld [smem:$0x3F7C]  }
0x2f: {  	lr =	sadd.s32 s0, s3;
	s0 =	sld [smem:$0x3F73]  }
0x30: {  	s3 =	sld [smem:$0x3F76]  }
0x31: {  	[smem:$0x3F7F] =	sst s10  }
0x32: {  	s10 =	sld [smem:$0x3F7D];
	_ =	sdelay $0x3  }
0x33: {  	p0 =	seq.s32 s10, $0x1;
	s10 =	sld [smem:$0x3F7F];
	_ =	sdelay $0x3  }
0x34: {  	[smem:$0x3F7F] =	sst s10  }
0x35: {  	s10 =	sld [smem:$0x3F7E];
	_ =	sdelay $0x3  }
0x36: {  	p1 =	seq.s32 s10, $0x1;
	s10 =	sld [smem:$0x3F7F];
	_ =	sdelay $0x3  }
0x37: {  	[smem:$0x3F7F] =	sst s10  }
0x38: {  	s10 =	sld [smem:$0x3F80]  }
0x39: {  	_ = 	snop;
	(pc) =	sbr.ind lr, $3  }
0x3a: {  	_ = 	snop  }
0x3b: {  	_ = 	snop  }
0x3c: {  	p2 =	seq.s32 s10, $0x1;
	s10 =	sld [smem:$0x3F7F]  }
0x3d: {  	_ =	shalt  }
0x3e: {  	_ =	shalt  }
0x3f: {  	_ =	shalt  }
0x40: {  	_ =	shalt  }
0x41: {  	_ =	shalt  }
0x42: {  	_ =	shalt  }
0x43: {  	_ =	shalt  }
0x44: {  	_ =	shalt  }
0x45: {  	_ =	shalt  }
0x46: {  	_ =	shalt  }
0x47: {  	_ =	shalt  }
0x48: {  	_ =	shalt  }
0x49: {  	_ =	shalt  }
0x4a: {  	_ =	shalt  }
0x4b: {  	_ =	shalt  }
0x4c: {  	_ =	shalt  }
0x4d: {  	_ =	shalt  }
0x4e: {  	_ =	shalt  }
0x4f: {  	_ =	shalt  }
0x50: {  	_ =	shalt  }
0x51: {  	_ =	shalt  }
0x52: {  	_ =	shalt  }
0x53: {  	_ =	shalt  }
0x54: {  	_ =	shalt  }
0x55: {  	_ =	shalt  }
0x56: {  	_ =	shalt  }
0x57: {  	_ =	shalt  }
0x58: {  	_ =	shalt  }
0x59: {  	_ =	shalt  }
0x5a: {  	_ =	shalt  }
0x5b: {  	_ =	shalt  }
0x5c: {  	_ =	shalt  }
0x5d: {  	_ =	shalt  }
0x5e: {  	_ =	shalt  }
0x5f: {  	_ =	shalt  }
0x60: {  	_ =	shalt  }
0x61: {  	_ =	shalt  }
0x62: {  	_ =	shalt  }
0x63: {  	_ =	shalt  }
0x64: {  	_ =	shalt  }
0x65: {  	_ =	shalt  }
0x66: {  	_ =	shalt  }
0x67: {  	_ =	shalt  }
0x68: {  	_ =	shalt  }
0x69: {  	_ =	shalt  }
0x6a: {  	_ =	shalt  }
0x6b: {  	_ =	shalt  }
0x6c: {  	_ =	shalt  }
0x6d: {  	_ =	shalt  }
0x6e: {  	_ =	shalt  }
0x6f: {  	_ =	shalt  }
0x70: {  	_ =	shalt  }
0x71: {  	_ =	shalt  }
0x72: {  	_ =	shalt  }
0x73: {  	_ =	shalt  }
0x74: {  	_ =	shalt  }
0x75: {  	_ =	shalt  }
0x76: {  	_ =	shalt  }
0x77: {  	_ =	shalt  }
0x78: {  	_ =	shalt  }
0x79: {  	_ =	shalt  }
0x7a: {  	_ =	shalt  }
0x7b: {  	_ =	shalt  }
0x7c: {  	_ =	shalt  }
0x7d: {  	_ =	shalt  }
0x7e: {  	_ =	shalt  }
0x7f: {  	_ =	shalt  }
0x80: {  	_ =	shalt  }
0x81: {  	_ =	shalt  }
0x82: {  	_ =	shalt  }
0x83: {  	_ =	shalt  }
0x84: {  	_ =	shalt  }
0x85: {  	_ =	shalt  }
0x86: {  	_ =	shalt  }
0x87: {  	_ =	shalt  }
.Lfunc_end0:
.L_simem_size_0:
called_computation.3_lowered:
.L_overlay_start_0:
0x88: {  	s2 =	sld [smem:$0x3FD9]  }
0x89: {  	s3 =	sld [smem:$0x3FFE];
	_ =	sdelay $0x1  }
0x8a: {  	s1 =	srdreg.scid  }
0x8b: {  	s0 =	sand.u32 $0x1, s1  }
0x8c: {  	s16 =	sshll.u32 s0, $0xA;
	s2 =	sadd.s32 s3, s2  }
0x8d: {  	s2 =	sadd.s32 s2, s16  }
0x8e: {  	[smem:$0x3F8B] =	sst s2  }
0x8f: {  	_ = 	snop  }
0x90: {  	(tm) =	ssettm $0x1  }
0x91: {  	s17 =	sld [smem:$0x3FFB];
	_ =	sdelay $0x3  }
0x92: {  	_ =	strace s17  }
0x93: {  	s2 =	sld [smem:$0x3FFC];
	_ =	sdelay $0x3  }
0x94: {  	_ =	strace s2  }
0x95: {  	s2 =	sld [smem:$0x3FFD];
	_ =	sdelay $0x3  }
0x96: {  	_ =	strace s2  }
0x97: {  	_ =	strace $0x8FFFFFFF  }
0x98: {  	s18 =	sld [smem:$0x3FDB];
	_ =	sdelay $0x1  }
0x99: {  	s19 =	simm.s32 $_scs_section_size  }
0x9a: {  	s4 =	simm.s32 $_size__tile_overlayer_lowered;
	s5 =	simm.s32 $_tile_overlayer_lowered  }
0x9b: {  	s22 =	simm.s32 $0x1BFF;
	s21 =	sshll.u32 s5, $0x1;
	s2 =	sadd.s32 s19, s18  }
0x9c: {  	s6 =	simm.s32 $0x0;
	s20 =	sshll.u32 s4, $0x1;
	s4 =	sadd.s32 s21, s2  }
0x9d: {  	[timem:s6], [sflag:s22] =	dma.local [hbm:s4], s20  }
0x9e: {  	_ =	swait.ge [sflag:s22], s20  }
0x9f: {  	s3 =	ssub.s32 $0x0, s20;
	[sflag:s22] =	ssyncset.done $0x0  }
0xa0: {  	[sflag:s22] =	ssyncadd.s32 s3;
	_ =	sdelay $0x1  }
0xa1: {  	s23 =	simm.s32 $0x1B8B  }
0xa2: {  	_ =	swait.ge [sflag:s23], $0x1  }
0xa3: {  	[sflag:s23] =	ssyncset.done $0x0  }
0xa4: {  	s25 =	simm.s32 $0x1B8E;
	s24 =	sld [smem:$0x3FFE];
	[sflag:s23] =	ssyncadd.s32 $0xFFFFFFFF  }
0xa5: {  	s26 =	simm.s32 $execute0_lowered;
	[smem:$0x3FD2] =	sst s25  }
0xa6: {  	s4 =	sshll.u32 s26, $0x1;
	_ =	strace $0x8000004F;
	[dreg:$0x1] =	wrdreg $0xFFFFFFFF  }
0xa7: {  	s28 =	simm.s32 $_size_execute0_lowered;
	s2 =	sadd.s32 s2, s4;
	[dreg:$0x0] =	wrdreg $0x0  }
0xa8: {  	s4 =	sshll.u32 s28, $0x1;
	[dreg:$0x2] =	wrdreg s2  }
0xa9: {  	[dreg:$0x3] =	wrdreg s4  }
0xaa: {  	[dreg:$0x4] =	wrdreg $0xC0  }
0xab: {  	_ =	task [dreg:s6], $0x5FFFF  }
0xac: {  	[dreg:$0x1] =	wrdreg $0xFFFFFFFF  }
0xad: {  	[dreg:$0x0] =	wrdreg $0x60  }
0xae: {  	[dreg:$0x2] =	wrdreg s24  }
0xaf: {  	[dreg:$0x3] =	wrdreg $0x8800  }
0xb0: {  	[dreg:$0x4] =	wrdreg $0x9  }
0xb1: {  	_ =	task.clear_ibuf [dreg:s6], $0x5FFFF;
	_ =	strace $0x9000004F  }
0xb2: {  	s29 =	simm.s32 $0x9;
	_ =	strace $0x80000051  }
0xb3: {  	_ =	swait.ge [sflag:s29], $0x1  }
0xb4: {  	[sflag:s29] =	ssyncadd.s32 $0xFFFFFFFF  }
0xb5: {  	_ =	strace $0x90000051  }
0xb6: {  	_ =	sfence  }
0xb7: {  	s30 =	sld [smem:$0x0];
	_ =	sdelay $0x2  }
0xb8: {  	s31 =	sshll.u32 s1, $0xD;
	s1 =	sshrl.u32 s1, $0x2  }
0xb9: {  	s3 =	sand.u32 $0x4000, s31;
	s1 =	sadd.s32 s1, s30  }
0xba: {  	s0 =	sor.u32 s3, s0;
	s1 =	sshll.u32 s1, $0x11  }
0xbb: {  	s0 =	sor.u32 s1, s0  }
0xbc: {  	s0 =	sadd.s32 $0x8F2B, s0  }
0xbd: {  	[sflag:s0] =	ssyncadd.remote.s32 $0x1  }
0xbe: {  	_ =	sfence.sel $0xFFFF  }
0xbf: {  	[dreg:$0x0] =	wrdreg $0xFFFFFFFF;
	(pc) =	sbr.abs _section_cstart, $3  }
0xc0: {  	[dreg:$0x1] =	wrdreg $0xFFFFFFFF  }
0xc1: {  	_ =	task.clear_ibuf [dreg:s6], $0x2FFFF;
	_ =	strace $0x9FFFFFFF  }
0xc2: {  	(tm) =	ssettm $0x7FFFFFFF  }
0xc3: {  	_ =	shalt  }
tec
execute0_lowered:
.L_overlay_start_1:
0x0: {  	(tag) =	ssettag $0x1  }
0x1: {  	s5 =	rddreg [dreg:$0x0]  }
0x2: {  	s2 =	rddreg [dreg:$0x1]  }
0x3: {  	s0 =	rddreg [dreg:$0x2];
	s3 =	simm.s32 $0x0;
	s1 =	stileid.u32  }
0x4: {  	s6 =	srdreg.scid;
	[smem:$0x7FF] =	sst s3  }
0x5: {  	s4 =	sshll.u32 s1, $0x8;
	s13 =	sadd.s32 $0x1DD0A00, s5;
	s10 =	smul.u32 $0xC350, s1  }
0x6: {  	s21 =	sshll.u32 s1, $0x4;
	s17 =	sand.u32 $0x1, s6;
	s8 =	smul.u32 $0x30D40, s1  }
0x7: {  	s9 =	sadd.s32 $0xF000, s5;
	s25 =	sshll.u32 s1, $0x6;
	s29 =	sshll.u32 s1, $0xD  }
0x8: {  	_ =	strace $0x80000050;
	s14 =	sadd.s32 s4, s5;
	s11 =	sadd.s32 s21, s5  }
0x9: {  	s4 =	sadd.s32 $0xD2600, s5;
	s7 =	ssub.s32 $0x2, s17;
	s16 =	sshll.u32 s17, $0x5  }
0xa: {  	s6 =	sor.u32 $0x1C01, s25;
	p0 =	sne.s32 s17, $0x0;
	s17 =	simm.s32 $0x8  }
0xb: {  	s22 =	sshrl.u32 s10, $0x3;
	s23 =	sshrl.u32 s7, $0x1;
	s24 =	sshrl.u32 s8, $0x2  }
0xc: {  	s26 =	sor.u32 s16, s8;
	s30 =	sor.u32 s16, s29;
	s19 =	sadd.s32 s10, s2  }
0xd: {  	s11 =	sadd.s32 $0x1DF200, s11;
	s14 =	sadd.s32 $0x2BB000, s14;
	s16 =	simm.s32 $0x1  }
0xe: {  	s12 =	sadd.s32 s22, s5;
	s15 =	ssub.s32 s7, s23;
	s5 =	sadd.s32 s24, s2  }
0xf: {  	s8 =	sshrl.u32 s26, $0x3;
	s18 =	sor.u32 $0x10, s26;
	s31 =	sor.u32 $0x10, s30  }
0x10: {  	s19 =	sshrl.u32 @!p0 s19, $0x3;
	s7 =	sadd.s32 s9, s8;
	s28 =	sshrl.u32 s18, $0x3  }
0x11: {  	s10 =	smax.u32 s15, $0x1;
	s15 =	sshrl.u32 s31, $0x3;
	s18 =	simm.s32 $0x2  }
0x12: {  	s8 =	sadd.s32 s9, s28;
	s9 =	sadd.s32 $0x70C00, s12;
	s12 =	sshrl.u32 s30, $0x3  }
0x13: {  	s12 =	sadd.s32 s12, s13;
	s13 =	sadd.s32 s15, s13;
	s15 =	sshrl.u32 s5, $0x3  }
.LBB2_1:
0x14: {  	[spmem:s15], [sflag:s6] =	dma.local [hbm:s4], $0x186A  }
0x15: {  	_ =	swait.ge [sflag:s16], $0x186A  }
0x16: {  	s20 =	sadd.s32 $0x0, s1;
	[sflag:s16] =	ssyncset.done $0x0  }
0x17: {  	p1 =	sgt.u32 s20, $0x1869;
	[sflag:s16] =	ssyncadd.s32 $0xFFFFE796  }
0x18: {  	s20 =	simm.s32 @!p1 $0x0;
	s22 =	simm.s32 @!p1 $0x2;
	[bflag:$0x0] =	sbarrier.arrive $0xFFFF  }
0x19: {  	[tilespmem:s20], [sflag:$0x2] =	stream.linear.gather @!p1 [hbm4b:s11+s20], $0x80, $0x38;
	[tilespmem:$0xCBD0] =	vst v63  }
0x1a: {  	_ =	swait.ge @!p1 [sflag:s22], $0x80  }
0x1b: {  	s24 =	simm.s32 @!p1 $0x80;
	[sflag:s22] =	ssyncset.done @!p1 $0x0  }
0x1c: {  	s21 =	simm.s32 @!p1 $0x10;
	s23 =	simm.s32 @!p1 $0x40;
	[sflag:s22] =	ssyncadd.s32 @!p1 $0xFFFFFF80  }
0x1d: {  	[tilespmem:s24], [sflag:$0x2] =	stream.strided.gather @!p1 [hbm4b:s12+s21], $0x800, s23, s21, $0x38;
	[tilespmem:$0xCBD0] =	vst v63  }
0x1e: {  	p2 =	por p1, p1;
	_ =	swait.ge @!p1 [sflag:s22], $0x800  }
0x1f: {  	[sflag:s22] =	ssyncset.done @!p2 $0x0  }
0x20: {  	s31 =	sadd.s32 $0x10, s1;
	s23 =	simm.s32 @!p2 $0x1;
	[sflag:s22] =	ssyncadd.s32 @!p2 $0xFFFFF800  }
0x21: {  	[spmem:s2] =	stream.indirect.scatter.add.f32 @!p2 [tilespmem:s24], [sflag:$0x1], $0x10, s20, s24, $0xb8;
	[tilespmem:$0xCBD0] =	vst v63  }
0x22: {  	s21 =	simm.s32 $0x20;
	p1 =	sgt.u32 s31, $0x1869;
	_ =	swait.ge @!p2 [sflag:s23], $0x800  }
0x23: {  	s22 =	sadd.s32 $0x100, s11;
	s20 =	sadd.s32 $0x4000, s12;
	[sflag:s23] =	ssyncset.done @!p2 $0x0  }
.LBB2_2:
0x24: {  	s24 =	simm.s32 @!p1 $0x0;
	s25 =	simm.s32 @!p1 $0x2;
	[sflag:s23] =	ssyncadd.s32 @!p2 $0xFFFFF800  }
0x25: {  	[tilespmem:s24], [sflag:$0x2] =	stream.linear.gather @!p1 [hbm4b:s22+s24], $0x80, $0x38;
	[tilespmem:$0xCBD0] =	vst v63  }
0x26: {  	s26 =	smov.u32 s21;
	s21 =	sadd.s32 $0x10, s21;
	_ =	swait.ge @!p1 [sflag:s25], $0x80  }
0x27: {  	s28 =	simm.s32 @!p1 $0x80;
	p3 =	sne.s32 s21, $0x1870;
	[sflag:s25] =	ssyncset.done @!p1 $0x0  }
0x28: {  	s23 =	simm.s32 @!p1 $0x10;
	s29 =	simm.s32 @!p1 $0x40;
	[sflag:s25] =	ssyncadd.s32 @!p1 $0xFFFFFF80  }
0x29: {  	[tilespmem:s28], [sflag:$0x2] =	stream.strided.gather @!p1 [hbm4b:s20+s23], $0x800, s29, s23, $0x38;
	[tilespmem:$0xCBD0] =	vst v63  }
0x2a: {  	p2 =	por p1, p1;
	_ =	swait.ge @!p1 [sflag:s25], $0x800  }
.Ltmp0:
0x2b: {  	[sflag:s25] =	ssyncset.done @!p2 $0x0;
	(pc) =	sbr.rel @p3 .LBB2_2-.Ltmp0, $4  }
0x2c: {  	s23 =	simm.s32 @!p2 $0x1;
	[sflag:s25] =	ssyncadd.s32 @!p2 $0xFFFFF800  }
0x2d: {  	[spmem:s2] =	stream.indirect.scatter.add.f32 @!p2 [tilespmem:s28], [sflag:$0x1], $0x10, s24, s28, $0xb8;
	[tilespmem:$0xCBD0] =	vst v63  }
0x2e: {  	s20 =	sadd.s32 $0x4000, s20;
	s24 =	sadd.s32 s26, s1;
	_ =	swait.ge @!p2 [sflag:s23], $0x800  }
0x2f: {  	s22 =	sadd.s32 $0x100, s22;
	p1 =	sgt.u32 s24, $0x1869;
	[sflag:s23] =	ssyncset.done @!p2 $0x0  }
0x30: {  	s21 =	simm.s32 @!p1 $0x0;
	s24 =	simm.s32 @!p1 $0x2;
	[sflag:s23] =	ssyncadd.s32 @!p2 $0xFFFFF800  }
0x31: {  	[tilespmem:s21], [sflag:$0x2] =	stream.linear.gather @!p1 [hbm4b:s22+s21], $0x80, $0x38;
	[tilespmem:$0xCBD0] =	vst v63  }
0x32: {  	_ =	swait.ge @!p1 [sflag:s24], $0x80  }
0x33: {  	s23 =	simm.s32 @!p1 $0x10;
	[sflag:s24] =	ssyncset.done @!p1 $0x0  }
0x34: {  	s25 =	simm.s32 @!p1 $0x40;
	s22 =	simm.s32 @!p1 $0x80;
	[sflag:s24] =	ssyncadd.s32 @!p1 $0xFFFFFF80  }
0x35: {  	[tilespmem:s22], [sflag:$0x2] =	stream.strided.gather @!p1 [hbm4b:s20+s23], $0x800, s25, s23, $0x38;
	[tilespmem:$0xCBD0] =	vst v63  }
0x36: {  	_ =	swait.ge @!p1 [sflag:s24], $0x800;
	p1 =	por p1, p1  }
0x37: {  	[sflag:s24] =	ssyncset.done @!p1 $0x0  }
0x38: {  	s20 =	simm.s32 @!p1 $0x1;
	[sflag:s24] =	ssyncadd.s32 @!p1 $0xFFFFF800  }
0x39: {  	[spmem:s2] =	stream.indirect.scatter.add.f32 @!p1 [tilespmem:s22], [sflag:$0x1], $0x10, s21, s22, $0xb8;
	[tilespmem:$0xCBD0] =	vst v63  }
0x3a: {  	_ =	swait.ge @!p1 [sflag:s20], $0x800  }
0x3b: {  	[sflag:s20] =	ssyncset.done @!p1 $0x0  }
0x3c: {  	[sflag:s20] =	ssyncadd.s32 @!p1 $0xFFFFF800  }
0x3d: {  	[bflag:$0x0] =	sbarrier.arrive $0xFFFF  }
0x3e: {  	[hbm:s7@s17], [sflag:s6] =	dma.strided [spmem:s15@s18], $0x186A, s16, $0x2   }
0x3f: {  	_ =	swait.ge [sflag:s16], $0x186A  }
0x40: {  	[sflag:s16] =	ssyncset.done $0x0  }
0x41: {  	[sflag:s16] =	ssyncadd.s32 $0xFFFFE796  }
0x42: {  	[spmem:s15], [sflag:s6] =	dma.local [hbm:s4], $0x186A  }
0x43: {  	_ =	swait.ge [sflag:s16], $0x186A  }
0x44: {  	s30 =	sadd.s32 $0x0, s1;
	[sflag:s16] =	ssyncset.done $0x0  }
0x45: {  	p1 =	sgt.u32 s30, $0x1869;
	[sflag:s16] =	ssyncadd.s32 $0xFFFFE796  }
0x46: {  	s20 =	simm.s32 @!p1 $0x0;
	s22 =	simm.s32 @!p1 $0x2;
	[bflag:$0x0] =	sbarrier.arrive $0xFFFF  }
0x47: {  	[tilespmem:s20], [sflag:$0x2] =	stream.linear.gather @!p1 [hbm4b:s11+s20], $0x80, $0x38;
	[tilespmem:$0xCBD0] =	vst v63  }
0x48: {  	_ =	swait.ge @!p1 [sflag:s22], $0x80  }
0x49: {  	s24 =	simm.s32 @!p1 $0x80;
	[sflag:s22] =	ssyncset.done @!p1 $0x0  }
0x4a: {  	s21 =	simm.s32 @!p1 $0x10;
	s23 =	simm.s32 @!p1 $0x40;
	[sflag:s22] =	ssyncadd.s32 @!p1 $0xFFFFFF80  }
0x4b: {  	[tilespmem:s24], [sflag:$0x2] =	stream.strided.gather @!p1 [hbm4b:s13+s21], $0x800, s23, s21, $0x38;
	[tilespmem:$0xCBD0] =	vst v63  }
0x4c: {  	p2 =	por p1, p1;
	_ =	swait.ge @!p1 [sflag:s22], $0x800  }
0x4d: {  	[sflag:s22] =	ssyncset.done @!p2 $0x0  }
0x4e: {  	s31 =	sadd.s32 $0x10, s1;
	s23 =	simm.s32 @!p2 $0x1;
	[sflag:s22] =	ssyncadd.s32 @!p2 $0xFFFFF800  }
0x4f: {  	[spmem:s2] =	stream.indirect.scatter.add.f32 @!p2 [tilespmem:s24], [sflag:$0x1], $0x10, s20, s24, $0xb8;
	[tilespmem:$0xCBD0] =	vst v63  }
0x50: {  	s21 =	simm.s32 $0x20;
	p1 =	sgt.u32 s31, $0x1869;
	_ =	swait.ge @!p2 [sflag:s23], $0x800  }
0x51: {  	s22 =	sadd.s32 $0x100, s11;
	s20 =	sadd.s32 $0x4000, s13;
	[sflag:s23] =	ssyncset.done @!p2 $0x0  }
.LBB2_4:
0x52: {  	s24 =	simm.s32 @!p1 $0x0;
	s25 =	simm.s32 @!p1 $0x2;
	[sflag:s23] =	ssyncadd.s32 @!p2 $0xFFFFF800  }
0x53: {  	[tilespmem:s24], [sflag:$0x2] =	stream.linear.gather @!p1 [hbm4b:s22+s24], $0x80, $0x38;
	[tilespmem:$0xCBD0] =	vst v63  }
0x54: {  	s26 =	smov.u32 s21;
	s21 =	sadd.s32 $0x10, s21;
	_ =	swait.ge @!p1 [sflag:s25], $0x80  }
0x55: {  	s28 =	simm.s32 @!p1 $0x80;
	p3 =	sne.s32 s21, $0x1870;
	[sflag:s25] =	ssyncset.done @!p1 $0x0  }
0x56: {  	s23 =	simm.s32 @!p1 $0x10;
	s29 =	simm.s32 @!p1 $0x40;
	[sflag:s25] =	ssyncadd.s32 @!p1 $0xFFFFFF80  }
0x57: {  	[tilespmem:s28], [sflag:$0x2] =	stream.strided.gather @!p1 [hbm4b:s20+s23], $0x800, s29, s23, $0x38;
	[tilespmem:$0xCBD0] =	vst v63  }
0x58: {  	p2 =	por p1, p1;
	_ =	swait.ge @!p1 [sflag:s25], $0x800  }
.Ltmp1:
0x59: {  	[sflag:s25] =	ssyncset.done @!p2 $0x0;
	(pc) =	sbr.rel @p3 .LBB2_4-.Ltmp1, $4  }
0x5a: {  	s23 =	simm.s32 @!p2 $0x1;
	[sflag:s25] =	ssyncadd.s32 @!p2 $0xFFFFF800  }
0x5b: {  	[spmem:s2] =	stream.indirect.scatter.add.f32 @!p2 [tilespmem:s28], [sflag:$0x1], $0x10, s24, s28, $0xb8;
	[tilespmem:$0xCBD0] =	vst v63  }
0x5c: {  	s20 =	sadd.s32 $0x4000, s20;
	s24 =	sadd.s32 s26, s1;
	_ =	swait.ge @!p2 [sflag:s23], $0x800  }
0x5d: {  	s22 =	sadd.s32 $0x100, s22;
	p1 =	sgt.u32 s24, $0x1869;
	[sflag:s23] =	ssyncset.done @!p2 $0x0  }
0x5e: {  	s21 =	simm.s32 @!p1 $0x0;
	s24 =	simm.s32 @!p1 $0x2;
	[sflag:s23] =	ssyncadd.s32 @!p2 $0xFFFFF800  }
0x5f: {  	[tilespmem:s21], [sflag:$0x2] =	stream.linear.gather @!p1 [hbm4b:s22+s21], $0x80, $0x38;
	[tilespmem:$0xCBD0] =	vst v63  }
0x60: {  	_ =	swait.ge @!p1 [sflag:s24], $0x80  }
0x61: {  	s23 =	simm.s32 @!p1 $0x10;
	[sflag:s24] =	ssyncset.done @!p1 $0x0  }
0x62: {  	s25 =	simm.s32 @!p1 $0x40;
	s22 =	simm.s32 @!p1 $0x80;
	[sflag:s24] =	ssyncadd.s32 @!p1 $0xFFFFFF80  }
0x63: {  	[tilespmem:s22], [sflag:$0x2] =	stream.strided.gather @!p1 [hbm4b:s20+s23], $0x800, s25, s23, $0x38;
	[tilespmem:$0xCBD0] =	vst v63  }
0x64: {  	_ =	swait.ge @!p1 [sflag:s24], $0x800;
	p1 =	por p1, p1  }
0x65: {  	[sflag:s24] =	ssyncset.done @!p1 $0x0  }
0x66: {  	s20 =	simm.s32 @!p1 $0x1;
	[sflag:s24] =	ssyncadd.s32 @!p1 $0xFFFFF800  }
0x67: {  	[spmem:s2] =	stream.indirect.scatter.add.f32 @!p1 [tilespmem:s22], [sflag:$0x1], $0x10, s21, s22, $0xb8;
	[tilespmem:$0xCBD0] =	vst v63  }
0x68: {  	_ =	swait.ge @!p1 [sflag:s20], $0x800  }
0x69: {  	[sflag:s20] =	ssyncset.done @!p1 $0x0  }
0x6a: {  	[sflag:s20] =	ssyncadd.s32 @!p1 $0xFFFFF800  }
0x6b: {  	[bflag:$0x0] =	sbarrier.arrive $0xFFFF  }
0x6c: {  	[hbm:s8@s17], [sflag:s6] =	dma.strided [spmem:s15@s18], $0x186A, s16, $0x2   }
0x6d: {  	_ =	swait.ge [sflag:s16], $0x186A  }
0x6e: {  	[sflag:s16] =	ssyncset.done $0x0  }
0x6f: {  	s20 =	sshrl.u32 @!p0 s5, $0x3;
	[sflag:s16] =	ssyncadd.s32 $0xFFFFE796  }
0x70: {  	[spmem:s20], [sflag:s6] =	dma.local @!p0 [hbm:s4], $0x186A  }
0x71: {  	s20 =	simm.s32 @!p0 $0x1  }
0x72: {  	s21 =	sadd.s32 $0x0, s1;
	_ =	swait.ge @!p0 [sflag:s20], $0x186A  }
0x73: {  	p1 =	sgt.u32 @!p0 s21, $0x1869;
	[sflag:s20] =	ssyncset.done @!p0 $0x0  }
0x74: {  	p1 =	por p1, p0;
	[sflag:s20] =	ssyncadd.s32 @!p0 $0xFFFFE796  }
0x75: {  	s22 =	simm.s32 @!p1 $0x2;
	s20 =	simm.s32 @!p1 $0x0;
	[bflag:$0x0] =	sbarrier.arrive $0xFFFF  }
0x76: {  	[tilespmem:s20], [sflag:$0x2] =	stream.linear.gather @!p1 [hbm4b:s11+s20], $0x80, $0x38;
	[tilespmem:$0xCBD0] =	vst v63  }
0x77: {  	_ =	swait.ge @!p1 [sflag:s22], $0x80  }
0x78: {  	[sflag:s22] =	ssyncset.done @!p1 $0x0;
	p1 =	por p1, p1  }
0x79: {  	[sflag:s22] =	ssyncadd.s32 @!p1 $0xFFFFFF80;
	s24 =	simm.s32 @!p1 $0x80  }
0x7a: {  	[tilespmem:s24], [sflag:$0x2] =	stream.linear.gather @!p1 [hbm4b:s14+s20], $0x800, $0x38;
	[tilespmem:$0xCBD0] =	vst v63  }
0x7b: {  	_ =	swait.ge @!p1 [sflag:s22], $0x800  }
0x7c: {  	s25 =	sadd.s32 $0x10, s1;
	[sflag:s22] =	ssyncset.done @!p1 $0x0  }
0x7d: {  	p2 =	sgt.u32 @!p0 s25, $0x1869;
	s23 =	simm.s32 @!p1 $0x1;
	[sflag:s22] =	ssyncadd.s32 @!p1 $0xFFFFF800  }
0x7e: {  	[spmem:s2] =	stream.indirect.scatter.add.f32 @!p1 [tilespmem:s24], [sflag:$0x1], $0x10, s20, s24, $0xb8;
	[tilespmem:$0xCBD0] =	vst v63  }
0x7f: {  	p2 =	por p2, p0;
	s21 =	simm.s32 $0x20;
	_ =	swait.ge @!p1 [sflag:s23], $0x800  }
0x80: {  	s22 =	sadd.s32 $0x100, s11;
	s20 =	sadd.s32 $0x1000, s14;
	[sflag:s23] =	ssyncset.done @!p1 $0x0  }
.LBB2_6:
0x81: {  	s24 =	simm.s32 @!p2 $0x0;
	s25 =	simm.s32 @!p2 $0x2;
	[sflag:s23] =	ssyncadd.s32 @!p1 $0xFFFFF800  }
0x82: {  	[tilespmem:s24], [sflag:$0x2] =	stream.linear.gather @!p2 [hbm4b:s22+s24], $0x80, $0x38;
	[tilespmem:$0xCBD0] =	vst v63  }
0x83: {  	s23 =	smov.u32 s21;
	s21 =	sadd.s32 $0x10, s21;
	_ =	swait.ge @!p2 [sflag:s25], $0x80  }
0x84: {  	p1 =	por p2, p2;
	p3 =	sne.s32 s21, $0x1870;
	[sflag:s25] =	ssyncset.done @!p2 $0x0  }
0x85: {  	s26 =	simm.s32 @!p1 $0x80;
	[sflag:s25] =	ssyncadd.s32 @!p1 $0xFFFFFF80  }
0x86: {  	[tilespmem:s26], [sflag:$0x2] =	stream.linear.gather @!p1 [hbm4b:s20+s24], $0x800, $0x38;
	[tilespmem:$0xCBD0] =	vst v63  }
0x87: {  	_ =	swait.ge @!p1 [sflag:s25], $0x800  }
.Ltmp2:
0x88: {  	[sflag:s25] =	ssyncset.done @!p1 $0x0;
	(pc) =	sbr.rel @p3 .LBB2_6-.Ltmp2, $4  }
0x89: {  	s28 =	sadd.s32 s23, s1;
	s23 =	simm.s32 @!p1 $0x1;
	[sflag:s25] =	ssyncadd.s32 @!p1 $0xFFFFF800  }
0x8a: {  	[spmem:s2] =	stream.indirect.scatter.add.f32 @!p1 [tilespmem:s26], [sflag:$0x1], $0x10, s24, s26, $0xb8;
	[tilespmem:$0xCBD0] =	vst v63  }
0x8b: {  	p2 =	sgt.u32 @!p0 s28, $0x1869;
	s20 =	sadd.s32 $0x1000, s20;
	_ =	swait.ge @!p1 [sflag:s23], $0x800  }
0x8c: {  	s22 =	sadd.s32 $0x100, s22;
	p2 =	por p2, p0;
	[sflag:s23] =	ssyncset.done @!p1 $0x0  }
0x8d: {  	s21 =	simm.s32 @!p2 $0x0;
	s24 =	simm.s32 @!p2 $0x2;
	[sflag:s23] =	ssyncadd.s32 @!p1 $0xFFFFF800  }
0x8e: {  	[tilespmem:s21], [sflag:$0x2] =	stream.linear.gather @!p2 [hbm4b:s22+s21], $0x80, $0x38;
	[tilespmem:$0xCBD0] =	vst v63  }
0x8f: {  	_ =	swait.ge @!p2 [sflag:s24], $0x80  }
0x90: {  	p1 =	por p2, p2;
	[sflag:s24] =	ssyncset.done @!p2 $0x0  }
0x91: {  	s22 =	simm.s32 @!p1 $0x80;
	[sflag:s24] =	ssyncadd.s32 @!p1 $0xFFFFFF80  }
0x92: {  	[tilespmem:s22], [sflag:$0x2] =	stream.linear.gather @!p1 [hbm4b:s20+s21], $0x800, $0x38;
	[tilespmem:$0xCBD0] =	vst v63  }
0x93: {  	_ =	swait.ge @!p1 [sflag:s24], $0x800  }
0x94: {  	[sflag:s24] =	ssyncset.done @!p1 $0x0  }
0x95: {  	s20 =	simm.s32 @!p1 $0x1;
	[sflag:s24] =	ssyncadd.s32 @!p1 $0xFFFFF800  }
0x96: {  	[spmem:s2] =	stream.indirect.scatter.add.f32 @!p1 [tilespmem:s22], [sflag:$0x1], $0x10, s21, s22, $0xb8;
	[tilespmem:$0xCBD0] =	vst v63  }
0x97: {  	_ =	swait.ge @!p1 [sflag:s20], $0x800  }
0x98: {  	s3 =	sadd.s32 $0x1, s3;
	[sflag:s20] =	ssyncset.done @!p1 $0x0  }
0x99: {  	[sflag:s20] =	ssyncadd.s32 @!p1 $0xFFFFF800;
	p1 =	sne.s32 s3, s10  }
.Ltmp3:
0x9a: {  	s20 =	simm.s32 @!p0 $0x1;
	[bflag:$0x0] =	sbarrier.arrive $0xFFFF;
	(pc) =	sbr.rel @p1 .LBB2_1-.Ltmp3, $4  }
0x9b: {  	[hbm:s9], [sflag:s6] =	dma.local @!p0 [spmem:s19], $0x186A  }
0x9c: {  	_ =	swait.ge @!p0 [sflag:s20], $0x186A  }
0x9d: {  	[sflag:s20] =	ssyncset.done @!p0 $0x0  }
0x9e: {  	[sflag:s20] =	ssyncadd.s32 @!p0 $0xFFFFE796  }
0x9f: {  	_ =	sfence.sel $0x180000  }
0xa0: {  	[bflag:$0x0] =	sbarrier.arrive $0xFFFF  }
0xa1: {  	p0 =	sne.s32 s1, $0x0;
	_ =	strace $0x90000050  }
0xa2: {  	s0 =	sadd.s32 @!p0 $0x100000, s0;
	[bflag:$0x2] =	sbarrier.arrive $0xFFFF  }
0xa3: {  	[sflag:s0] =	ssyncadd.tile.s32 @!p0 $0x1;
	_ =	shalt  }
.Lfunc_end2:
_tile_overlayer_lowered:
.L_overlay_start_2:
0xa4: {  	(tag) =	ssettag $0x2  }
0xa5: {  	s0 =	rddreg [dreg:$0x0];
	s2 =	stileid.u32  }
0xa6: {  	s1 =	rddreg [dreg:$0x1];
	p0 =	sne.s32 s2, $0x0  }
0xa7: {  	s3 =	rddreg [dreg:$0x2];
	[bflag:$0x3] =	sbarrier.arrive $0xFFFF;
	s2 =	simm.s32 @!p0 $0x1C01  }
0xa8: {  	[timem:s3], [sflag:s2] =	dma.local @!p0 [hbm:s0], s1  }
0xa9: {  	s0 =	simm.s32 @!p0 $0x1  }
0xaa: {  	_ =	swait.ge @!p0 [sflag:s0], s1  }
0xab: {  	s1 =	ssub.s32 @!p0 $0x0, s1;
	[sflag:s0] =	ssyncset.done @!p0 $0x0  }
0xac: {  	[sflag:s0] =	ssyncadd.s32 @!p0 s1  }
0xad: {  	[bflag:$0x3] =	sbarrier.arrive $0xFFFF  }
0xae: {  	_ =	shalt  }

</sc_bundles>
